<compile_context>
chip_gen: v7x
topology: tpu7x:2x2x1
jax: 0.10.2.dev20260603
libtpu: 0.0.44.dev20260713+nightly
codegen_flags: <defaults>
</compile_context>

<pallas_src>
import math

import jax
import jax.numpy as jnp
from jax.experimental import pallas as pl
from jax.experimental.pallas import tpu as pltpu

_INTERPRET = False

SCORE_THR = 0.3
IOU_THR = 0.01
PRE = 1000
PREP = 1024
POST = 100
TWO_PI = 2.0 * math.pi
TI = 16
TJ = 256
_R = TJ // TI

_N_PAIR_TILES = (_R * (PREP // TJ) * (PREP // TJ + 1)) // 2


def _pair_tile_ij(t):
    tf = (1.0 + (8 * t).astype(jnp.float32) / _R).astype(jnp.float32)
    j = jnp.floor((jnp.sqrt(tf) - 1.0) * 0.5).astype(jnp.int32)
    i = t - (_R * j * (j + 1)) // 2
    return i, j


def _mask_kernel(x_ref, o_ref):
    s = jax.nn.sigmoid(x_ref[...])
    o_ref[...] = jnp.where(s > SCORE_THR, s, -jnp.inf)


def _decode_kernel(cand_ref, sc_ref, outbox_ref, corn_ref):
    c = cand_ref[0]
    sc = sc_ref[0]
    col = lambda a, i: jax.lax.slice_in_dim(a, i, i + 1, axis=1)
    xt, yt, zt, wt, lt, ht, rt = (col(c, i) for i in range(7))
    xa, ya, za, wa, la, ha, ra = (col(c, 7 + i) for i in range(7))
    d0, d1 = col(c, 14), col(c, 15)
    za = za + ha * 0.5
    diag = jnp.sqrt(la * la + wa * wa)
    xg = xt * diag + xa
    yg = yt * diag + ya
    zg = zt * ha + za
    lg = jnp.exp(lt) * la
    wg = jnp.exp(wt) * wa
    hg = jnp.exp(ht) * ha
    rg = rt + ra
    zg = zg - hg * 0.5
    dirlab = (d1 > d0).astype(jnp.float32)
    ang = rg - jnp.floor(rg / TWO_PI + 1.0) * TWO_PI + TWO_PI * dirlab
    score = jnp.where(sc > SCORE_THR, sc, 0.0)
    outbox_ref[0] = jnp.concatenate([xg, yg, zg, wg, lg, hg, ang, score], axis=1)
    ca, sa = jnp.cos(rg), jnp.sin(rg)
    hw, hl = wg * 0.5, lg * 0.5
    dxs = (-hw, hw, hw, -hw)
    dys = (-hl, -hl, hl, hl)
    cols = [ca * dxs[k] - sa * dys[k] + xg for k in range(4)]
    cols += [sa * dxs[k] + ca * dys[k] + yg for k in range(4)]
    cols.append(jnp.abs(wg * lg))
    z = jnp.zeros_like(xg)
    cols += [z] * 7
    corn_ref[0] = jnp.concatenate(cols, axis=1)


def _overlap_kernel(ci_ref, cj_ref, ov_ref):
    ci = ci_ref[0]
    cj = cj_ref[0]
    colT = lambda a, i: jax.lax.slice_in_dim(a, i, i + 1, axis=1)
    row = lambda a, i: jax.lax.slice_in_dim(a, i, i + 1, axis=0)
    px = [jnp.broadcast_to(colT(ci, k), (TI, TJ)) for k in range(4)]
    py = [jnp.broadcast_to(colT(ci, 4 + k), (TI, TJ)) for k in range(4)]
    area_i = colT(ci, 8)
    cxj = [row(cj, k) for k in range(4)]
    cyj = [row(cj, 4 + k) for k in range(4)]
    area_j = row(cj, 8)
    cnt = jnp.full((TI, TJ), 4, jnp.int32)
    for e in range(4):
        ax, ay = cxj[e], cyj[e]
        ex = cxj[(e + 1) % 4] - ax
        ey = cyj[(e + 1) % 4] - ay
        s_in = 4 + e
        s_out = 5 + e
        cp = [ex * (py[s] - ay) - ey * (px[s] - ax) for s in range(s_in)]
        nx = [jnp.zeros((TI, TJ), jnp.float32) for _ in range(s_out)]
        ny = [jnp.zeros((TI, TJ), jnp.float32) for _ in range(s_out)]
        off = jnp.zeros((TI, TJ), jnp.int32)
        for s in range(s_in):
            if e == 0:
                nid = (s + 1) % 4
                qx, qy, cq = px[nid], py[nid], cp[nid]
            elif s == s_in - 1:
                qx, qy, cq = px[0], py[0], cp[0]
            else:
                wrap = cnt == (s + 1)
                qx = jnp.where(wrap, px[0], px[s + 1])
                qy = jnp.where(wrap, py[0], py[s + 1])
                cq = jnp.where(wrap, cp[0], cp[s + 1])
            ge_p = cp[s] >= 0
            ge_q = cq >= 0
            if e == 0:
                keep = ge_p
                cross = ge_p != ge_q
            else:
                vs = cnt > s
                keep = vs & ge_p
                cross = vs & (ge_p != ge_q)
            denom = jnp.where(cross, cp[s] - cq, 1.0)
            t = cp[s] / denom
            ix = px[s] + t * (qx - px[s])
            iy = py[s] + t * (qy - py[s])
            for o in range(min(2 * s + 1, s_out)):
                c1 = keep & (off == o)
                nx[o] = jnp.where(c1, px[s], nx[o])
                ny[o] = jnp.where(c1, py[s], ny[o])
            off1 = off + keep.astype(jnp.int32)
            for o in range(min(2 * s + 2, s_out)):
                c2 = cross & (off1 == o)
                nx[o] = jnp.where(c2, ix, nx[o])
                ny[o] = jnp.where(c2, iy, ny[o])
            off = off1 + cross.astype(jnp.int32)
        px, py, cnt = nx, ny, off
    acc = jnp.zeros((TI, TJ), jnp.float32)
    for s in range(8):
        vs = cnt > s
        if s == 7:
            qx, qy = px[0], py[0]
        else:
            wrap = cnt == (s + 1)
            qx = jnp.where(wrap, px[0], px[s + 1])
            qy = jnp.where(wrap, py[0], py[s + 1])
        acc = acc + jnp.where(vs, px[s] * qy - qx * py[s], 0.0)
    inter = jnp.abs(acc) * 0.5
    union = area_i + area_j - inter
    ov = (union > 0) & (inter > IOU_THR * union)
    ov_ref[0] = ov.astype(jnp.float32)


def _nms_kernel(ov_ref, box_ref, sc_ref, sel_ref, cnt_ref):
    nb = sc_ref.shape[0]
    srow = sc_ref[...]
    lane = jax.lax.broadcasted_iota(jnp.int32, (nb, 1, PREP), 2)
    supp0 = (srow <= SCORE_THR).astype(jnp.float32)

    def body(i, supp):
        onehot = (lane == i).astype(jnp.float32)
        si = jnp.sum(supp * onehot, axis=(1, 2), keepdims=True)
        rowi = ov_ref[:, pl.ds(i, 1), :]
        cand = jnp.maximum(supp, jnp.where(lane > i, rowi, 0.0))
        return jnp.where(si == 0.0, cand, supp)

    supp = jax.lax.fori_loop(0, PRE, body, supp0)
    kept3 = 1.0 - supp
    li = jax.lax.broadcasted_iota(jnp.int32, (PREP, PREP), 0)
    lj = jax.lax.broadcasted_iota(jnp.int32, (PREP, PREP), 1)
    tri = (li <= lj).astype(jnp.float32)
    rows = jax.lax.broadcasted_iota(jnp.int32, (128, PREP), 0)
    for b in range(nb):
        kept = kept3[b]
        pos_incl = jnp.dot(kept, tri, preferred_element_type=jnp.float32)
        pos = (pos_incl - kept).astype(jnp.int32)
        sel_m = ((rows == jnp.broadcast_to(pos, (128, PREP)))
                 & (jnp.broadcast_to(kept, (128, PREP)) > 0)).astype(jnp.float32)
        sel_ref[b] = jnp.dot(sel_m, box_ref[b], preferred_element_type=jnp.float32)
        k = jnp.minimum(jnp.sum(kept), float(POST))
        cnt_ref[b] = jnp.reshape(k.astype(jnp.int32), (1, 1))


def kernel(anchors, box_preds, cls_preds, dir_cls_preds):
    B, N = cls_preds.shape[0], cls_preds.shape[1]
    NP = 20480
    logits = cls_preds[..., 0]
    lp = jnp.pad(logits, ((0, 0), (0, NP - N)), constant_values=-1e9)
    masked = pl.pallas_call(
        _mask_kernel,
        out_shape=jax.ShapeDtypeStruct((B * NP // 128, 128), jnp.float32),
        interpret=_INTERPRET,
    )(lp.reshape(B * NP // 128, 128))
    masked = masked.reshape(B, NP)
    top_vals, top_idx = jax.lax.top_k(masked, PRE)
    cand = jnp.concatenate([box_preds, anchors, dir_cls_preds], axis=-1)
    g = jnp.take_along_axis(cand, top_idx[..., None], axis=1)
    g = jnp.pad(g, ((0, 0), (0, PREP - PRE), (0, 0)))
    sc = jnp.pad(top_vals, ((0, 0), (0, PREP - PRE)), constant_values=-jnp.inf)

    outbox, cornT = pl.pallas_call(
        _decode_kernel,
        grid=(B,),
        in_specs=[pl.BlockSpec((1, PREP, 16), lambda b: (b, 0, 0)),
                  pl.BlockSpec((1, PREP, 1), lambda b: (b, 0, 0))],
        out_specs=[pl.BlockSpec((1, PREP, 8), lambda b: (b, 0, 0)),
                   pl.BlockSpec((1, PREP, 16), lambda b: (b, 0, 0))],
        out_shape=[jax.ShapeDtypeStruct((B, PREP, 8), jnp.float32),
                   jax.ShapeDtypeStruct((B, PREP, 16), jnp.float32)],
        interpret=_INTERPRET,
    )(g, sc[..., None])
    corn_by = jnp.swapaxes(cornT, 1, 2)

    ovm = pl.pallas_call(
        _overlap_kernel,
        grid=(B, _N_PAIR_TILES),
        in_specs=[pl.BlockSpec((1, TI, 16), lambda b, t: (b, _pair_tile_ij(t)[0], 0)),
                  pl.BlockSpec((1, 16, TJ), lambda b, t: (b, 0, _pair_tile_ij(t)[1])),],
        out_specs=pl.BlockSpec((1, TI, TJ),
                               lambda b, t: (b,) + _pair_tile_ij(t)),
        out_shape=jax.ShapeDtypeStruct((B, PREP, PREP), jnp.float32),
        compiler_params=pltpu.CompilerParams(
            dimension_semantics=("parallel", "parallel")),
        interpret=_INTERPRET,
    )(cornT, corn_by)

    sel, cnt = pl.pallas_call(
        _nms_kernel,
        out_shape=[jax.ShapeDtypeStruct((B, 128, 8), jnp.float32),
                   jax.ShapeDtypeStruct((B, 1, 1), jnp.int32)],
        interpret=_INTERPRET,
    )(ovm, outbox, sc[:, None, :])

    boxes = sel[:, :POST, :7]
    scores = sel[:, :POST, 7]
    labels = jnp.zeros((B, POST), jnp.int32)
    counts = cnt.reshape(B)
    return boxes, scores, labels, counts

# --- scband reference (transcript-rebuilt; emitter-appended) ---
"""Pipeline reference for scband-detection-network-13134009991803 (READ-ONLY COPY).

The authoritative reference and input builder live on the scoring server;
editing this copy changes nothing except your own understanding.
"""

import jax, jax.numpy as jnp
import numpy as np

NUM_DIR_BINS = 1  # num_direction_bins=True in original -> numeric 1
DIR_OFFSET = 0.0
DIR_LIMIT_OFFSET = 1.0
SCORE_THR = 0.3
PRE_MAX = 1000
POST_MAX = 100
IOU_THR = 0.01


def decode_boxes(box_encodings, anchors):
    xa, ya, za, wa, la, ha, ra = jnp.split(anchors, 7, axis=-1)
    xt, yt, zt, wt, lt, ht, rt = jnp.split(box_encodings, 7, axis=-1)
    za = za + ha / 2.0
    diagonal = jnp.sqrt(la ** 2 + wa ** 2)
    xg = xt * diagonal + xa
    yg = yt * diagonal + ya
    zg = zt * ha + za
    lg = jnp.exp(lt) * la
    wg = jnp.exp(wt) * wa
    hg = jnp.exp(ht) * ha
    rg = rt + ra
    zg = zg - hg / 2.0
    return jnp.concatenate([xg, yg, zg, wg, lg, hg, rg], axis=-1)


def limit_period(val, offset, period):
    return val - jnp.floor(val / period + offset) * period


def _box_corners(boxes):
    # boxes: [N,5] (x, y, w, l, angle) -> [N,4,2] CCW corners
    x, y, w, l, a = boxes[:, 0], boxes[:, 1], boxes[:, 2], boxes[:, 3], boxes[:, 4]
    dx = np.stack([-w / 2, w / 2, w / 2, -w / 2], axis=-1)
    dy = np.stack([-l / 2, -l / 2, l / 2, l / 2], axis=-1)
    c, s = np.cos(a)[:, None], np.sin(a)[:, None]
    cx = c * dx - s * dy + x[:, None]
    cy = s * dx + c * dy + y[:, None]
    return np.stack([cx, cy], axis=-1)


def _intersection_area(c1, c2):
    # Sutherland-Hodgman clip of convex quad c1 by convex quad c2 (both CCW)
    poly = [(float(p[0]), float(p[1])) for p in c1]
    for i in range(4):
        ax, ay = c2[i]
        bx, by = c2[(i + 1) % 4]
        ex, ey = bx - ax, by - ay
        n = len(poly)
        if n == 0:
            return 0.0
        new_poly = []
        for j in range(n):
            px, py = poly[j]
            qx, qy = poly[(j + 1) % n]
            cp = ex * (py - ay) - ey * (px - ax)
            cq = ex * (qy - ay) - ey * (qx - ax)
            if cp >= 0:
                new_poly.append((px, py))
            if (cp >= 0) != (cq >= 0):
                t = cp / (cp - cq)
                new_poly.append((px + t * (qx - px), py + t * (qy - py)))
        poly = new_poly
    if len(poly) < 3:
        return 0.0
    area = 0.0
    for j in range(len(poly)):
        px, py = poly[j]
        qx, qy = poly[(j + 1) % len(poly)]
        area += px * qy - qx * py
    return abs(area) / 2.0


def rotate_nms(boxes, scores, pre_max_size, post_max_size, iou_threshold):
    boxes = np.asarray(boxes, dtype=np.float64)
    scores = np.asarray(scores, dtype=np.float64)
    order = np.argsort(-scores)[:pre_max_size]
    b = boxes[order]
    corners = _box_corners(b)
    areas = np.abs(b[:, 2] * b[:, 3])
    radii = 0.5 * np.sqrt(b[:, 2] ** 2 + b[:, 3] ** 2)
    centers = b[:, :2]
    n = b.shape[0]
    suppressed = np.zeros(n, dtype=bool)
    keep = []
    for i in range(n):
        if suppressed[i]:
            continue
        keep.append(i)
        rest = np.nonzero(~suppressed)[0]
        rest = rest[rest > i]
        if rest.size == 0:
            continue
        d = centers[rest] - centers[i]
        close = rest[(d * d).sum(1) <= (radii[rest] + radii[i]) ** 2]
        for j in close:
            inter = _intersection_area(corners[i], corners[j])
            union = areas[i] + areas[j] - inter
            if union > 0 and inter / union > iou_threshold:
                suppressed[j] = True
    keep = np.asarray(keep[:post_max_size], dtype=np.int64)
    return order[keep]


def _box_corners_jax(boxes):
    # boxes: [N,5] (x, y, w, l, angle) -> [N,4,2] CCW corners
    x, y, w, l, a = boxes[:, 0], boxes[:, 1], boxes[:, 2], boxes[:, 3], boxes[:, 4]
    dx = jnp.stack([-w / 2, w / 2, w / 2, -w / 2], axis=-1)
    dy = jnp.stack([-l / 2, -l / 2, l / 2, l / 2], axis=-1)
    c, s = jnp.cos(a)[:, None], jnp.sin(a)[:, None]
    cx = c * dx - s * dy + x[:, None]
    cy = s * dx + c * dy + y[:, None]
    return jnp.stack([cx, cy], axis=-1)


def _clip_by_edge(pts, cnt, a, e):
    # clip polygon stored in fixed 8-slot buffer (pts [8,2], cnt valid) by line (a, a+e)
    cps = e[0] * (pts[:, 1] - a[1]) - e[1] * (pts[:, 0] - a[0])

    def body(carry, j):
        out, ocnt = carry
        valid = j < cnt
        nxt = jnp.where(j + 1 == cnt, 0, j + 1)
        p = pts[j]
        q = pts[nxt]
        cp = cps[j]
        cq = cps[nxt]
        keep_p = valid & (cp >= 0)
        out = out.at[ocnt].set(jnp.where(keep_p, p, out[ocnt]))
        ocnt = ocnt + keep_p.astype(jnp.int32)
        crossing = valid & ((cp >= 0) != (cq >= 0))
        denom = jnp.where(crossing, cp - cq, jnp.ones((), cp.dtype))
        t = cp / denom
        ipt = p + t * (q - p)
        out = out.at[ocnt].set(jnp.where(crossing, ipt, out[ocnt]))
        ocnt = ocnt + crossing.astype(jnp.int32)
        return (out, ocnt), None

    init = (jnp.zeros((8, 2), pts.dtype), jnp.zeros((), jnp.int32))
    (out, ocnt), _ = jax.lax.scan(body, init, jnp.arange(8))
    return out, ocnt


def _intersection_area_jax(c1, c2):
    # Sutherland-Hodgman clip of convex quad c1 by convex quad c2 (both CCW)
    pts = jnp.zeros((8, 2), c1.dtype).at[:4].set(c1)
    cnt = jnp.full((), 4, jnp.int32)
    for i in range(4):
        a = c2[i]
        e = c2[(i + 1) % 4] - a
        pts, cnt = _clip_by_edge(pts, cnt, a, e)
    j = jnp.arange(8)
    nxt = jnp.where(j + 1 == cnt, 0, j + 1)
    q = pts[nxt]
    terms = pts[:, 0] * q[:, 1] - q[:, 0] * pts[:, 1]
    area = jnp.sum(jnp.where(j < cnt, terms, jnp.zeros((), pts.dtype)))
    return jnp.where(cnt >= 3, jnp.abs(area) / 2.0, jnp.zeros((), pts.dtype))


def _rotate_nms_kept_mask(boxes, valid, iou_threshold):
    # boxes: [P,5] score-descending candidates, valid: [P] bool -> kept mask [P]
    corners = _box_corners_jax(boxes)
    areas = jnp.abs(boxes[:, 2] * boxes[:, 3])
    inter = jax.vmap(lambda ci: jax.vmap(lambda cj: _intersection_area_jax(ci, cj))(corners))(corners)
    union = areas[:, None] + areas[None, :] - inter
    iou = inter / jnp.where(union > 0, union, jnp.ones((), union.dtype))
    overlap = (union > 0) & (iou > iou_threshold)
    n = boxes.shape[0]
    idx = jnp.arange(n)

    def body(i, supp):
        keep_i = jnp.logical_not(supp[i])
        return supp | (keep_i & overlap[i] & (idx > i))

    supp = jax.lax.fori_loop(0, n, body, jnp.logical_not(valid))
    return jnp.logical_not(supp)


def setup_inputs(seed: int = 0):
    key = jax.random.key(seed)
    k1, k2, k3, k4 = jax.random.split(key, 4)
    B, N = 2, 20000
    anchors = jax.random.uniform(k1, (B, N, 7), dtype=jnp.float32)
    box_preds = jax.random.normal(k2, (B, N, 7), dtype=jnp.float32)
    cls_preds = jax.random.normal(k3, (B, N, 1), dtype=jnp.float32)
    dir_cls_preds = jax.random.normal(k4, (B, N, 2), dtype=jnp.float32)
    return {'anchors': anchors, 'box_preds': box_preds, 'cls_preds': cls_preds, 'dir_cls_preds': dir_cls_preds}


def reference(anchors, box_preds, cls_preds, dir_cls_preds):
    batch_size = anchors.shape[0]
    coder_size = anchors.shape[-1]
    batch_anchors = anchors.reshape(batch_size, -1, coder_size)
    batch_box_preds = box_preds.reshape(batch_size, -1, coder_size)
    batch_box_preds = decode_boxes(batch_box_preds, batch_anchors)
    batch_cls_preds = cls_preds.reshape(batch_size, -1, 1)
    batch_dir_preds = dir_cls_preds.reshape(batch_size, -1, NUM_DIR_BINS)
    out_boxes, out_scores, out_labels, out_counts = [], [], [], []
    for b in range(batch_size):
        bp = batch_box_preds[b].astype(jnp.float32)
        cp = batch_cls_preds[b].astype(jnp.float32)
        dp = batch_dir_preds[b].reshape(-1, 2)
        dir_labels = jnp.argmax(dp, axis=-1)
        total_scores = jax.nn.sigmoid(cp).reshape(-1, 1)
        top_scores = total_scores[:, 0]
        top_labels = jnp.zeros((total_scores.shape[0],), dtype=jnp.int32)
        valid = top_scores > SCORE_THR
        masked_scores = jnp.where(valid, top_scores, -jnp.inf)
        order = jnp.argsort(-masked_scores)[:PRE_MAX]
        cand_valid = valid[order]
        cand_boxes = bp[order]
        boxes_for_nms = cand_boxes[:, jnp.array([0, 1, 3, 4, 6])]
        kept = _rotate_nms_kept_mask(boxes_for_nms, cand_valid, IOU_THR)
        sel_slots = jnp.nonzero(kept, size=POST_MAX, fill_value=0)[0]
        k = jnp.minimum(jnp.sum(kept), POST_MAX).astype(jnp.int32)
        g = order[sel_slots]
        sel_boxes = bp[g]
        sel_dir = dir_labels[g]
        sel_labels = top_labels[g]
        sel_scores = top_scores[g]
        period = 2.0 * np.pi / NUM_DIR_BINS
        dir_rot = limit_period(sel_boxes[:, 6] - DIR_OFFSET, DIR_LIMIT_OFFSET, period)
        sel_boxes = sel_boxes.at[:, 6].set(dir_rot + DIR_OFFSET + period * sel_dir.astype(sel_boxes.dtype))
        slot_mask = jnp.arange(POST_MAX) < k
        pb = jnp.where(slot_mask[:, None], sel_boxes, jnp.zeros((), jnp.float32)).astype(jnp.float32)
        ps = jnp.where(slot_mask, sel_scores, jnp.zeros((), jnp.float32)).astype(jnp.float32)
        pl = jnp.where(slot_mask, sel_labels, jnp.zeros((), jnp.int32)).astype(jnp.int32)
        out_boxes.append(pb)
        out_scores.append(ps)
        out_labels.append(pl)
        out_counts.append(k)
    return (jnp.stack(out_boxes), jnp.stack(out_scores), jnp.stack(out_labels), jnp.stack(out_counts).astype(jnp.int32))

if __name__ == "__main__":
    import jax
    _d = setup_inputs()
    print(jax.jit(kernel)(*tuple(_d.values())))

</pallas_src>

<mosaic_0001>
module attributes {stable_mosaic.version = 14 : i64} {
  func.func @_mask_kernel(%arg0: memref<320x128xf32, #tpu.memory_space<vmem>>, %arg1: memref<320x128xf32, #tpu.memory_space<vmem>>) attributes {dimension_semantics = [], scalar_prefetch = 0 : i64, scratch_operands = 0 : i64, tpu.core_type = #tpu.core_type<tc>} {
    %get3A = arith.constant 0 : index
    %get3A_0 = arith.constant 0 : index
    %get3A_1 = vector.load %arg0[%get3A, %get3A_0] : memref<320x128xf32, #tpu.memory_space<vmem>>, vector<320x128xf32>
    %logistic3A = arith.negf %get3A_1 : vector<320x128xf32>
    %logistic3A_2 = math.exp %logistic3A : vector<320x128xf32>
    %logistic3A_3 = arith.constant 1.000000e+00 : f32
    %logistic3A_4 = vector.broadcast %logistic3A_3 : f32 to vector<320x128xf32>
    %logistic3A_5 = arith.addf %logistic3A_4, %logistic3A_2 : vector<320x128xf32>
    %logistic3A_6 = arith.divf %logistic3A_4, %logistic3A_5 : vector<320x128xf32>
    %gt3A = arith.constant 3.000000e-01 : f32
    %gt3A_7 = vector.broadcast %gt3A : f32 to vector<320x128xf32>
    %gt3A_8 = arith.cmpf ogt, %logistic3A_6, %gt3A_7 : vector<320x128xf32>
    %jit3A = arith.constant 0xFF800000 : f32
    %broadcast_in_dim3A = vector.broadcast %jit3A : f32 to vector<320x128xf32>
    %select_n3A = arith.select %gt3A_8, %logistic3A_6, %broadcast_in_dim3A : vector<320x128xi1>, vector<320x128xf32>
    %swap3A = arith.constant 0 : index
    %swap3A_9 = arith.constant 0 : index
    %swap3A_10 = vector.load %arg1[%swap3A, %swap3A_9] : memref<320x128xf32, #tpu.memory_space<vmem>>, vector<320x128xf32>
    tpu.vector_store %arg1[%swap3A, %swap3A_9], %select_n3A {strides = array<i32>} : memref<320x128xf32, #tpu.memory_space<vmem>>, vector<320x128xf32>,
    return
  }
}

module attributes {stable_mosaic.version = 14 : i64} {
  func.func @_decode_kernel(%arg0: i32, %arg1: memref<1x1024x16xf32, #tpu.memory_space<vmem>>, %arg2: memref<1x1024x1xf32, #tpu.memory_space<vmem>>, %arg3: memref<1x1024x8xf32, #tpu.memory_space<vmem>>, %arg4: memref<1x1024x16xf32, #tpu.memory_space<vmem>>) attributes {dimension_semantics = [#tpu.dimension_semantics<arbitrary>], iteration_bounds = array<i64: 2>, scalar_prefetch = 0 : i64, scratch_operands = 0 : i64, tpu.core_type = #tpu.core_type<tc>, window_params = [{transform_indices = @transform_0, window_bounds = array<i64: 1, 1024, 16>}, {transform_indices = @transform_1, window_bounds = array<i64: 1, 1024, 1>}, {transform_indices = @transform_2, window_bounds = array<i64: 1, 1024, 8>}, {transform_indices = @transform_3, window_bounds = array<i64: 1, 1024, 16>}]} {
    %get3A = arith.constant 0 : index
    %get3A_0 = arith.constant 0 : index
    %get3A_1 = arith.constant 0 : index
    %get3A_2 = vector.load %arg1[%get3A, %get3A_0, %get3A_1] : memref<1x1024x16xf32, #tpu.memory_space<vmem>>, vector<1x1024x16xf32>
    %get3A_3 = vector.shape_cast %get3A_2 : vector<1x1024x16xf32> to vector<1024x16xf32>
    %get3A_4 = arith.constant 0 : index
    %get3A_5 = arith.constant 0 : index
    %get3A_6 = arith.constant 0 : index
    %get3A_7 = vector.load %arg2[%get3A_4, %get3A_5, %get3A_6] : memref<1x1024x1xf32, #tpu.memory_space<vmem>>, vector<1x1024x1xf32>
    %get3A_8 = vector.shape_cast %get3A_7 : vector<1x1024x1xf32> to vector<1024x1xf32>
    %slice3A = vector.extract_strided_slice %get3A_3 {offsets = [0, 0], sizes = [1024, 1], strides = [1, 1]} : vector<1024x16xf32> to vector<1024x1xf32>
    %slice3A_9 = vector.extract_strided_slice %get3A_3 {offsets = [0, 1], sizes = [1024, 1], strides = [1, 1]} : vector<1024x16xf32> to vector<1024x1xf32>
    %slice3A_10 = vector.extract_strided_slice %get3A_3 {offsets = [0, 2], sizes = [1024, 1], strides = [1, 1]} : vector<1024x16xf32> to vector<1024x1xf32>
    %slice3A_11 = vector.extract_strided_slice %get3A_3 {offsets = [0, 3], sizes = [1024, 1], strides = [1, 1]} : vector<1024x16xf32> to vector<1024x1xf32>
    %slice3A_12 = vector.extract_strided_slice %get3A_3 {offsets = [0, 4], sizes = [1024, 1], strides = [1, 1]} : vector<1024x16xf32> to vector<1024x1xf32>
    %slice3A_13 = vector.extract_strided_slice %get3A_3 {offsets = [0, 5], sizes = [1024, 1], strides = [1, 1]} : vector<1024x16xf32> to vector<1024x1xf32>
    %slice3A_14 = vector.extract_strided_slice %get3A_3 {offsets = [0, 6], sizes = [1024, 1], strides = [1, 1]} : vector<1024x16xf32> to vector<1024x1xf32>
    %slice3A_15 = vector.extract_strided_slice %get3A_3 {offsets = [0, 7], sizes = [1024, 1], strides = [1, 1]} : vector<1024x16xf32> to vector<1024x1xf32>
    %slice3A_16 = vector.extract_strided_slice %get3A_3 {offsets = [0, 8], sizes = [1024, 1], strides = [1, 1]} : vector<1024x16xf32> to vector<1024x1xf32>
    %slice3A_17 = vector.extract_strided_slice %get3A_3 {offsets = [0, 9], sizes = [1024, 1], strides = [1, 1]} : vector<1024x16xf32> to vector<1024x1xf32>
    %slice3A_18 = vector.extract_strided_slice %get3A_3 {offsets = [0, 10], sizes = [1024, 1], strides = [1, 1]} : vector<1024x16xf32> to vector<1024x1xf32>
    %slice3A_19 = vector.extract_strided_slice %get3A_3 {offsets = [0, 11], sizes = [1024, 1], strides = [1, 1]} : vector<1024x16xf32> to vector<1024x1xf32>
    %slice3A_20 = vector.extract_strided_slice %get3A_3 {offsets = [0, 12], sizes = [1024, 1], strides = [1, 1]} : vector<1024x16xf32> to vector<1024x1xf32>
    %slice3A_21 = vector.extract_strided_slice %get3A_3 {offsets = [0, 13], sizes = [1024, 1], strides = [1, 1]} : vector<1024x16xf32> to vector<1024x1xf32>
    %slice3A_22 = vector.extract_strided_slice %get3A_3 {offsets = [0, 14], sizes = [1024, 1], strides = [1, 1]} : vector<1024x16xf32> to vector<1024x1xf32>
    %slice3A_23 = vector.extract_strided_slice %get3A_3 {offsets = [0, 15], sizes = [1024, 1], strides = [1, 1]} : vector<1024x16xf32> to vector<1024x1xf32>
    %mul3A = arith.constant 5.000000e-01 : f32
    %mul3A_24 = vector.broadcast %mul3A : f32 to vector<1024x1xf32>
    %mul3A_25 = arith.mulf %slice3A_20, %mul3A_24 : vector<1024x1xf32>
    %add3A = arith.addf %slice3A_17, %mul3A_25 : vector<1024x1xf32>
    %mul3A_26 = arith.mulf %slice3A_19, %slice3A_19 : vector<1024x1xf32>
    %mul3A_27 = arith.mulf %slice3A_18, %slice3A_18 : vector<1024x1xf32>
    %add3A_28 = arith.addf %mul3A_26, %mul3A_27 : vector<1024x1xf32>
    %sqrt3A = math.sqrt %add3A_28 : vector<1024x1xf32>
    %mul3A_29 = arith.mulf %slice3A, %sqrt3A : vector<1024x1xf32>
    %add3A_30 = arith.addf %mul3A_29, %slice3A_15 : vector<1024x1xf32>
    %mul3A_31 = arith.mulf %slice3A_9, %sqrt3A : vector<1024x1xf32>
    %add3A_32 = arith.addf %mul3A_31, %slice3A_16 : vector<1024x1xf32>
    %mul3A_33 = arith.mulf %slice3A_10, %slice3A_20 : vector<1024x1xf32>
    %add3A_34 = arith.addf %mul3A_33, %add3A : vector<1024x1xf32>
    %exp3A = math.exp %slice3A_12 : vector<1024x1xf32>
    %mul3A_35 = arith.mulf %exp3A, %slice3A_19 : vector<1024x1xf32>
    %exp3A_36 = math.exp %slice3A_11 : vector<1024x1xf32>
    %mul3A_37 = arith.mulf %exp3A_36, %slice3A_18 : vector<1024x1xf32>
    %exp3A_38 = math.exp %slice3A_13 : vector<1024x1xf32>
    %mul3A_39 = arith.mulf %exp3A_38, %slice3A_20 : vector<1024x1xf32>
    %add3A_40 = arith.addf %slice3A_14, %slice3A_21 : vector<1024x1xf32>
    %mul3A_41 = arith.constant 5.000000e-01 : f32
    %mul3A_42 = vector.broadcast %mul3A_41 : f32 to vector<1024x1xf32>
    %mul3A_43 = arith.mulf %mul3A_39, %mul3A_42 : vector<1024x1xf32>
    %sub3A = arith.subf %add3A_34, %mul3A_43 : vector<1024x1xf32>
    %gt3A = arith.cmpf ogt, %slice3A_23, %slice3A_22 : vector<1024x1xf32>
    %convert_element_type3A = arith.extui %gt3A : vector<1024x1xi1> to vector<1024x1xi32>
    %convert_element_type3A_44 = arith.sitofp %convert_element_type3A : vector<1024x1xi32> to vector<1024x1xf32>
    %div3A = arith.constant 6.28318548 : f32
    %div3A_45 = vector.broadcast %div3A : f32 to vector<1024x1xf32>
    %div3A_46 = arith.divf %add3A_40, %div3A_45 : vector<1024x1xf32>
    %add3A_47 = arith.constant 1.000000e+00 : f32
    %add3A_48 = vector.broadcast %add3A_47 : f32 to vector<1024x1xf32>
    %add3A_49 = arith.addf %div3A_46, %add3A_48 : vector<1024x1xf32>
    %floor3A = math.floor %add3A_49 : vector<1024x1xf32>
    %mul3A_50 = arith.constant 6.28318548 : f32
    %mul3A_51 = vector.broadcast %mul3A_50 : f32 to vector<1024x1xf32>
    %mul3A_52 = arith.mulf %floor3A, %mul3A_51 : vector<1024x1xf32>
    %sub3A_53 = arith.subf %add3A_40, %mul3A_52 : vector<1024x1xf32>
    %mul3A_54 = arith.constant 6.28318548 : f32
    %mul3A_55 = vector.broadcast %mul3A_54 : f32 to vector<1024x1xf32>
    %mul3A_56 = arith.mulf %mul3A_55, %convert_element_type3A_44 : vector<1024x1xf32>
    %add3A_57 = arith.addf %sub3A_53, %mul3A_56 : vector<1024x1xf32>
    %gt3A_58 = arith.constant 3.000000e-01 : f32
    %gt3A_59 = vector.broadcast %gt3A_58 : f32 to vector<1024x1xf32>
    %gt3A_60 = arith.cmpf ogt, %get3A_8, %gt3A_59 : vector<1024x1xf32>
    %jit3A = arith.constant 0.000000e+00 : f32
    %broadcast_in_dim3A = vector.broadcast %jit3A : f32 to vector<1024x1xf32>
    %select_n3A = arith.select %gt3A_60, %get3A_8, %broadcast_in_dim3A : vector<1024x1xi1>, vector<1024x1xf32>
    %concatenate3A = tpu.concatenate %add3A_30, %add3A_32, %sub3A, %mul3A_37, %mul3A_35, %mul3A_39, %add3A_57, %select_n3A in 1 : vector<1024x1xf32>, vector<1024x1xf32>, vector<1024x1xf32>, vector<1024x1xf32>, vector<1024x1xf32>, vector<1024x1xf32>, vector<1024x1xf32>, vector<1024x1xf32> -> vector<1024x8xf32>
    %swap3A = arith.constant 0 : index
    %swap3A_61 = arith.constant 0 : index
    %swap3A_62 = arith.constant 0 : index
    %swap3A_63 = vector.load %arg3[%swap3A, %swap3A_61, %swap3A_62] : memref<1x1024x8xf32, #tpu.memory_space<vmem>>, vector<1x1024x8xf32>
    %swap3A_64 = vector.shape_cast %swap3A_63 : vector<1x1024x8xf32> to vector<1024x8xf32>
    %swap3A_65 = vector.shape_cast %concatenate3A : vector<1024x8xf32> to vector<1x1024x8xf32>
    tpu.vector_store %arg3[%swap3A, %swap3A_61, %swap3A_62], %swap3A_65 {strides = array<i32>} : memref<1x1024x8xf32, #tpu.memory_space<vmem>>, vector<1x1024x8xf32>,
    %cos3A = math.cos %add3A_40 : vector<1024x1xf32>
    %sin3A = math.sin %add3A_40 : vector<1024x1xf32>
    %mul3A_66 = arith.constant 5.000000e-01 : f32
    %mul3A_67 = vector.broadcast %mul3A_66 : f32 to vector<1024x1xf32>
    %mul3A_68 = arith.mulf %mul3A_37, %mul3A_67 : vector<1024x1xf32>
    %mul3A_69 = arith.constant 5.000000e-01 : f32
    %mul3A_70 = vector.broadcast %mul3A_69 : f32 to vector<1024x1xf32>
    %mul3A_71 = arith.mulf %mul3A_35, %mul3A_70 : vector<1024x1xf32>
    %neg3A = arith.constant 0.000000e+00 : f32
    %neg3A_72 = vector.broadcast %neg3A : f32 to vector<1024x1xf32>
    %neg3A_73 = arith.subf %neg3A_72, %mul3A_68 : vector<1024x1xf32>
    %neg3A_74 = arith.constant 0.000000e+00 : f32
    %neg3A_75 = vector.broadcast %neg3A_74 : f32 to vector<1024x1xf32>
    %neg3A_76 = arith.subf %neg3A_75, %mul3A_68 : vector<1024x1xf32>
    %neg3A_77 = arith.constant 0.000000e+00 : f32
    %neg3A_78 = vector.broadcast %neg3A_77 : f32 to vector<1024x1xf32>
    %neg3A_79 = arith.subf %neg3A_78, %mul3A_71 : vector<1024x1xf32>
    %neg3A_80 = arith.constant 0.000000e+00 : f32
    %neg3A_81 = vector.broadcast %neg3A_80 : f32 to vector<1024x1xf32>
    %neg3A_82 = arith.subf %neg3A_81, %mul3A_71 : vector<1024x1xf32>
    %mul3A_83 = arith.mulf %cos3A, %neg3A_73 : vector<1024x1xf32>
    %mul3A_84 = arith.mulf %sin3A, %neg3A_79 : vector<1024x1xf32>
    %sub3A_85 = arith.subf %mul3A_83, %mul3A_84 : vector<1024x1xf32>
    %add3A_86 = arith.addf %sub3A_85, %add3A_30 : vector<1024x1xf32>
    %mul3A_87 = arith.mulf %cos3A, %mul3A_68 : vector<1024x1xf32>
    %mul3A_88 = arith.mulf %sin3A, %neg3A_82 : vector<1024x1xf32>
    %sub3A_89 = arith.subf %mul3A_87, %mul3A_88 : vector<1024x1xf32>
    %add3A_90 = arith.addf %sub3A_89, %add3A_30 : vector<1024x1xf32>
    %mul3A_91 = arith.mulf %cos3A, %mul3A_68 : vector<1024x1xf32>
    %mul3A_92 = arith.mulf %sin3A, %mul3A_71 : vector<1024x1xf32>
    %sub3A_93 = arith.subf %mul3A_91, %mul3A_92 : vector<1024x1xf32>
    %add3A_94 = arith.addf %sub3A_93, %add3A_30 : vector<1024x1xf32>
    %mul3A_95 = arith.mulf %cos3A, %neg3A_76 : vector<1024x1xf32>
    %mul3A_96 = arith.mulf %sin3A, %mul3A_71 : vector<1024x1xf32>
    %sub3A_97 = arith.subf %mul3A_95, %mul3A_96 : vector<1024x1xf32>
    %add3A_98 = arith.addf %sub3A_97, %add3A_30 : vector<1024x1xf32>
    %mul3A_99 = arith.mulf %sin3A, %neg3A_73 : vector<1024x1xf32>
    %mul3A_100 = arith.mulf %cos3A, %neg3A_79 : vector<1024x1xf32>
    %add3A_101 = arith.addf %mul3A_99, %mul3A_100 : vector<1024x1xf32>
    %add3A_102 = arith.addf %add3A_101, %add3A_32 : vector<1024x1xf32>
    %mul3A_103 = arith.mulf %sin3A, %mul3A_68 : vector<1024x1xf32>
    %mul3A_104 = arith.mulf %cos3A, %neg3A_82 : vector<1024x1xf32>
    %add3A_105 = arith.addf %mul3A_103, %mul3A_104 : vector<1024x1xf32>
    %add3A_106 = arith.addf %add3A_105, %add3A_32 : vector<1024x1xf32>
    %mul3A_107 = arith.mulf %sin3A, %mul3A_68 : vector<1024x1xf32>
    %mul3A_108 = arith.mulf %cos3A, %mul3A_71 : vector<1024x1xf32>
    %add3A_109 = arith.addf %mul3A_107, %mul3A_108 : vector<1024x1xf32>
    %add3A_110 = arith.addf %add3A_109, %add3A_32 : vector<1024x1xf32>
    %mul3A_111 = arith.mulf %sin3A, %neg3A_76 : vector<1024x1xf32>
    %mul3A_112 = arith.mulf %cos3A, %mul3A_71 : vector<1024x1xf32>
    %add3A_113 = arith.addf %mul3A_111, %mul3A_112 : vector<1024x1xf32>
    %add3A_114 = arith.addf %add3A_113, %add3A_32 : vector<1024x1xf32>
    %mul3A_115 = arith.mulf %mul3A_37, %mul3A_35 : vector<1024x1xf32>
    %abs3A = math.absf %mul3A_115 : vector<1024x1xf32>
    %broadcast_in_dim3A_116 = arith.constant 0.000000e+00 : f32
    %broadcast_in_dim3A_117 = vector.broadcast %broadcast_in_dim3A_116 : f32 to vector<1024x1xf32>
    %concatenate3A_118 = tpu.concatenate %add3A_86, %add3A_90, %add3A_94, %add3A_98, %add3A_102, %add3A_106, %add3A_110, %add3A_114, %abs3A, %broadcast_in_dim3A_117, %broadcast_in_dim3A_117, %broadcast_in_dim3A_117, %broadcast_in_dim3A_117, %broadcast_in_dim3A_117, %broadcast_in_dim3A_117, %broadcast_in_dim3A_117 in 1 : vector<1024x1xf32>, vector<1024x1xf32>, vector<1024x1xf32>, vector<1024x1xf32>, vector<1024x1xf32>, vector<1024x1xf32>, vector<1024x1xf32>, vector<1024x1xf32>, vector<1024x1xf32>, vector<1024x1xf32>, vector<1024x1xf32>, vector<1024x1xf32>, vector<1024x1xf32>, vector<1024x1xf32>, vector<1024x1xf32>, vector<1024x1xf32> -> vector<1024x16xf32>
    %swap3A_119 = arith.constant 0 : index
    %swap3A_120 = arith.constant 0 : index
    %swap3A_121 = arith.constant 0 : index
    %swap3A_122 = vector.load %arg4[%swap3A_119, %swap3A_120, %swap3A_121] : memref<1x1024x16xf32, #tpu.memory_space<vmem>>, vector<1x1024x16xf32>
    %swap3A_123 = vector.shape_cast %swap3A_122 : vector<1x1024x16xf32> to vector<1024x16xf32>
    %swap3A_124 = vector.shape_cast %concatenate3A_118 : vector<1024x16xf32> to vector<1x1024x16xf32>
    tpu.vector_store %arg4[%swap3A_119, %swap3A_120, %swap3A_121], %swap3A_124 {strides = array<i32>} : memref<1x1024x16xf32, #tpu.memory_space<vmem>>, vector<1x1024x16xf32>,
    return
  }
  func.func @transform_0(%arg0: i32) -> (i32, i32, i32) {
    %c0_i32 = arith.constant 0 : i32
    %c0_i32_0 = arith.constant 0 : i32
    %c0_i32_1 = arith.constant 0 : i32
    return %arg0, %c0_i32, %c0_i32_0 : i32, i32, i32
  }
  func.func @transform_1(%arg0: i32) -> (i32, i32, i32) {
    %c0_i32 = arith.constant 0 : i32
    %c0_i32_0 = arith.constant 0 : i32
    %c0_i32_1 = arith.constant 0 : i32
    return %arg0, %c0_i32, %c0_i32_0 : i32, i32, i32
  }
  func.func @transform_2(%arg0: i32) -> (i32, i32, i32) {
    %c0_i32 = arith.constant 0 : i32
    %c0_i32_0 = arith.constant 0 : i32
    %c0_i32_1 = arith.constant 0 : i32
    return %arg0, %c0_i32, %c0_i32_0 : i32, i32, i32
  }
  func.func @transform_3(%arg0: i32) -> (i32, i32, i32) {
    %c0_i32 = arith.constant 0 : i32
    %c0_i32_0 = arith.constant 0 : i32
    %c0_i32_1 = arith.constant 0 : i32
    return %arg0, %c0_i32, %c0_i32_0 : i32, i32, i32
  }
}

module attributes {stable_mosaic.version = 14 : i64} {
  func.func @_overlap_kernel(%arg0: i32, %arg1: i32, %arg2: memref<1x16x16xf32, #tpu.memory_space<vmem>>, %arg3: memref<1x16x256xf32, #tpu.memory_space<vmem>>, %arg4: memref<1x16x256xf32, #tpu.memory_space<vmem>>) attributes {dimension_semantics = [#tpu.dimension_semantics<parallel>, #tpu.dimension_semantics<parallel>], iteration_bounds = array<i64: 2, 160>, scalar_prefetch = 0 : i64, scratch_operands = 0 : i64, tpu.core_type = #tpu.core_type<tc>, window_params = [{transform_indices = @transform_0, window_bounds = array<i64: 1, 16, 16>}, {transform_indices = @transform_1, window_bounds = array<i64: 1, 16, 256>}, {transform_indices = @transform_2, window_bounds = array<i64: 1, 16, 256>}]} {
    %get3A = arith.constant 0 : index
    %get3A_0 = arith.constant 0 : index
    %get3A_1 = arith.constant 0 : index
    %get3A_2 = vector.load %arg2[%get3A, %get3A_0, %get3A_1] : memref<1x16x16xf32, #tpu.memory_space<vmem>>, vector<1x16x16xf32>
    %get3A_3 = vector.shape_cast %get3A_2 : vector<1x16x16xf32> to vector<16x16xf32>
    %get3A_4 = arith.constant 0 : index
    %get3A_5 = arith.constant 0 : index
    %get3A_6 = arith.constant 0 : index
    %get3A_7 = vector.load %arg3[%get3A_4, %get3A_5, %get3A_6] : memref<1x16x256xf32, #tpu.memory_space<vmem>>, vector<1x16x256xf32>
    %get3A_8 = vector.shape_cast %get3A_7 : vector<1x16x256xf32> to vector<16x256xf32>
    %slice3A = vector.extract_strided_slice %get3A_3 {offsets = [0, 0], sizes = [16, 1], strides = [1, 1]} : vector<16x16xf32> to vector<16x1xf32>
    %broadcast_in_dim3A = vector.shape_cast %slice3A : vector<16x1xf32> to vector<16x1xf32>
    %broadcast_in_dim3A_9 = vector.broadcast %broadcast_in_dim3A : vector<16x1xf32> to vector<16x256xf32>
    %slice3A_10 = vector.extract_strided_slice %get3A_3 {offsets = [0, 1], sizes = [16, 1], strides = [1, 1]} : vector<16x16xf32> to vector<16x1xf32>
    %broadcast_in_dim3A_11 = vector.shape_cast %slice3A_10 : vector<16x1xf32> to vector<16x1xf32>
    %broadcast_in_dim3A_12 = vector.broadcast %broadcast_in_dim3A_11 : vector<16x1xf32> to vector<16x256xf32>
    %slice3A_13 = vector.extract_strided_slice %get3A_3 {offsets = [0, 2], sizes = [16, 1], strides = [1, 1]} : vector<16x16xf32> to vector<16x1xf32>
    %broadcast_in_dim3A_14 = vector.shape_cast %slice3A_13 : vector<16x1xf32> to vector<16x1xf32>
    %broadcast_in_dim3A_15 = vector.broadcast %broadcast_in_dim3A_14 : vector<16x1xf32> to vector<16x256xf32>
    %slice3A_16 = vector.extract_strided_slice %get3A_3 {offsets = [0, 3], sizes = [16, 1], strides = [1, 1]} : vector<16x16xf32> to vector<16x1xf32>
    %broadcast_in_dim3A_17 = vector.shape_cast %slice3A_16 : vector<16x1xf32> to vector<16x1xf32>
    %broadcast_in_dim3A_18 = vector.broadcast %broadcast_in_dim3A_17 : vector<16x1xf32> to vector<16x256xf32>
    %slice3A_19 = vector.extract_strided_slice %get3A_3 {offsets = [0, 4], sizes = [16, 1], strides = [1, 1]} : vector<16x16xf32> to vector<16x1xf32>
    %broadcast_in_dim3A_20 = vector.shape_cast %slice3A_19 : vector<16x1xf32> to vector<16x1xf32>
    %broadcast_in_dim3A_21 = vector.broadcast %broadcast_in_dim3A_20 : vector<16x1xf32> to vector<16x256xf32>
    %slice3A_22 = vector.extract_strided_slice %get3A_3 {offsets = [0, 5], sizes = [16, 1], strides = [1, 1]} : vector<16x16xf32> to vector<16x1xf32>
    %broadcast_in_dim3A_23 = vector.shape_cast %slice3A_22 : vector<16x1xf32> to vector<16x1xf32>
    %broadcast_in_dim3A_24 = vector.broadcast %broadcast_in_dim3A_23 : vector<16x1xf32> to vector<16x256xf32>
    %slice3A_25 = vector.extract_strided_slice %get3A_3 {offsets = [0, 6], sizes = [16, 1], strides = [1, 1]} : vector<16x16xf32> to vector<16x1xf32>
    %broadcast_in_dim3A_26 = vector.shape_cast %slice3A_25 : vector<16x1xf32> to vector<16x1xf32>
    %broadcast_in_dim3A_27 = vector.broadcast %broadcast_in_dim3A_26 : vector<16x1xf32> to vector<16x256xf32>
    %slice3A_28 = vector.extract_strided_slice %get3A_3 {offsets = [0, 7], sizes = [16, 1], strides = [1, 1]} : vector<16x16xf32> to vector<16x1xf32>
    %broadcast_in_dim3A_29 = vector.shape_cast %slice3A_28 : vector<16x1xf32> to vector<16x1xf32>
    %broadcast_in_dim3A_30 = vector.broadcast %broadcast_in_dim3A_29 : vector<16x1xf32> to vector<16x256xf32>
    %slice3A_31 = vector.extract_strided_slice %get3A_3 {offsets = [0, 8], sizes = [16, 1], strides = [1, 1]} : vector<16x16xf32> to vector<16x1xf32>
    %slice3A_32 = vector.extract_strided_slice %get3A_8 {offsets = [0, 0], sizes = [1, 256], strides = [1, 1]} : vector<16x256xf32> to vector<1x256xf32>
    %slice3A_33 = vector.extract_strided_slice %get3A_8 {offsets = [1, 0], sizes = [1, 256], strides = [1, 1]} : vector<16x256xf32> to vector<1x256xf32>
    %slice3A_34 = vector.extract_strided_slice %get3A_8 {offsets = [2, 0], sizes = [1, 256], strides = [1, 1]} : vector<16x256xf32> to vector<1x256xf32>
    %slice3A_35 = vector.extract_strided_slice %get3A_8 {offsets = [3, 0], sizes = [1, 256], strides = [1, 1]} : vector<16x256xf32> to vector<1x256xf32>
    %slice3A_36 = vector.extract_strided_slice %get3A_8 {offsets = [4, 0], sizes = [1, 256], strides = [1, 1]} : vector<16x256xf32> to vector<1x256xf32>
    %slice3A_37 = vector.extract_strided_slice %get3A_8 {offsets = [5, 0], sizes = [1, 256], strides = [1, 1]} : vector<16x256xf32> to vector<1x256xf32>
    %slice3A_38 = vector.extract_strided_slice %get3A_8 {offsets = [6, 0], sizes = [1, 256], strides = [1, 1]} : vector<16x256xf32> to vector<1x256xf32>
    %slice3A_39 = vector.extract_strided_slice %get3A_8 {offsets = [7, 0], sizes = [1, 256], strides = [1, 1]} : vector<16x256xf32> to vector<1x256xf32>
    %slice3A_40 = vector.extract_strided_slice %get3A_8 {offsets = [8, 0], sizes = [1, 256], strides = [1, 1]} : vector<16x256xf32> to vector<1x256xf32>
    %sub3A = arith.subf %slice3A_33, %slice3A_32 : vector<1x256xf32>
    %sub3A_41 = arith.subf %slice3A_37, %slice3A_36 : vector<1x256xf32>
    %sub3A_42 = vector.broadcast %slice3A_36 : vector<1x256xf32> to vector<16x256xf32>
    %sub3A_43 = arith.subf %broadcast_in_dim3A_21, %sub3A_42 : vector<16x256xf32>
    %mul3A = vector.broadcast %sub3A : vector<1x256xf32> to vector<16x256xf32>
    %mul3A_44 = arith.mulf %mul3A, %sub3A_43 : vector<16x256xf32>
    %sub3A_45 = vector.broadcast %slice3A_32 : vector<1x256xf32> to vector<16x256xf32>
    %sub3A_46 = arith.subf %broadcast_in_dim3A_9, %sub3A_45 : vector<16x256xf32>
    %mul3A_47 = vector.broadcast %sub3A_41 : vector<1x256xf32> to vector<16x256xf32>
    %mul3A_48 = arith.mulf %mul3A_47, %sub3A_46 : vector<16x256xf32>
    %sub3A_49 = arith.subf %mul3A_44, %mul3A_48 : vector<16x256xf32>
    %sub3A_50 = vector.broadcast %slice3A_36 : vector<1x256xf32> to vector<16x256xf32>
    %sub3A_51 = arith.subf %broadcast_in_dim3A_24, %sub3A_50 : vector<16x256xf32>
    %mul3A_52 = vector.broadcast %sub3A : vector<1x256xf32> to vector<16x256xf32>
    %mul3A_53 = arith.mulf %mul3A_52, %sub3A_51 : vector<16x256xf32>
    %sub3A_54 = vector.broadcast %slice3A_32 : vector<1x256xf32> to vector<16x256xf32>
    %sub3A_55 = arith.subf %broadcast_in_dim3A_12, %sub3A_54 : vector<16x256xf32>
    %mul3A_56 = vector.broadcast %sub3A_41 : vector<1x256xf32> to vector<16x256xf32>
    %mul3A_57 = arith.mulf %mul3A_56, %sub3A_55 : vector<16x256xf32>
    %sub3A_58 = arith.subf %mul3A_53, %mul3A_57 : vector<16x256xf32>
    %sub3A_59 = vector.broadcast %slice3A_36 : vector<1x256xf32> to vector<16x256xf32>
    %sub3A_60 = arith.subf %broadcast_in_dim3A_27, %sub3A_59 : vector<16x256xf32>
    %mul3A_61 = vector.broadcast %sub3A : vector<1x256xf32> to vector<16x256xf32>
    %mul3A_62 = arith.mulf %mul3A_61, %sub3A_60 : vector<16x256xf32>
    %sub3A_63 = vector.broadcast %slice3A_32 : vector<1x256xf32> to vector<16x256xf32>
    %sub3A_64 = arith.subf %broadcast_in_dim3A_15, %sub3A_63 : vector<16x256xf32>
    %mul3A_65 = vector.broadcast %sub3A_41 : vector<1x256xf32> to vector<16x256xf32>
    %mul3A_66 = arith.mulf %mul3A_65, %sub3A_64 : vector<16x256xf32>
    %sub3A_67 = arith.subf %mul3A_62, %mul3A_66 : vector<16x256xf32>
    %sub3A_68 = vector.broadcast %slice3A_36 : vector<1x256xf32> to vector<16x256xf32>
    %sub3A_69 = arith.subf %broadcast_in_dim3A_30, %sub3A_68 : vector<16x256xf32>
    %mul3A_70 = vector.broadcast %sub3A : vector<1x256xf32> to vector<16x256xf32>
    %mul3A_71 = arith.mulf %mul3A_70, %sub3A_69 : vector<16x256xf32>
    %sub3A_72 = vector.broadcast %slice3A_32 : vector<1x256xf32> to vector<16x256xf32>
    %sub3A_73 = arith.subf %broadcast_in_dim3A_18, %sub3A_72 : vector<16x256xf32>
    %mul3A_74 = vector.broadcast %sub3A_41 : vector<1x256xf32> to vector<16x256xf32>
    %mul3A_75 = arith.mulf %mul3A_74, %sub3A_73 : vector<16x256xf32>
    %sub3A_76 = arith.subf %mul3A_71, %mul3A_75 : vector<16x256xf32>
    %broadcast_in_dim3A_77 = arith.constant 0.000000e+00 : f32
    %broadcast_in_dim3A_78 = vector.broadcast %broadcast_in_dim3A_77 : f32 to vector<16x256xf32>
    %broadcast_in_dim3A_79 = arith.constant 0.000000e+00 : f32
    %broadcast_in_dim3A_80 = vector.broadcast %broadcast_in_dim3A_79 : f32 to vector<16x256xf32>
    %broadcast_in_dim3A_81 = arith.constant 0.000000e+00 : f32
    %broadcast_in_dim3A_82 = vector.broadcast %broadcast_in_dim3A_81 : f32 to vector<16x256xf32>
    %broadcast_in_dim3A_83 = arith.constant 0.000000e+00 : f32
    %broadcast_in_dim3A_84 = vector.broadcast %broadcast_in_dim3A_83 : f32 to vector<16x256xf32>
    %broadcast_in_dim3A_85 = arith.constant 0.000000e+00 : f32
    %broadcast_in_dim3A_86 = vector.broadcast %broadcast_in_dim3A_85 : f32 to vector<16x256xf32>
    %broadcast_in_dim3A_87 = arith.constant 0.000000e+00 : f32
    %broadcast_in_dim3A_88 = vector.broadcast %broadcast_in_dim3A_87 : f32 to vector<16x256xf32>
    %broadcast_in_dim3A_89 = arith.constant 0.000000e+00 : f32
    %broadcast_in_dim3A_90 = vector.broadcast %broadcast_in_dim3A_89 : f32 to vector<16x256xf32>
    %broadcast_in_dim3A_91 = arith.constant 0.000000e+00 : f32
    %broadcast_in_dim3A_92 = vector.broadcast %broadcast_in_dim3A_91 : f32 to vector<16x256xf32>
    %broadcast_in_dim3A_93 = arith.constant 0.000000e+00 : f32
    %broadcast_in_dim3A_94 = vector.broadcast %broadcast_in_dim3A_93 : f32 to vector<16x256xf32>
    %broadcast_in_dim3A_95 = arith.constant 0.000000e+00 : f32
    %broadcast_in_dim3A_96 = vector.broadcast %broadcast_in_dim3A_95 : f32 to vector<16x256xf32>
    %broadcast_in_dim3A_97 = arith.constant 0 : i32
    %broadcast_in_dim3A_98 = vector.broadcast %broadcast_in_dim3A_97 : i32 to vector<16x256xi32>
    %ge3A = arith.constant 0.000000e+00 : f32
    %ge3A_99 = vector.broadcast %ge3A : f32 to vector<16x256xf32>
    %ge3A_100 = arith.cmpf oge, %sub3A_49, %ge3A_99 : vector<16x256xf32>
    %ge3A_101 = arith.constant 0.000000e+00 : f32
    %ge3A_102 = vector.broadcast %ge3A_101 : f32 to vector<16x256xf32>
    %ge3A_103 = arith.cmpf oge, %sub3A_58, %ge3A_102 : vector<16x256xf32>
    %ne3A = arith.xori %ge3A_100, %ge3A_103 : vector<16x256xi1>
    %sub3A_104 = arith.subf %sub3A_49, %sub3A_58 : vector<16x256xf32>
    %jit3A = arith.constant 1.000000e+00 : f32
    %broadcast_in_dim3A_105 = vector.broadcast %jit3A : f32 to vector<16x256xf32>
    %select_n3A = arith.select %ne3A, %sub3A_104, %broadcast_in_dim3A_105 : vector<16x256xi1>, vector<16x256xf32>
    %div3A = arith.divf %sub3A_49, %select_n3A : vector<16x256xf32>
    %sub3A_106 = arith.subf %broadcast_in_dim3A_12, %broadcast_in_dim3A_9 : vector<16x256xf32>
    %mul3A_107 = arith.mulf %div3A, %sub3A_106 : vector<16x256xf32>
    %add3A = arith.addf %broadcast_in_dim3A_9, %mul3A_107 : vector<16x256xf32>
    %sub3A_108 = arith.subf %broadcast_in_dim3A_24, %broadcast_in_dim3A_21 : vector<16x256xf32>
    %mul3A_109 = arith.mulf %div3A, %sub3A_108 : vector<16x256xf32>
    %add3A_110 = arith.addf %broadcast_in_dim3A_21, %mul3A_109 : vector<16x256xf32>
    %eq3A = arith.constant 0 : i32
    %eq3A_111 = vector.broadcast %eq3A : i32 to vector<16x256xi32>
    %eq3A_112 = arith.cmpi eq, %broadcast_in_dim3A_98, %eq3A_111 : vector<16x256xi32>
    %and3A = arith.andi %ge3A_100, %eq3A_112 : vector<16x256xi1>
    %select_n3A_113 = arith.select %and3A, %broadcast_in_dim3A_9, %broadcast_in_dim3A_78 : vector<16x256xi1>, vector<16x256xf32>
    %select_n3A_114 = arith.select %and3A, %broadcast_in_dim3A_21, %broadcast_in_dim3A_88 : vector<16x256xi1>, vector<16x256xf32>
    %convert_element_type3A = arith.extui %ge3A_100 : vector<16x256xi1> to vector<16x256xi32>
    %add3A_115 = arith.addi %broadcast_in_dim3A_98, %convert_element_type3A : vector<16x256xi32>
    %eq3A_116 = arith.constant 0 : i32
    %eq3A_117 = vector.broadcast %eq3A_116 : i32 to vector<16x256xi32>
    %eq3A_118 = arith.cmpi eq, %add3A_115, %eq3A_117 : vector<16x256xi32>
    %and3A_119 = arith.andi %ne3A, %eq3A_118 : vector<16x256xi1>
    %select_n3A_120 = arith.select %and3A_119, %add3A, %select_n3A_113 : vector<16x256xi1>, vector<16x256xf32>
    %select_n3A_121 = arith.select %and3A_119, %add3A_110, %select_n3A_114 : vector<16x256xi1>, vector<16x256xf32>
    %eq3A_122 = arith.constant 1 : i32
    %eq3A_123 = vector.broadcast %eq3A_122 : i32 to vector<16x256xi32>
    %eq3A_124 = arith.cmpi eq, %add3A_115, %eq3A_123 : vector<16x256xi32>
    %and3A_125 = arith.andi %ne3A, %eq3A_124 : vector<16x256xi1>
    %select_n3A_126 = arith.select %and3A_125, %add3A, %broadcast_in_dim3A_80 : vector<16x256xi1>, vector<16x256xf32>
    %select_n3A_127 = arith.select %and3A_125, %add3A_110, %broadcast_in_dim3A_90 : vector<16x256xi1>, vector<16x256xf32>
    %convert_element_type3A_128 = arith.extui %ne3A : vector<16x256xi1> to vector<16x256xi32>
    %add3A_129 = arith.addi %add3A_115, %convert_element_type3A_128 : vector<16x256xi32>
    %ge3A_130 = arith.constant 0.000000e+00 : f32
    %ge3A_131 = vector.broadcast %ge3A_130 : f32 to vector<16x256xf32>
    %ge3A_132 = arith.cmpf oge, %sub3A_58, %ge3A_131 : vector<16x256xf32>
    %ge3A_133 = arith.constant 0.000000e+00 : f32
    %ge3A_134 = vector.broadcast %ge3A_133 : f32 to vector<16x256xf32>
    %ge3A_135 = arith.cmpf oge, %sub3A_67, %ge3A_134 : vector<16x256xf32>
    %ne3A_136 = arith.xori %ge3A_132, %ge3A_135 : vector<16x256xi1>
    %sub3A_137 = arith.subf %sub3A_58, %sub3A_67 : vector<16x256xf32>
    %jit3A_138 = arith.constant 1.000000e+00 : f32
    %broadcast_in_dim3A_139 = vector.broadcast %jit3A_138 : f32 to vector<16x256xf32>
    %select_n3A_140 = arith.select %ne3A_136, %sub3A_137, %broadcast_in_dim3A_139 : vector<16x256xi1>, vector<16x256xf32>
    %div3A_141 = arith.divf %sub3A_58, %select_n3A_140 : vector<16x256xf32>
    %sub3A_142 = arith.subf %broadcast_in_dim3A_15, %broadcast_in_dim3A_12 : vector<16x256xf32>
    %mul3A_143 = arith.mulf %div3A_141, %sub3A_142 : vector<16x256xf32>
    %add3A_144 = arith.addf %broadcast_in_dim3A_12, %mul3A_143 : vector<16x256xf32>
    %sub3A_145 = arith.subf %broadcast_in_dim3A_27, %broadcast_in_dim3A_24 : vector<16x256xf32>
    %mul3A_146 = arith.mulf %div3A_141, %sub3A_145 : vector<16x256xf32>
    %add3A_147 = arith.addf %broadcast_in_dim3A_24, %mul3A_146 : vector<16x256xf32>
    %eq3A_148 = arith.constant 0 : i32
    %eq3A_149 = vector.broadcast %eq3A_148 : i32 to vector<16x256xi32>
    %eq3A_150 = arith.cmpi eq, %add3A_129, %eq3A_149 : vector<16x256xi32>
    %and3A_151 = arith.andi %ge3A_132, %eq3A_150 : vector<16x256xi1>
    %select_n3A_152 = arith.select %and3A_151, %broadcast_in_dim3A_12, %select_n3A_120 : vector<16x256xi1>, vector<16x256xf32>
    %select_n3A_153 = arith.select %and3A_151, %broadcast_in_dim3A_24, %select_n3A_121 : vector<16x256xi1>, vector<16x256xf32>
    %eq3A_154 = arith.constant 1 : i32
    %eq3A_155 = vector.broadcast %eq3A_154 : i32 to vector<16x256xi32>
    %eq3A_156 = arith.cmpi eq, %add3A_129, %eq3A_155 : vector<16x256xi32>
    %and3A_157 = arith.andi %ge3A_132, %eq3A_156 : vector<16x256xi1>
    %select_n3A_158 = arith.select %and3A_157, %broadcast_in_dim3A_12, %select_n3A_126 : vector<16x256xi1>, vector<16x256xf32>
    %select_n3A_159 = arith.select %and3A_157, %broadcast_in_dim3A_24, %select_n3A_127 : vector<16x256xi1>, vector<16x256xf32>
    %eq3A_160 = arith.constant 2 : i32
    %eq3A_161 = vector.broadcast %eq3A_160 : i32 to vector<16x256xi32>
    %eq3A_162 = arith.cmpi eq, %add3A_129, %eq3A_161 : vector<16x256xi32>
    %and3A_163 = arith.andi %ge3A_132, %eq3A_162 : vector<16x256xi1>
    %select_n3A_164 = arith.select %and3A_163, %broadcast_in_dim3A_12, %broadcast_in_dim3A_82 : vector<16x256xi1>, vector<16x256xf32>
    %select_n3A_165 = arith.select %and3A_163, %broadcast_in_dim3A_24, %broadcast_in_dim3A_92 : vector<16x256xi1>, vector<16x256xf32>
    %convert_element_type3A_166 = arith.extui %ge3A_132 : vector<16x256xi1> to vector<16x256xi32>
    %add3A_167 = arith.addi %add3A_129, %convert_element_type3A_166 : vector<16x256xi32>
    %eq3A_168 = arith.constant 0 : i32
    %eq3A_169 = vector.broadcast %eq3A_168 : i32 to vector<16x256xi32>
    %eq3A_170 = arith.cmpi eq, %add3A_167, %eq3A_169 : vector<16x256xi32>
    %and3A_171 = arith.andi %ne3A_136, %eq3A_170 : vector<16x256xi1>
    %select_n3A_172 = arith.select %and3A_171, %add3A_144, %select_n3A_152 : vector<16x256xi1>, vector<16x256xf32>
    %select_n3A_173 = arith.select %and3A_171, %add3A_147, %select_n3A_153 : vector<16x256xi1>, vector<16x256xf32>
    %eq3A_174 = arith.constant 1 : i32
    %eq3A_175 = vector.broadcast %eq3A_174 : i32 to vector<16x256xi32>
    %eq3A_176 = arith.cmpi eq, %add3A_167, %eq3A_175 : vector<16x256xi32>
    %and3A_177 = arith.andi %ne3A_136, %eq3A_176 : vector<16x256xi1>
    %select_n3A_178 = arith.select %and3A_177, %add3A_144, %select_n3A_158 : vector<16x256xi1>, vector<16x256xf32>
    %select_n3A_179 = arith.select %and3A_177, %add3A_147, %select_n3A_159 : vector<16x256xi1>, vector<16x256xf32>
    %eq3A_180 = arith.constant 2 : i32
    %eq3A_181 = vector.broadcast %eq3A_180 : i32 to vector<16x256xi32>
    %eq3A_182 = arith.cmpi eq, %add3A_167, %eq3A_181 : vector<16x256xi32>
    %and3A_183 = arith.andi %ne3A_136, %eq3A_182 : vector<16x256xi1>
    %select_n3A_184 = arith.select %and3A_183, %add3A_144, %select_n3A_164 : vector<16x256xi1>, vector<16x256xf32>
    %select_n3A_185 = arith.select %and3A_183, %add3A_147, %select_n3A_165 : vector<16x256xi1>, vector<16x256xf32>
    %eq3A_186 = arith.constant 3 : i32
    %eq3A_187 = vector.broadcast %eq3A_186 : i32 to vector<16x256xi32>
    %eq3A_188 = arith.cmpi eq, %add3A_167, %eq3A_187 : vector<16x256xi32>
    %and3A_189 = arith.andi %ne3A_136, %eq3A_188 : vector<16x256xi1>
    %select_n3A_190 = arith.select %and3A_189, %add3A_144, %broadcast_in_dim3A_84 : vector<16x256xi1>, vector<16x256xf32>
    %select_n3A_191 = arith.select %and3A_189, %add3A_147, %broadcast_in_dim3A_94 : vector<16x256xi1>, vector<16x256xf32>
    %convert_element_type3A_192 = arith.extui %ne3A_136 : vector<16x256xi1> to vector<16x256xi32>
    %add3A_193 = arith.addi %add3A_167, %convert_element_type3A_192 : vector<16x256xi32>
    %ge3A_194 = arith.constant 0.000000e+00 : f32
    %ge3A_195 = vector.broadcast %ge3A_194 : f32 to vector<16x256xf32>
    %ge3A_196 = arith.cmpf oge, %sub3A_67, %ge3A_195 : vector<16x256xf32>
    %ge3A_197 = arith.constant 0.000000e+00 : f32
    %ge3A_198 = vector.broadcast %ge3A_197 : f32 to vector<16x256xf32>
    %ge3A_199 = arith.cmpf oge, %sub3A_76, %ge3A_198 : vector<16x256xf32>
    %ne3A_200 = arith.xori %ge3A_196, %ge3A_199 : vector<16x256xi1>
    %sub3A_201 = arith.subf %sub3A_67, %sub3A_76 : vector<16x256xf32>
    %jit3A_202 = arith.constant 1.000000e+00 : f32
    %broadcast_in_dim3A_203 = vector.broadcast %jit3A_202 : f32 to vector<16x256xf32>
    %select_n3A_204 = arith.select %ne3A_200, %sub3A_201, %broadcast_in_dim3A_203 : vector<16x256xi1>, vector<16x256xf32>
    %div3A_205 = arith.divf %sub3A_67, %select_n3A_204 : vector<16x256xf32>
    %sub3A_206 = arith.subf %broadcast_in_dim3A_18, %broadcast_in_dim3A_15 : vector<16x256xf32>
    %mul3A_207 = arith.mulf %div3A_205, %sub3A_206 : vector<16x256xf32>
    %add3A_208 = arith.addf %broadcast_in_dim3A_15, %mul3A_207 : vector<16x256xf32>
    %sub3A_209 = arith.subf %broadcast_in_dim3A_30, %broadcast_in_dim3A_27 : vector<16x256xf32>
    %mul3A_210 = arith.mulf %div3A_205, %sub3A_209 : vector<16x256xf32>
    %add3A_211 = arith.addf %broadcast_in_dim3A_27, %mul3A_210 : vector<16x256xf32>
    %eq3A_212 = arith.constant 0 : i32
    %eq3A_213 = vector.broadcast %eq3A_212 : i32 to vector<16x256xi32>
    %eq3A_214 = arith.cmpi eq, %add3A_193, %eq3A_213 : vector<16x256xi32>
    %and3A_215 = arith.andi %ge3A_196, %eq3A_214 : vector<16x256xi1>
    %select_n3A_216 = arith.select %and3A_215, %broadcast_in_dim3A_15, %select_n3A_172 : vector<16x256xi1>, vector<16x256xf32>
    %select_n3A_217 = arith.select %and3A_215, %broadcast_in_dim3A_27, %select_n3A_173 : vector<16x256xi1>, vector<16x256xf32>
    %eq3A_218 = arith.constant 1 : i32
    %eq3A_219 = vector.broadcast %eq3A_218 : i32 to vector<16x256xi32>
    %eq3A_220 = arith.cmpi eq, %add3A_193, %eq3A_219 : vector<16x256xi32>
    %and3A_221 = arith.andi %ge3A_196, %eq3A_220 : vector<16x256xi1>
    %select_n3A_222 = arith.select %and3A_221, %broadcast_in_dim3A_15, %select_n3A_178 : vector<16x256xi1>, vector<16x256xf32>
    %select_n3A_223 = arith.select %and3A_221, %broadcast_in_dim3A_27, %select_n3A_179 : vector<16x256xi1>, vector<16x256xf32>
    %eq3A_224 = arith.constant 2 : i32
    %eq3A_225 = vector.broadcast %eq3A_224 : i32 to vector<16x256xi32>
    %eq3A_226 = arith.cmpi eq, %add3A_193, %eq3A_225 : vector<16x256xi32>
    %and3A_227 = arith.andi %ge3A_196, %eq3A_226 : vector<16x256xi1>
    %select_n3A_228 = arith.select %and3A_227, %broadcast_in_dim3A_15, %select_n3A_184 : vector<16x256xi1>, vector<16x256xf32>
    %select_n3A_229 = arith.select %and3A_227, %broadcast_in_dim3A_27, %select_n3A_185 : vector<16x256xi1>, vector<16x256xf32>
    %eq3A_230 = arith.constant 3 : i32
    %eq3A_231 = vector.broadcast %eq3A_230 : i32 to vector<16x256xi32>
    %eq3A_232 = arith.cmpi eq, %add3A_193, %eq3A_231 : vector<16x256xi32>
    %and3A_233 = arith.andi %ge3A_196, %eq3A_232 : vector<16x256xi1>
    %select_n3A_234 = arith.select %and3A_233, %broadcast_in_dim3A_15, %select_n3A_190 : vector<16x256xi1>, vector<16x256xf32>
    %select_n3A_235 = arith.select %and3A_233, %broadcast_in_dim3A_27, %select_n3A_191 : vector<16x256xi1>, vector<16x256xf32>
    %eq3A_236 = arith.constant 4 : i32
    %eq3A_237 = vector.broadcast %eq3A_236 : i32 to vector<16x256xi32>
    %eq3A_238 = arith.cmpi eq, %add3A_193, %eq3A_237 : vector<16x256xi32>
    %and3A_239 = arith.andi %ge3A_196, %eq3A_238 : vector<16x256xi1>
    %select_n3A_240 = arith.select %and3A_239, %broadcast_in_dim3A_15, %broadcast_in_dim3A_86 : vector<16x256xi1>, vector<16x256xf32>
    %select_n3A_241 = arith.select %and3A_239, %broadcast_in_dim3A_27, %broadcast_in_dim3A_96 : vector<16x256xi1>, vector<16x256xf32>
    %convert_element_type3A_242 = arith.extui %ge3A_196 : vector<16x256xi1> to vector<16x256xi32>
    %add3A_243 = arith.addi %add3A_193, %convert_element_type3A_242 : vector<16x256xi32>
    %eq3A_244 = arith.constant 0 : i32
    %eq3A_245 = vector.broadcast %eq3A_244 : i32 to vector<16x256xi32>
    %eq3A_246 = arith.cmpi eq, %add3A_243, %eq3A_245 : vector<16x256xi32>
    %and3A_247 = arith.andi %ne3A_200, %eq3A_246 : vector<16x256xi1>
    %select_n3A_248 = arith.select %and3A_247, %add3A_208, %select_n3A_216 : vector<16x256xi1>, vector<16x256xf32>
    %select_n3A_249 = arith.select %and3A_247, %add3A_211, %select_n3A_217 : vector<16x256xi1>, vector<16x256xf32>
    %eq3A_250 = arith.constant 1 : i32
    %eq3A_251 = vector.broadcast %eq3A_250 : i32 to vector<16x256xi32>
    %eq3A_252 = arith.cmpi eq, %add3A_243, %eq3A_251 : vector<16x256xi32>
    %and3A_253 = arith.andi %ne3A_200, %eq3A_252 : vector<16x256xi1>
    %select_n3A_254 = arith.select %and3A_253, %add3A_208, %select_n3A_222 : vector<16x256xi1>, vector<16x256xf32>
    %select_n3A_255 = arith.select %and3A_253, %add3A_211, %select_n3A_223 : vector<16x256xi1>, vector<16x256xf32>
    %eq3A_256 = arith.constant 2 : i32
    %eq3A_257 = vector.broadcast %eq3A_256 : i32 to vector<16x256xi32>
    %eq3A_258 = arith.cmpi eq, %add3A_243, %eq3A_257 : vector<16x256xi32>
    %and3A_259 = arith.andi %ne3A_200, %eq3A_258 : vector<16x256xi1>
    %select_n3A_260 = arith.select %and3A_259, %add3A_208, %select_n3A_228 : vector<16x256xi1>, vector<16x256xf32>
    %select_n3A_261 = arith.select %and3A_259, %add3A_211, %select_n3A_229 : vector<16x256xi1>, vector<16x256xf32>
    %eq3A_262 = arith.constant 3 : i32
    %eq3A_263 = vector.broadcast %eq3A_262 : i32 to vector<16x256xi32>
    %eq3A_264 = arith.cmpi eq, %add3A_243, %eq3A_263 : vector<16x256xi32>
    %and3A_265 = arith.andi %ne3A_200, %eq3A_264 : vector<16x256xi1>
    %select_n3A_266 = arith.select %and3A_265, %add3A_208, %select_n3A_234 : vector<16x256xi1>, vector<16x256xf32>
    %select_n3A_267 = arith.select %and3A_265, %add3A_211, %select_n3A_235 : vector<16x256xi1>, vector<16x256xf32>
    %eq3A_268 = arith.constant 4 : i32
    %eq3A_269 = vector.broadcast %eq3A_268 : i32 to vector<16x256xi32>
    %eq3A_270 = arith.cmpi eq, %add3A_243, %eq3A_269 : vector<16x256xi32>
    %and3A_271 = arith.andi %ne3A_200, %eq3A_270 : vector<16x256xi1>
    %select_n3A_272 = arith.select %and3A_271, %add3A_208, %select_n3A_240 : vector<16x256xi1>, vector<16x256xf32>
    %select_n3A_273 = arith.select %and3A_271, %add3A_211, %select_n3A_241 : vector<16x256xi1>, vector<16x256xf32>
    %convert_element_type3A_274 = arith.extui %ne3A_200 : vector<16x256xi1> to vector<16x256xi32>
    %add3A_275 = arith.addi %add3A_243, %convert_element_type3A_274 : vector<16x256xi32>
    %ge3A_276 = arith.constant 0.000000e+00 : f32
    %ge3A_277 = vector.broadcast %ge3A_276 : f32 to vector<16x256xf32>
    %ge3A_278 = arith.cmpf oge, %sub3A_76, %ge3A_277 : vector<16x256xf32>
    %ge3A_279 = arith.constant 0.000000e+00 : f32
    %ge3A_280 = vector.broadcast %ge3A_279 : f32 to vector<16x256xf32>
    %ge3A_281 = arith.cmpf oge, %sub3A_49, %ge3A_280 : vector<16x256xf32>
    %ne3A_282 = arith.xori %ge3A_278, %ge3A_281 : vector<16x256xi1>
    %sub3A_283 = arith.subf %sub3A_76, %sub3A_49 : vector<16x256xf32>
    %jit3A_284 = arith.constant 1.000000e+00 : f32
    %broadcast_in_dim3A_285 = vector.broadcast %jit3A_284 : f32 to vector<16x256xf32>
    %select_n3A_286 = arith.select %ne3A_282, %sub3A_283, %broadcast_in_dim3A_285 : vector<16x256xi1>, vector<16x256xf32>
    %div3A_287 = arith.divf %sub3A_76, %select_n3A_286 : vector<16x256xf32>
    %sub3A_288 = arith.subf %broadcast_in_dim3A_9, %broadcast_in_dim3A_18 : vector<16x256xf32>
    %mul3A_289 = arith.mulf %div3A_287, %sub3A_288 : vector<16x256xf32>
    %add3A_290 = arith.addf %broadcast_in_dim3A_18, %mul3A_289 : vector<16x256xf32>
    %sub3A_291 = arith.subf %broadcast_in_dim3A_21, %broadcast_in_dim3A_30 : vector<16x256xf32>
    %mul3A_292 = arith.mulf %div3A_287, %sub3A_291 : vector<16x256xf32>
    %add3A_293 = arith.addf %broadcast_in_dim3A_30, %mul3A_292 : vector<16x256xf32>
    %eq3A_294 = arith.constant 0 : i32
    %eq3A_295 = vector.broadcast %eq3A_294 : i32 to vector<16x256xi32>
    %eq3A_296 = arith.cmpi eq, %add3A_275, %eq3A_295 : vector<16x256xi32>
    %and3A_297 = arith.andi %ge3A_278, %eq3A_296 : vector<16x256xi1>
    %select_n3A_298 = arith.select %and3A_297, %broadcast_in_dim3A_18, %select_n3A_248 : vector<16x256xi1>, vector<16x256xf32>
    %select_n3A_299 = arith.select %and3A_297, %broadcast_in_dim3A_30, %select_n3A_249 : vector<16x256xi1>, vector<16x256xf32>
    %eq3A_300 = arith.constant 1 : i32
    %eq3A_301 = vector.broadcast %eq3A_300 : i32 to vector<16x256xi32>
    %eq3A_302 = arith.cmpi eq, %add3A_275, %eq3A_301 : vector<16x256xi32>
    %and3A_303 = arith.andi %ge3A_278, %eq3A_302 : vector<16x256xi1>
    %select_n3A_304 = arith.select %and3A_303, %broadcast_in_dim3A_18, %select_n3A_254 : vector<16x256xi1>, vector<16x256xf32>
    %select_n3A_305 = arith.select %and3A_303, %broadcast_in_dim3A_30, %select_n3A_255 : vector<16x256xi1>, vector<16x256xf32>
    %eq3A_306 = arith.constant 2 : i32
    %eq3A_307 = vector.broadcast %eq3A_306 : i32 to vector<16x256xi32>
    %eq3A_308 = arith.cmpi eq, %add3A_275, %eq3A_307 : vector<16x256xi32>
    %and3A_309 = arith.andi %ge3A_278, %eq3A_308 : vector<16x256xi1>
    %select_n3A_310 = arith.select %and3A_309, %broadcast_in_dim3A_18, %select_n3A_260 : vector<16x256xi1>, vector<16x256xf32>
    %select_n3A_311 = arith.select %and3A_309, %broadcast_in_dim3A_30, %select_n3A_261 : vector<16x256xi1>, vector<16x256xf32>
    %eq3A_312 = arith.constant 3 : i32
    %eq3A_313 = vector.broadcast %eq3A_312 : i32 to vector<16x256xi32>
    %eq3A_314 = arith.cmpi eq, %add3A_275, %eq3A_313 : vector<16x256xi32>
    %and3A_315 = arith.andi %ge3A_278, %eq3A_314 : vector<16x256xi1>
    %select_n3A_316 = arith.select %and3A_315, %broadcast_in_dim3A_18, %select_n3A_266 : vector<16x256xi1>, vector<16x256xf32>
    %select_n3A_317 = arith.select %and3A_315, %broadcast_in_dim3A_30, %select_n3A_267 : vector<16x256xi1>, vector<16x256xf32>
    %eq3A_318 = arith.constant 4 : i32
    %eq3A_319 = vector.broadcast %eq3A_318 : i32 to vector<16x256xi32>
    %eq3A_320 = arith.cmpi eq, %add3A_275, %eq3A_319 : vector<16x256xi32>
    %and3A_321 = arith.andi %ge3A_278, %eq3A_320 : vector<16x256xi1>
    %select_n3A_322 = arith.select %and3A_321, %broadcast_in_dim3A_18, %select_n3A_272 : vector<16x256xi1>, vector<16x256xf32>
    %select_n3A_323 = arith.select %and3A_321, %broadcast_in_dim3A_30, %select_n3A_273 : vector<16x256xi1>, vector<16x256xf32>
    %convert_element_type3A_324 = arith.extui %ge3A_278 : vector<16x256xi1> to vector<16x256xi32>
    %add3A_325 = arith.addi %add3A_275, %convert_element_type3A_324 : vector<16x256xi32>
    %eq3A_326 = arith.constant 0 : i32
    %eq3A_327 = vector.broadcast %eq3A_326 : i32 to vector<16x256xi32>
    %eq3A_328 = arith.cmpi eq, %add3A_325, %eq3A_327 : vector<16x256xi32>
    %and3A_329 = arith.andi %ne3A_282, %eq3A_328 : vector<16x256xi1>
    %select_n3A_330 = arith.select %and3A_329, %add3A_290, %select_n3A_298 : vector<16x256xi1>, vector<16x256xf32>
    %select_n3A_331 = arith.select %and3A_329, %add3A_293, %select_n3A_299 : vector<16x256xi1>, vector<16x256xf32>
    %eq3A_332 = arith.constant 1 : i32
    %eq3A_333 = vector.broadcast %eq3A_332 : i32 to vector<16x256xi32>
    %eq3A_334 = arith.cmpi eq, %add3A_325, %eq3A_333 : vector<16x256xi32>
    %and3A_335 = arith.andi %ne3A_282, %eq3A_334 : vector<16x256xi1>
    %select_n3A_336 = arith.select %and3A_335, %add3A_290, %select_n3A_304 : vector<16x256xi1>, vector<16x256xf32>
    %select_n3A_337 = arith.select %and3A_335, %add3A_293, %select_n3A_305 : vector<16x256xi1>, vector<16x256xf32>
    %eq3A_338 = arith.constant 2 : i32
    %eq3A_339 = vector.broadcast %eq3A_338 : i32 to vector<16x256xi32>
    %eq3A_340 = arith.cmpi eq, %add3A_325, %eq3A_339 : vector<16x256xi32>
    %and3A_341 = arith.andi %ne3A_282, %eq3A_340 : vector<16x256xi1>
    %select_n3A_342 = arith.select %and3A_341, %add3A_290, %select_n3A_310 : vector<16x256xi1>, vector<16x256xf32>
    %select_n3A_343 = arith.select %and3A_341, %add3A_293, %select_n3A_311 : vector<16x256xi1>, vector<16x256xf32>
    %eq3A_344 = arith.constant 3 : i32
    %eq3A_345 = vector.broadcast %eq3A_344 : i32 to vector<16x256xi32>
    %eq3A_346 = arith.cmpi eq, %add3A_325, %eq3A_345 : vector<16x256xi32>
    %and3A_347 = arith.andi %ne3A_282, %eq3A_346 : vector<16x256xi1>
    %select_n3A_348 = arith.select %and3A_347, %add3A_290, %select_n3A_316 : vector<16x256xi1>, vector<16x256xf32>
    %select_n3A_349 = arith.select %and3A_347, %add3A_293, %select_n3A_317 : vector<16x256xi1>, vector<16x256xf32>
    %eq3A_350 = arith.constant 4 : i32
    %eq3A_351 = vector.broadcast %eq3A_350 : i32 to vector<16x256xi32>
    %eq3A_352 = arith.cmpi eq, %add3A_325, %eq3A_351 : vector<16x256xi32>
    %and3A_353 = arith.andi %ne3A_282, %eq3A_352 : vector<16x256xi1>
    %select_n3A_354 = arith.select %and3A_353, %add3A_290, %select_n3A_322 : vector<16x256xi1>, vector<16x256xf32>
    %select_n3A_355 = arith.select %and3A_353, %add3A_293, %select_n3A_323 : vector<16x256xi1>, vector<16x256xf32>
    %convert_element_type3A_356 = arith.extui %ne3A_282 : vector<16x256xi1> to vector<16x256xi32>
    %add3A_357 = arith.addi %add3A_325, %convert_element_type3A_356 : vector<16x256xi32>
    %sub3A_358 = arith.subf %slice3A_34, %slice3A_33 : vector<1x256xf32>
    %sub3A_359 = arith.subf %slice3A_38, %slice3A_37 : vector<1x256xf32>
    %sub3A_360 = vector.broadcast %slice3A_37 : vector<1x256xf32> to vector<16x256xf32>
    %sub3A_361 = arith.subf %select_n3A_331, %sub3A_360 : vector<16x256xf32>
    %mul3A_362 = vector.broadcast %sub3A_358 : vector<1x256xf32> to vector<16x256xf32>
    %mul3A_363 = arith.mulf %mul3A_362, %sub3A_361 : vector<16x256xf32>
    %sub3A_364 = vector.broadcast %slice3A_33 : vector<1x256xf32> to vector<16x256xf32>
    %sub3A_365 = arith.subf %select_n3A_330, %sub3A_364 : vector<16x256xf32>
    %mul3A_366 = vector.broadcast %sub3A_359 : vector<1x256xf32> to vector<16x256xf32>
    %mul3A_367 = arith.mulf %mul3A_366, %sub3A_365 : vector<16x256xf32>
    %sub3A_368 = arith.subf %mul3A_363, %mul3A_367 : vector<16x256xf32>
    %sub3A_369 = vector.broadcast %slice3A_37 : vector<1x256xf32> to vector<16x256xf32>
    %sub3A_370 = arith.subf %select_n3A_337, %sub3A_369 : vector<16x256xf32>
    %mul3A_371 = vector.broadcast %sub3A_358 : vector<1x256xf32> to vector<16x256xf32>
    %mul3A_372 = arith.mulf %mul3A_371, %sub3A_370 : vector<16x256xf32>
    %sub3A_373 = vector.broadcast %slice3A_33 : vector<1x256xf32> to vector<16x256xf32>
    %sub3A_374 = arith.subf %select_n3A_336, %sub3A_373 : vector<16x256xf32>
    %mul3A_375 = vector.broadcast %sub3A_359 : vector<1x256xf32> to vector<16x256xf32>
    %mul3A_376 = arith.mulf %mul3A_375, %sub3A_374 : vector<16x256xf32>
    %sub3A_377 = arith.subf %mul3A_372, %mul3A_376 : vector<16x256xf32>
    %sub3A_378 = vector.broadcast %slice3A_37 : vector<1x256xf32> to vector<16x256xf32>
    %sub3A_379 = arith.subf %select_n3A_343, %sub3A_378 : vector<16x256xf32>
    %mul3A_380 = vector.broadcast %sub3A_358 : vector<1x256xf32> to vector<16x256xf32>
    %mul3A_381 = arith.mulf %mul3A_380, %sub3A_379 : vector<16x256xf32>
    %sub3A_382 = vector.broadcast %slice3A_33 : vector<1x256xf32> to vector<16x256xf32>
    %sub3A_383 = arith.subf %select_n3A_342, %sub3A_382 : vector<16x256xf32>
    %mul3A_384 = vector.broadcast %sub3A_359 : vector<1x256xf32> to vector<16x256xf32>
    %mul3A_385 = arith.mulf %mul3A_384, %sub3A_383 : vector<16x256xf32>
    %sub3A_386 = arith.subf %mul3A_381, %mul3A_385 : vector<16x256xf32>
    %sub3A_387 = vector.broadcast %slice3A_37 : vector<1x256xf32> to vector<16x256xf32>
    %sub3A_388 = arith.subf %select_n3A_349, %sub3A_387 : vector<16x256xf32>
    %mul3A_389 = vector.broadcast %sub3A_358 : vector<1x256xf32> to vector<16x256xf32>
    %mul3A_390 = arith.mulf %mul3A_389, %sub3A_388 : vector<16x256xf32>
    %sub3A_391 = vector.broadcast %slice3A_33 : vector<1x256xf32> to vector<16x256xf32>
    %sub3A_392 = arith.subf %select_n3A_348, %sub3A_391 : vector<16x256xf32>
    %mul3A_393 = vector.broadcast %sub3A_359 : vector<1x256xf32> to vector<16x256xf32>
    %mul3A_394 = arith.mulf %mul3A_393, %sub3A_392 : vector<16x256xf32>
    %sub3A_395 = arith.subf %mul3A_390, %mul3A_394 : vector<16x256xf32>
    %sub3A_396 = vector.broadcast %slice3A_37 : vector<1x256xf32> to vector<16x256xf32>
    %sub3A_397 = arith.subf %select_n3A_355, %sub3A_396 : vector<16x256xf32>
    %mul3A_398 = vector.broadcast %sub3A_358 : vector<1x256xf32> to vector<16x256xf32>
    %mul3A_399 = arith.mulf %mul3A_398, %sub3A_397 : vector<16x256xf32>
    %sub3A_400 = vector.broadcast %slice3A_33 : vector<1x256xf32> to vector<16x256xf32>
    %sub3A_401 = arith.subf %select_n3A_354, %sub3A_400 : vector<16x256xf32>
    %mul3A_402 = vector.broadcast %sub3A_359 : vector<1x256xf32> to vector<16x256xf32>
    %mul3A_403 = arith.mulf %mul3A_402, %sub3A_401 : vector<16x256xf32>
    %sub3A_404 = arith.subf %mul3A_399, %mul3A_403 : vector<16x256xf32>
    %broadcast_in_dim3A_405 = arith.constant 0.000000e+00 : f32
    %broadcast_in_dim3A_406 = vector.broadcast %broadcast_in_dim3A_405 : f32 to vector<16x256xf32>
    %broadcast_in_dim3A_407 = arith.constant 0.000000e+00 : f32
    %broadcast_in_dim3A_408 = vector.broadcast %broadcast_in_dim3A_407 : f32 to vector<16x256xf32>
    %broadcast_in_dim3A_409 = arith.constant 0.000000e+00 : f32
    %broadcast_in_dim3A_410 = vector.broadcast %broadcast_in_dim3A_409 : f32 to vector<16x256xf32>
    %broadcast_in_dim3A_411 = arith.constant 0.000000e+00 : f32
    %broadcast_in_dim3A_412 = vector.broadcast %broadcast_in_dim3A_411 : f32 to vector<16x256xf32>
    %broadcast_in_dim3A_413 = arith.constant 0.000000e+00 : f32
    %broadcast_in_dim3A_414 = vector.broadcast %broadcast_in_dim3A_413 : f32 to vector<16x256xf32>
    %broadcast_in_dim3A_415 = arith.constant 0.000000e+00 : f32
    %broadcast_in_dim3A_416 = vector.broadcast %broadcast_in_dim3A_415 : f32 to vector<16x256xf32>
    %broadcast_in_dim3A_417 = arith.constant 0.000000e+00 : f32
    %broadcast_in_dim3A_418 = vector.broadcast %broadcast_in_dim3A_417 : f32 to vector<16x256xf32>
    %broadcast_in_dim3A_419 = arith.constant 0.000000e+00 : f32
    %broadcast_in_dim3A_420 = vector.broadcast %broadcast_in_dim3A_419 : f32 to vector<16x256xf32>
    %broadcast_in_dim3A_421 = arith.constant 0.000000e+00 : f32
    %broadcast_in_dim3A_422 = vector.broadcast %broadcast_in_dim3A_421 : f32 to vector<16x256xf32>
    %broadcast_in_dim3A_423 = arith.constant 0.000000e+00 : f32
    %broadcast_in_dim3A_424 = vector.broadcast %broadcast_in_dim3A_423 : f32 to vector<16x256xf32>
    %broadcast_in_dim3A_425 = arith.constant 0.000000e+00 : f32
    %broadcast_in_dim3A_426 = vector.broadcast %broadcast_in_dim3A_425 : f32 to vector<16x256xf32>
    %broadcast_in_dim3A_427 = arith.constant 0.000000e+00 : f32
    %broadcast_in_dim3A_428 = vector.broadcast %broadcast_in_dim3A_427 : f32 to vector<16x256xf32>
    %broadcast_in_dim3A_429 = arith.constant 0 : i32
    %broadcast_in_dim3A_430 = vector.broadcast %broadcast_in_dim3A_429 : i32 to vector<16x256xi32>
    %eq3A_431 = arith.constant 1 : i32
    %eq3A_432 = vector.broadcast %eq3A_431 : i32 to vector<16x256xi32>
    %eq3A_433 = arith.cmpi eq, %add3A_357, %eq3A_432 : vector<16x256xi32>
    %select_n3A_434 = arith.select %eq3A_433, %select_n3A_330, %select_n3A_336 : vector<16x256xi1>, vector<16x256xf32>
    %select_n3A_435 = arith.select %eq3A_433, %select_n3A_331, %select_n3A_337 : vector<16x256xi1>, vector<16x256xf32>
    %select_n3A_436 = arith.select %eq3A_433, %sub3A_368, %sub3A_377 : vector<16x256xi1>, vector<16x256xf32>
    %ge3A_437 = arith.constant 0.000000e+00 : f32
    %ge3A_438 = vector.broadcast %ge3A_437 : f32 to vector<16x256xf32>
    %ge3A_439 = arith.cmpf oge, %sub3A_368, %ge3A_438 : vector<16x256xf32>
    %ge3A_440 = arith.constant 0.000000e+00 : f32
    %ge3A_441 = vector.broadcast %ge3A_440 : f32 to vector<16x256xf32>
    %ge3A_442 = arith.cmpf oge, %select_n3A_436, %ge3A_441 : vector<16x256xf32>
    %gt3A = arith.constant 0 : i32
    %gt3A_443 = vector.broadcast %gt3A : i32 to vector<16x256xi32>
    %gt3A_444 = arith.cmpi sgt, %add3A_357, %gt3A_443 : vector<16x256xi32>
    %and3A_445 = arith.andi %gt3A_444, %ge3A_439 : vector<16x256xi1>
    %ne3A_446 = arith.xori %ge3A_439, %ge3A_442 : vector<16x256xi1>
    %and3A_447 = arith.andi %gt3A_444, %ne3A_446 : vector<16x256xi1>
    %sub3A_448 = arith.subf %sub3A_368, %select_n3A_436 : vector<16x256xf32>
    %jit3A_449 = arith.constant 1.000000e+00 : f32
    %broadcast_in_dim3A_450 = vector.broadcast %jit3A_449 : f32 to vector<16x256xf32>
    %select_n3A_451 = arith.select %and3A_447, %sub3A_448, %broadcast_in_dim3A_450 : vector<16x256xi1>, vector<16x256xf32>
    %div3A_452 = arith.divf %sub3A_368, %select_n3A_451 : vector<16x256xf32>
    %sub3A_453 = arith.subf %select_n3A_434, %select_n3A_330 : vector<16x256xf32>
    %mul3A_454 = arith.mulf %div3A_452, %sub3A_453 : vector<16x256xf32>
    %add3A_455 = arith.addf %select_n3A_330, %mul3A_454 : vector<16x256xf32>
    %sub3A_456 = arith.subf %select_n3A_435, %select_n3A_331 : vector<16x256xf32>
    %mul3A_457 = arith.mulf %div3A_452, %sub3A_456 : vector<16x256xf32>
    %add3A_458 = arith.addf %select_n3A_331, %mul3A_457 : vector<16x256xf32>
    %eq3A_459 = arith.constant 0 : i32
    %eq3A_460 = vector.broadcast %eq3A_459 : i32 to vector<16x256xi32>
    %eq3A_461 = arith.cmpi eq, %broadcast_in_dim3A_430, %eq3A_460 : vector<16x256xi32>
    %and3A_462 = arith.andi %and3A_445, %eq3A_461 : vector<16x256xi1>
    %select_n3A_463 = arith.select %and3A_462, %select_n3A_330, %broadcast_in_dim3A_406 : vector<16x256xi1>, vector<16x256xf32>
    %select_n3A_464 = arith.select %and3A_462, %select_n3A_331, %broadcast_in_dim3A_418 : vector<16x256xi1>, vector<16x256xf32>
    %convert_element_type3A_465 = arith.extui %and3A_445 : vector<16x256xi1> to vector<16x256xi32>
    %add3A_466 = arith.addi %broadcast_in_dim3A_430, %convert_element_type3A_465 : vector<16x256xi32>
    %eq3A_467 = arith.constant 0 : i32
    %eq3A_468 = vector.broadcast %eq3A_467 : i32 to vector<16x256xi32>
    %eq3A_469 = arith.cmpi eq, %add3A_466, %eq3A_468 : vector<16x256xi32>
    %and3A_470 = arith.andi %and3A_447, %eq3A_469 : vector<16x256xi1>
    %select_n3A_471 = arith.select %and3A_470, %add3A_455, %select_n3A_463 : vector<16x256xi1>, vector<16x256xf32>
    %select_n3A_472 = arith.select %and3A_470, %add3A_458, %select_n3A_464 : vector<16x256xi1>, vector<16x256xf32>
    %eq3A_473 = arith.constant 1 : i32
    %eq3A_474 = vector.broadcast %eq3A_473 : i32 to vector<16x256xi32>
    %eq3A_475 = arith.cmpi eq, %add3A_466, %eq3A_474 : vector<16x256xi32>
    %and3A_476 = arith.andi %and3A_447, %eq3A_475 : vector<16x256xi1>
    %select_n3A_477 = arith.select %and3A_476, %add3A_455, %broadcast_in_dim3A_408 : vector<16x256xi1>, vector<16x256xf32>
    %select_n3A_478 = arith.select %and3A_476, %add3A_458, %broadcast_in_dim3A_420 : vector<16x256xi1>, vector<16x256xf32>
    %convert_element_type3A_479 = arith.extui %and3A_447 : vector<16x256xi1> to vector<16x256xi32>
    %add3A_480 = arith.addi %add3A_466, %convert_element_type3A_479 : vector<16x256xi32>
    %eq3A_481 = arith.constant 2 : i32
    %eq3A_482 = vector.broadcast %eq3A_481 : i32 to vector<16x256xi32>
    %eq3A_483 = arith.cmpi eq, %add3A_357, %eq3A_482 : vector<16x256xi32>
    %select_n3A_484 = arith.select %eq3A_483, %select_n3A_330, %select_n3A_342 : vector<16x256xi1>, vector<16x256xf32>
    %select_n3A_485 = arith.select %eq3A_483, %select_n3A_331, %select_n3A_343 : vector<16x256xi1>, vector<16x256xf32>
    %select_n3A_486 = arith.select %eq3A_483, %sub3A_368, %sub3A_386 : vector<16x256xi1>, vector<16x256xf32>
    %ge3A_487 = arith.constant 0.000000e+00 : f32
    %ge3A_488 = vector.broadcast %ge3A_487 : f32 to vector<16x256xf32>
    %ge3A_489 = arith.cmpf oge, %sub3A_377, %ge3A_488 : vector<16x256xf32>
    %ge3A_490 = arith.constant 0.000000e+00 : f32
    %ge3A_491 = vector.broadcast %ge3A_490 : f32 to vector<16x256xf32>
    %ge3A_492 = arith.cmpf oge, %select_n3A_486, %ge3A_491 : vector<16x256xf32>
    %gt3A_493 = arith.constant 1 : i32
    %gt3A_494 = vector.broadcast %gt3A_493 : i32 to vector<16x256xi32>
    %gt3A_495 = arith.cmpi sgt, %add3A_357, %gt3A_494 : vector<16x256xi32>
    %and3A_496 = arith.andi %gt3A_495, %ge3A_489 : vector<16x256xi1>
    %ne3A_497 = arith.xori %ge3A_489, %ge3A_492 : vector<16x256xi1>
    %and3A_498 = arith.andi %gt3A_495, %ne3A_497 : vector<16x256xi1>
    %sub3A_499 = arith.subf %sub3A_377, %select_n3A_486 : vector<16x256xf32>
    %jit3A_500 = arith.constant 1.000000e+00 : f32
    %broadcast_in_dim3A_501 = vector.broadcast %jit3A_500 : f32 to vector<16x256xf32>
    %select_n3A_502 = arith.select %and3A_498, %sub3A_499, %broadcast_in_dim3A_501 : vector<16x256xi1>, vector<16x256xf32>
    %div3A_503 = arith.divf %sub3A_377, %select_n3A_502 : vector<16x256xf32>
    %sub3A_504 = arith.subf %select_n3A_484, %select_n3A_336 : vector<16x256xf32>
    %mul3A_505 = arith.mulf %div3A_503, %sub3A_504 : vector<16x256xf32>
    %add3A_506 = arith.addf %select_n3A_336, %mul3A_505 : vector<16x256xf32>
    %sub3A_507 = arith.subf %select_n3A_485, %select_n3A_337 : vector<16x256xf32>
    %mul3A_508 = arith.mulf %div3A_503, %sub3A_507 : vector<16x256xf32>
    %add3A_509 = arith.addf %select_n3A_337, %mul3A_508 : vector<16x256xf32>
    %eq3A_510 = arith.constant 0 : i32
    %eq3A_511 = vector.broadcast %eq3A_510 : i32 to vector<16x256xi32>
    %eq3A_512 = arith.cmpi eq, %add3A_480, %eq3A_511 : vector<16x256xi32>
    %and3A_513 = arith.andi %and3A_496, %eq3A_512 : vector<16x256xi1>
    %select_n3A_514 = arith.select %and3A_513, %select_n3A_336, %select_n3A_471 : vector<16x256xi1>, vector<16x256xf32>
    %select_n3A_515 = arith.select %and3A_513, %select_n3A_337, %select_n3A_472 : vector<16x256xi1>, vector<16x256xf32>
    %eq3A_516 = arith.constant 1 : i32
    %eq3A_517 = vector.broadcast %eq3A_516 : i32 to vector<16x256xi32>
    %eq3A_518 = arith.cmpi eq, %add3A_480, %eq3A_517 : vector<16x256xi32>
    %and3A_519 = arith.andi %and3A_496, %eq3A_518 : vector<16x256xi1>
    %select_n3A_520 = arith.select %and3A_519, %select_n3A_336, %select_n3A_477 : vector<16x256xi1>, vector<16x256xf32>
    %select_n3A_521 = arith.select %and3A_519, %select_n3A_337, %select_n3A_478 : vector<16x256xi1>, vector<16x256xf32>
    %eq3A_522 = arith.constant 2 : i32
    %eq3A_523 = vector.broadcast %eq3A_522 : i32 to vector<16x256xi32>
    %eq3A_524 = arith.cmpi eq, %add3A_480, %eq3A_523 : vector<16x256xi32>
    %and3A_525 = arith.andi %and3A_496, %eq3A_524 : vector<16x256xi1>
    %select_n3A_526 = arith.select %and3A_525, %select_n3A_336, %broadcast_in_dim3A_410 : vector<16x256xi1>, vector<16x256xf32>
    %select_n3A_527 = arith.select %and3A_525, %select_n3A_337, %broadcast_in_dim3A_422 : vector<16x256xi1>, vector<16x256xf32>
    %convert_element_type3A_528 = arith.extui %and3A_496 : vector<16x256xi1> to vector<16x256xi32>
    %add3A_529 = arith.addi %add3A_480, %convert_element_type3A_528 : vector<16x256xi32>
    %eq3A_530 = arith.constant 0 : i32
    %eq3A_531 = vector.broadcast %eq3A_530 : i32 to vector<16x256xi32>
    %eq3A_532 = arith.cmpi eq, %add3A_529, %eq3A_531 : vector<16x256xi32>
    %and3A_533 = arith.andi %and3A_498, %eq3A_532 : vector<16x256xi1>
    %select_n3A_534 = arith.select %and3A_533, %add3A_506, %select_n3A_514 : vector<16x256xi1>, vector<16x256xf32>
    %select_n3A_535 = arith.select %and3A_533, %add3A_509, %select_n3A_515 : vector<16x256xi1>, vector<16x256xf32>
    %eq3A_536 = arith.constant 1 : i32
    %eq3A_537 = vector.broadcast %eq3A_536 : i32 to vector<16x256xi32>
    %eq3A_538 = arith.cmpi eq, %add3A_529, %eq3A_537 : vector<16x256xi32>
    %and3A_539 = arith.andi %and3A_498, %eq3A_538 : vector<16x256xi1>
    %select_n3A_540 = arith.select %and3A_539, %add3A_506, %select_n3A_520 : vector<16x256xi1>, vector<16x256xf32>
    %select_n3A_541 = arith.select %and3A_539, %add3A_509, %select_n3A_521 : vector<16x256xi1>, vector<16x256xf32>
    %eq3A_542 = arith.constant 2 : i32
    %eq3A_543 = vector.broadcast %eq3A_542 : i32 to vector<16x256xi32>
    %eq3A_544 = arith.cmpi eq, %add3A_529, %eq3A_543 : vector<16x256xi32>
    %and3A_545 = arith.andi %and3A_498, %eq3A_544 : vector<16x256xi1>
    %select_n3A_546 = arith.select %and3A_545, %add3A_506, %select_n3A_526 : vector<16x256xi1>, vector<16x256xf32>
    %select_n3A_547 = arith.select %and3A_545, %add3A_509, %select_n3A_527 : vector<16x256xi1>, vector<16x256xf32>
    %eq3A_548 = arith.constant 3 : i32
    %eq3A_549 = vector.broadcast %eq3A_548 : i32 to vector<16x256xi32>
    %eq3A_550 = arith.cmpi eq, %add3A_529, %eq3A_549 : vector<16x256xi32>
    %and3A_551 = arith.andi %and3A_498, %eq3A_550 : vector<16x256xi1>
    %select_n3A_552 = arith.select %and3A_551, %add3A_506, %broadcast_in_dim3A_412 : vector<16x256xi1>, vector<16x256xf32>
    %select_n3A_553 = arith.select %and3A_551, %add3A_509, %broadcast_in_dim3A_424 : vector<16x256xi1>, vector<16x256xf32>
    %convert_element_type3A_554 = arith.extui %and3A_498 : vector<16x256xi1> to vector<16x256xi32>
    %add3A_555 = arith.addi %add3A_529, %convert_element_type3A_554 : vector<16x256xi32>
    %eq3A_556 = arith.constant 3 : i32
    %eq3A_557 = vector.broadcast %eq3A_556 : i32 to vector<16x256xi32>
    %eq3A_558 = arith.cmpi eq, %add3A_357, %eq3A_557 : vector<16x256xi32>
    %select_n3A_559 = arith.select %eq3A_558, %select_n3A_330, %select_n3A_348 : vector<16x256xi1>, vector<16x256xf32>
    %select_n3A_560 = arith.select %eq3A_558, %select_n3A_331, %select_n3A_349 : vector<16x256xi1>, vector<16x256xf32>
    %select_n3A_561 = arith.select %eq3A_558, %sub3A_368, %sub3A_395 : vector<16x256xi1>, vector<16x256xf32>
    %ge3A_562 = arith.constant 0.000000e+00 : f32
    %ge3A_563 = vector.broadcast %ge3A_562 : f32 to vector<16x256xf32>
    %ge3A_564 = arith.cmpf oge, %sub3A_386, %ge3A_563 : vector<16x256xf32>
    %ge3A_565 = arith.constant 0.000000e+00 : f32
    %ge3A_566 = vector.broadcast %ge3A_565 : f32 to vector<16x256xf32>
    %ge3A_567 = arith.cmpf oge, %select_n3A_561, %ge3A_566 : vector<16x256xf32>
    %gt3A_568 = arith.constant 2 : i32
    %gt3A_569 = vector.broadcast %gt3A_568 : i32 to vector<16x256xi32>
    %gt3A_570 = arith.cmpi sgt, %add3A_357, %gt3A_569 : vector<16x256xi32>
    %and3A_571 = arith.andi %gt3A_570, %ge3A_564 : vector<16x256xi1>
    %ne3A_572 = arith.xori %ge3A_564, %ge3A_567 : vector<16x256xi1>
    %and3A_573 = arith.andi %gt3A_570, %ne3A_572 : vector<16x256xi1>
    %sub3A_574 = arith.subf %sub3A_386, %select_n3A_561 : vector<16x256xf32>
    %jit3A_575 = arith.constant 1.000000e+00 : f32
    %broadcast_in_dim3A_576 = vector.broadcast %jit3A_575 : f32 to vector<16x256xf32>
    %select_n3A_577 = arith.select %and3A_573, %sub3A_574, %broadcast_in_dim3A_576 : vector<16x256xi1>, vector<16x256xf32>
    %div3A_578 = arith.divf %sub3A_386, %select_n3A_577 : vector<16x256xf32>
    %sub3A_579 = arith.subf %select_n3A_559, %select_n3A_342 : vector<16x256xf32>
    %mul3A_580 = arith.mulf %div3A_578, %sub3A_579 : vector<16x256xf32>
    %add3A_581 = arith.addf %select_n3A_342, %mul3A_580 : vector<16x256xf32>
    %sub3A_582 = arith.subf %select_n3A_560, %select_n3A_343 : vector<16x256xf32>
    %mul3A_583 = arith.mulf %div3A_578, %sub3A_582 : vector<16x256xf32>
    %add3A_584 = arith.addf %select_n3A_343, %mul3A_583 : vector<16x256xf32>
    %eq3A_585 = arith.constant 0 : i32
    %eq3A_586 = vector.broadcast %eq3A_585 : i32 to vector<16x256xi32>
    %eq3A_587 = arith.cmpi eq, %add3A_555, %eq3A_586 : vector<16x256xi32>
    %and3A_588 = arith.andi %and3A_571, %eq3A_587 : vector<16x256xi1>
    %select_n3A_589 = arith.select %and3A_588, %select_n3A_342, %select_n3A_534 : vector<16x256xi1>, vector<16x256xf32>
    %select_n3A_590 = arith.select %and3A_588, %select_n3A_343, %select_n3A_535 : vector<16x256xi1>, vector<16x256xf32>
    %eq3A_591 = arith.constant 1 : i32
    %eq3A_592 = vector.broadcast %eq3A_591 : i32 to vector<16x256xi32>
    %eq3A_593 = arith.cmpi eq, %add3A_555, %eq3A_592 : vector<16x256xi32>
    %and3A_594 = arith.andi %and3A_571, %eq3A_593 : vector<16x256xi1>
    %select_n3A_595 = arith.select %and3A_594, %select_n3A_342, %select_n3A_540 : vector<16x256xi1>, vector<16x256xf32>
    %select_n3A_596 = arith.select %and3A_594, %select_n3A_343, %select_n3A_541 : vector<16x256xi1>, vector<16x256xf32>
    %eq3A_597 = arith.constant 2 : i32
    %eq3A_598 = vector.broadcast %eq3A_597 : i32 to vector<16x256xi32>
    %eq3A_599 = arith.cmpi eq, %add3A_555, %eq3A_598 : vector<16x256xi32>
    %and3A_600 = arith.andi %and3A_571, %eq3A_599 : vector<16x256xi1>
    %select_n3A_601 = arith.select %and3A_600, %select_n3A_342, %select_n3A_546 : vector<16x256xi1>, vector<16x256xf32>
    %select_n3A_602 = arith.select %and3A_600, %select_n3A_343, %select_n3A_547 : vector<16x256xi1>, vector<16x256xf32>
    %eq3A_603 = arith.constant 3 : i32
    %eq3A_604 = vector.broadcast %eq3A_603 : i32 to vector<16x256xi32>
    %eq3A_605 = arith.cmpi eq, %add3A_555, %eq3A_604 : vector<16x256xi32>
    %and3A_606 = arith.andi %and3A_571, %eq3A_605 : vector<16x256xi1>
    %select_n3A_607 = arith.select %and3A_606, %select_n3A_342, %select_n3A_552 : vector<16x256xi1>, vector<16x256xf32>
    %select_n3A_608 = arith.select %and3A_606, %select_n3A_343, %select_n3A_553 : vector<16x256xi1>, vector<16x256xf32>
    %eq3A_609 = arith.constant 4 : i32
    %eq3A_610 = vector.broadcast %eq3A_609 : i32 to vector<16x256xi32>
    %eq3A_611 = arith.cmpi eq, %add3A_555, %eq3A_610 : vector<16x256xi32>
    %and3A_612 = arith.andi %and3A_571, %eq3A_611 : vector<16x256xi1>
    %select_n3A_613 = arith.select %and3A_612, %select_n3A_342, %broadcast_in_dim3A_414 : vector<16x256xi1>, vector<16x256xf32>
    %select_n3A_614 = arith.select %and3A_612, %select_n3A_343, %broadcast_in_dim3A_426 : vector<16x256xi1>, vector<16x256xf32>
    %convert_element_type3A_615 = arith.extui %and3A_571 : vector<16x256xi1> to vector<16x256xi32>
    %add3A_616 = arith.addi %add3A_555, %convert_element_type3A_615 : vector<16x256xi32>
    %eq3A_617 = arith.constant 0 : i32
    %eq3A_618 = vector.broadcast %eq3A_617 : i32 to vector<16x256xi32>
    %eq3A_619 = arith.cmpi eq, %add3A_616, %eq3A_618 : vector<16x256xi32>
    %and3A_620 = arith.andi %and3A_573, %eq3A_619 : vector<16x256xi1>
    %select_n3A_621 = arith.select %and3A_620, %add3A_581, %select_n3A_589 : vector<16x256xi1>, vector<16x256xf32>
    %select_n3A_622 = arith.select %and3A_620, %add3A_584, %select_n3A_590 : vector<16x256xi1>, vector<16x256xf32>
    %eq3A_623 = arith.constant 1 : i32
    %eq3A_624 = vector.broadcast %eq3A_623 : i32 to vector<16x256xi32>
    %eq3A_625 = arith.cmpi eq, %add3A_616, %eq3A_624 : vector<16x256xi32>
    %and3A_626 = arith.andi %and3A_573, %eq3A_625 : vector<16x256xi1>
    %select_n3A_627 = arith.select %and3A_626, %add3A_581, %select_n3A_595 : vector<16x256xi1>, vector<16x256xf32>
    %select_n3A_628 = arith.select %and3A_626, %add3A_584, %select_n3A_596 : vector<16x256xi1>, vector<16x256xf32>
    %eq3A_629 = arith.constant 2 : i32
    %eq3A_630 = vector.broadcast %eq3A_629 : i32 to vector<16x256xi32>
    %eq3A_631 = arith.cmpi eq, %add3A_616, %eq3A_630 : vector<16x256xi32>
    %and3A_632 = arith.andi %and3A_573, %eq3A_631 : vector<16x256xi1>
    %select_n3A_633 = arith.select %and3A_632, %add3A_581, %select_n3A_601 : vector<16x256xi1>, vector<16x256xf32>
    %select_n3A_634 = arith.select %and3A_632, %add3A_584, %select_n3A_602 : vector<16x256xi1>, vector<16x256xf32>
    %eq3A_635 = arith.constant 3 : i32
    %eq3A_636 = vector.broadcast %eq3A_635 : i32 to vector<16x256xi32>
    %eq3A_637 = arith.cmpi eq, %add3A_616, %eq3A_636 : vector<16x256xi32>
    %and3A_638 = arith.andi %and3A_573, %eq3A_637 : vector<16x256xi1>
    %select_n3A_639 = arith.select %and3A_638, %add3A_581, %select_n3A_607 : vector<16x256xi1>, vector<16x256xf32>
    %select_n3A_640 = arith.select %and3A_638, %add3A_584, %select_n3A_608 : vector<16x256xi1>, vector<16x256xf32>
    %eq3A_641 = arith.constant 4 : i32
    %eq3A_642 = vector.broadcast %eq3A_641 : i32 to vector<16x256xi32>
    %eq3A_643 = arith.cmpi eq, %add3A_616, %eq3A_642 : vector<16x256xi32>
    %and3A_644 = arith.andi %and3A_573, %eq3A_643 : vector<16x256xi1>
    %select_n3A_645 = arith.select %and3A_644, %add3A_581, %select_n3A_613 : vector<16x256xi1>, vector<16x256xf32>
    %select_n3A_646 = arith.select %and3A_644, %add3A_584, %select_n3A_614 : vector<16x256xi1>, vector<16x256xf32>
    %eq3A_647 = arith.constant 5 : i32
    %eq3A_648 = vector.broadcast %eq3A_647 : i32 to vector<16x256xi32>
    %eq3A_649 = arith.cmpi eq, %add3A_616, %eq3A_648 : vector<16x256xi32>
    %and3A_650 = arith.andi %and3A_573, %eq3A_649 : vector<16x256xi1>
    %select_n3A_651 = arith.select %and3A_650, %add3A_581, %broadcast_in_dim3A_416 : vector<16x256xi1>, vector<16x256xf32>
    %select_n3A_652 = arith.select %and3A_650, %add3A_584, %broadcast_in_dim3A_428 : vector<16x256xi1>, vector<16x256xf32>
    %convert_element_type3A_653 = arith.extui %and3A_573 : vector<16x256xi1> to vector<16x256xi32>
    %add3A_654 = arith.addi %add3A_616, %convert_element_type3A_653 : vector<16x256xi32>
    %eq3A_655 = arith.constant 4 : i32
    %eq3A_656 = vector.broadcast %eq3A_655 : i32 to vector<16x256xi32>
    %eq3A_657 = arith.cmpi eq, %add3A_357, %eq3A_656 : vector<16x256xi32>
    %select_n3A_658 = arith.select %eq3A_657, %select_n3A_330, %select_n3A_354 : vector<16x256xi1>, vector<16x256xf32>
    %select_n3A_659 = arith.select %eq3A_657, %select_n3A_331, %select_n3A_355 : vector<16x256xi1>, vector<16x256xf32>
    %select_n3A_660 = arith.select %eq3A_657, %sub3A_368, %sub3A_404 : vector<16x256xi1>, vector<16x256xf32>
    %ge3A_661 = arith.constant 0.000000e+00 : f32
    %ge3A_662 = vector.broadcast %ge3A_661 : f32 to vector<16x256xf32>
    %ge3A_663 = arith.cmpf oge, %sub3A_395, %ge3A_662 : vector<16x256xf32>
    %ge3A_664 = arith.constant 0.000000e+00 : f32
    %ge3A_665 = vector.broadcast %ge3A_664 : f32 to vector<16x256xf32>
    %ge3A_666 = arith.cmpf oge, %select_n3A_660, %ge3A_665 : vector<16x256xf32>
    %gt3A_667 = arith.constant 3 : i32
    %gt3A_668 = vector.broadcast %gt3A_667 : i32 to vector<16x256xi32>
    %gt3A_669 = arith.cmpi sgt, %add3A_357, %gt3A_668 : vector<16x256xi32>
    %and3A_670 = arith.andi %gt3A_669, %ge3A_663 : vector<16x256xi1>
    %ne3A_671 = arith.xori %ge3A_663, %ge3A_666 : vector<16x256xi1>
    %and3A_672 = arith.andi %gt3A_669, %ne3A_671 : vector<16x256xi1>
    %sub3A_673 = arith.subf %sub3A_395, %select_n3A_660 : vector<16x256xf32>
    %jit3A_674 = arith.constant 1.000000e+00 : f32
    %broadcast_in_dim3A_675 = vector.broadcast %jit3A_674 : f32 to vector<16x256xf32>
    %select_n3A_676 = arith.select %and3A_672, %sub3A_673, %broadcast_in_dim3A_675 : vector<16x256xi1>, vector<16x256xf32>
    %div3A_677 = arith.divf %sub3A_395, %select_n3A_676 : vector<16x256xf32>
    %sub3A_678 = arith.subf %select_n3A_658, %select_n3A_348 : vector<16x256xf32>
    %mul3A_679 = arith.mulf %div3A_677, %sub3A_678 : vector<16x256xf32>
    %add3A_680 = arith.addf %select_n3A_348, %mul3A_679 : vector<16x256xf32>
    %sub3A_681 = arith.subf %select_n3A_659, %select_n3A_349 : vector<16x256xf32>
    %mul3A_682 = arith.mulf %div3A_677, %sub3A_681 : vector<16x256xf32>
    %add3A_683 = arith.addf %select_n3A_349, %mul3A_682 : vector<16x256xf32>
    %eq3A_684 = arith.constant 0 : i32
    %eq3A_685 = vector.broadcast %eq3A_684 : i32 to vector<16x256xi32>
    %eq3A_686 = arith.cmpi eq, %add3A_654, %eq3A_685 : vector<16x256xi32>
    %and3A_687 = arith.andi %and3A_670, %eq3A_686 : vector<16x256xi1>
    %select_n3A_688 = arith.select %and3A_687, %select_n3A_348, %select_n3A_621 : vector<16x256xi1>, vector<16x256xf32>
    %select_n3A_689 = arith.select %and3A_687, %select_n3A_349, %select_n3A_622 : vector<16x256xi1>, vector<16x256xf32>
    %eq3A_690 = arith.constant 1 : i32
    %eq3A_691 = vector.broadcast %eq3A_690 : i32 to vector<16x256xi32>
    %eq3A_692 = arith.cmpi eq, %add3A_654, %eq3A_691 : vector<16x256xi32>
    %and3A_693 = arith.andi %and3A_670, %eq3A_692 : vector<16x256xi1>
    %select_n3A_694 = arith.select %and3A_693, %select_n3A_348, %select_n3A_627 : vector<16x256xi1>, vector<16x256xf32>
    %select_n3A_695 = arith.select %and3A_693, %select_n3A_349, %select_n3A_628 : vector<16x256xi1>, vector<16x256xf32>
    %eq3A_696 = arith.constant 2 : i32
    %eq3A_697 = vector.broadcast %eq3A_696 : i32 to vector<16x256xi32>
    %eq3A_698 = arith.cmpi eq, %add3A_654, %eq3A_697 : vector<16x256xi32>
    %and3A_699 = arith.andi %and3A_670, %eq3A_698 : vector<16x256xi1>
    %select_n3A_700 = arith.select %and3A_699, %select_n3A_348, %select_n3A_633 : vector<16x256xi1>, vector<16x256xf32>
    %select_n3A_701 = arith.select %and3A_699, %select_n3A_349, %select_n3A_634 : vector<16x256xi1>, vector<16x256xf32>
    %eq3A_702 = arith.constant 3 : i32
    %eq3A_703 = vector.broadcast %eq3A_702 : i32 to vector<16x256xi32>
    %eq3A_704 = arith.cmpi eq, %add3A_654, %eq3A_703 : vector<16x256xi32>
    %and3A_705 = arith.andi %and3A_670, %eq3A_704 : vector<16x256xi1>
    %select_n3A_706 = arith.select %and3A_705, %select_n3A_348, %select_n3A_639 : vector<16x256xi1>, vector<16x256xf32>
    %select_n3A_707 = arith.select %and3A_705, %select_n3A_349, %select_n3A_640 : vector<16x256xi1>, vector<16x256xf32>
    %eq3A_708 = arith.constant 4 : i32
    %eq3A_709 = vector.broadcast %eq3A_708 : i32 to vector<16x256xi32>
    %eq3A_710 = arith.cmpi eq, %add3A_654, %eq3A_709 : vector<16x256xi32>
    %and3A_711 = arith.andi %and3A_670, %eq3A_710 : vector<16x256xi1>
    %select_n3A_712 = arith.select %and3A_711, %select_n3A_348, %select_n3A_645 : vector<16x256xi1>, vector<16x256xf32>
    %select_n3A_713 = arith.select %and3A_711, %select_n3A_349, %select_n3A_646 : vector<16x256xi1>, vector<16x256xf32>
    %eq3A_714 = arith.constant 5 : i32
    %eq3A_715 = vector.broadcast %eq3A_714 : i32 to vector<16x256xi32>
    %eq3A_716 = arith.cmpi eq, %add3A_654, %eq3A_715 : vector<16x256xi32>
    %and3A_717 = arith.andi %and3A_670, %eq3A_716 : vector<16x256xi1>
    %select_n3A_718 = arith.select %and3A_717, %select_n3A_348, %select_n3A_651 : vector<16x256xi1>, vector<16x256xf32>
    %select_n3A_719 = arith.select %and3A_717, %select_n3A_349, %select_n3A_652 : vector<16x256xi1>, vector<16x256xf32>
    %convert_element_type3A_720 = arith.extui %and3A_670 : vector<16x256xi1> to vector<16x256xi32>
    %add3A_721 = arith.addi %add3A_654, %convert_element_type3A_720 : vector<16x256xi32>
    %eq3A_722 = arith.constant 0 : i32
    %eq3A_723 = vector.broadcast %eq3A_722 : i32 to vector<16x256xi32>
    %eq3A_724 = arith.cmpi eq, %add3A_721, %eq3A_723 : vector<16x256xi32>
    %and3A_725 = arith.andi %and3A_672, %eq3A_724 : vector<16x256xi1>
    %select_n3A_726 = arith.select %and3A_725, %add3A_680, %select_n3A_688 : vector<16x256xi1>, vector<16x256xf32>
    %select_n3A_727 = arith.select %and3A_725, %add3A_683, %select_n3A_689 : vector<16x256xi1>, vector<16x256xf32>
    %eq3A_728 = arith.constant 1 : i32
    %eq3A_729 = vector.broadcast %eq3A_728 : i32 to vector<16x256xi32>
    %eq3A_730 = arith.cmpi eq, %add3A_721, %eq3A_729 : vector<16x256xi32>
    %and3A_731 = arith.andi %and3A_672, %eq3A_730 : vector<16x256xi1>
    %select_n3A_732 = arith.select %and3A_731, %add3A_680, %select_n3A_694 : vector<16x256xi1>, vector<16x256xf32>
    %select_n3A_733 = arith.select %and3A_731, %add3A_683, %select_n3A_695 : vector<16x256xi1>, vector<16x256xf32>
    %eq3A_734 = arith.constant 2 : i32
    %eq3A_735 = vector.broadcast %eq3A_734 : i32 to vector<16x256xi32>
    %eq3A_736 = arith.cmpi eq, %add3A_721, %eq3A_735 : vector<16x256xi32>
    %and3A_737 = arith.andi %and3A_672, %eq3A_736 : vector<16x256xi1>
    %select_n3A_738 = arith.select %and3A_737, %add3A_680, %select_n3A_700 : vector<16x256xi1>, vector<16x256xf32>
    %select_n3A_739 = arith.select %and3A_737, %add3A_683, %select_n3A_701 : vector<16x256xi1>, vector<16x256xf32>
    %eq3A_740 = arith.constant 3 : i32
    %eq3A_741 = vector.broadcast %eq3A_740 : i32 to vector<16x256xi32>
    %eq3A_742 = arith.cmpi eq, %add3A_721, %eq3A_741 : vector<16x256xi32>
    %and3A_743 = arith.andi %and3A_672, %eq3A_742 : vector<16x256xi1>
    %select_n3A_744 = arith.select %and3A_743, %add3A_680, %select_n3A_706 : vector<16x256xi1>, vector<16x256xf32>
    %select_n3A_745 = arith.select %and3A_743, %add3A_683, %select_n3A_707 : vector<16x256xi1>, vector<16x256xf32>
    %eq3A_746 = arith.constant 4 : i32
    %eq3A_747 = vector.broadcast %eq3A_746 : i32 to vector<16x256xi32>
    %eq3A_748 = arith.cmpi eq, %add3A_721, %eq3A_747 : vector<16x256xi32>
    %and3A_749 = arith.andi %and3A_672, %eq3A_748 : vector<16x256xi1>
    %select_n3A_750 = arith.select %and3A_749, %add3A_680, %select_n3A_712 : vector<16x256xi1>, vector<16x256xf32>
    %select_n3A_751 = arith.select %and3A_749, %add3A_683, %select_n3A_713 : vector<16x256xi1>, vector<16x256xf32>
    %eq3A_752 = arith.constant 5 : i32
    %eq3A_753 = vector.broadcast %eq3A_752 : i32 to vector<16x256xi32>
    %eq3A_754 = arith.cmpi eq, %add3A_721, %eq3A_753 : vector<16x256xi32>
    %and3A_755 = arith.andi %and3A_672, %eq3A_754 : vector<16x256xi1>
    %select_n3A_756 = arith.select %and3A_755, %add3A_680, %select_n3A_718 : vector<16x256xi1>, vector<16x256xf32>
    %select_n3A_757 = arith.select %and3A_755, %add3A_683, %select_n3A_719 : vector<16x256xi1>, vector<16x256xf32>
    %convert_element_type3A_758 = arith.extui %and3A_672 : vector<16x256xi1> to vector<16x256xi32>
    %add3A_759 = arith.addi %add3A_721, %convert_element_type3A_758 : vector<16x256xi32>
    %ge3A_760 = arith.constant 0.000000e+00 : f32
    %ge3A_761 = vector.broadcast %ge3A_760 : f32 to vector<16x256xf32>
    %ge3A_762 = arith.cmpf oge, %sub3A_404, %ge3A_761 : vector<16x256xf32>
    %ge3A_763 = arith.constant 0.000000e+00 : f32
    %ge3A_764 = vector.broadcast %ge3A_763 : f32 to vector<16x256xf32>
    %ge3A_765 = arith.cmpf oge, %sub3A_368, %ge3A_764 : vector<16x256xf32>
    %gt3A_766 = arith.constant 4 : i32
    %gt3A_767 = vector.broadcast %gt3A_766 : i32 to vector<16x256xi32>
    %gt3A_768 = arith.cmpi sgt, %add3A_357, %gt3A_767 : vector<16x256xi32>
    %and3A_769 = arith.andi %gt3A_768, %ge3A_762 : vector<16x256xi1>
    %ne3A_770 = arith.xori %ge3A_762, %ge3A_765 : vector<16x256xi1>
    %and3A_771 = arith.andi %gt3A_768, %ne3A_770 : vector<16x256xi1>
    %sub3A_772 = arith.subf %sub3A_404, %sub3A_368 : vector<16x256xf32>
    %jit3A_773 = arith.constant 1.000000e+00 : f32
    %broadcast_in_dim3A_774 = vector.broadcast %jit3A_773 : f32 to vector<16x256xf32>
    %select_n3A_775 = arith.select %and3A_771, %sub3A_772, %broadcast_in_dim3A_774 : vector<16x256xi1>, vector<16x256xf32>
    %div3A_776 = arith.divf %sub3A_404, %select_n3A_775 : vector<16x256xf32>
    %sub3A_777 = arith.subf %select_n3A_330, %select_n3A_354 : vector<16x256xf32>
    %mul3A_778 = arith.mulf %div3A_776, %sub3A_777 : vector<16x256xf32>
    %add3A_779 = arith.addf %select_n3A_354, %mul3A_778 : vector<16x256xf32>
    %sub3A_780 = arith.subf %select_n3A_331, %select_n3A_355 : vector<16x256xf32>
    %mul3A_781 = arith.mulf %div3A_776, %sub3A_780 : vector<16x256xf32>
    %add3A_782 = arith.addf %select_n3A_355, %mul3A_781 : vector<16x256xf32>
    %eq3A_783 = arith.constant 0 : i32
    %eq3A_784 = vector.broadcast %eq3A_783 : i32 to vector<16x256xi32>
    %eq3A_785 = arith.cmpi eq, %add3A_759, %eq3A_784 : vector<16x256xi32>
    %and3A_786 = arith.andi %and3A_769, %eq3A_785 : vector<16x256xi1>
    %select_n3A_787 = arith.select %and3A_786, %select_n3A_354, %select_n3A_726 : vector<16x256xi1>, vector<16x256xf32>
    %select_n3A_788 = arith.select %and3A_786, %select_n3A_355, %select_n3A_727 : vector<16x256xi1>, vector<16x256xf32>
    %eq3A_789 = arith.constant 1 : i32
    %eq3A_790 = vector.broadcast %eq3A_789 : i32 to vector<16x256xi32>
    %eq3A_791 = arith.cmpi eq, %add3A_759, %eq3A_790 : vector<16x256xi32>
    %and3A_792 = arith.andi %and3A_769, %eq3A_791 : vector<16x256xi1>
    %select_n3A_793 = arith.select %and3A_792, %select_n3A_354, %select_n3A_732 : vector<16x256xi1>, vector<16x256xf32>
    %select_n3A_794 = arith.select %and3A_792, %select_n3A_355, %select_n3A_733 : vector<16x256xi1>, vector<16x256xf32>
    %eq3A_795 = arith.constant 2 : i32
    %eq3A_796 = vector.broadcast %eq3A_795 : i32 to vector<16x256xi32>
    %eq3A_797 = arith.cmpi eq, %add3A_759, %eq3A_796 : vector<16x256xi32>
    %and3A_798 = arith.andi %and3A_769, %eq3A_797 : vector<16x256xi1>
    %select_n3A_799 = arith.select %and3A_798, %select_n3A_354, %select_n3A_738 : vector<16x256xi1>, vector<16x256xf32>
    %select_n3A_800 = arith.select %and3A_798, %select_n3A_355, %select_n3A_739 : vector<16x256xi1>, vector<16x256xf32>
    %eq3A_801 = arith.constant 3 : i32
    %eq3A_802 = vector.broadcast %eq3A_801 : i32 to vector<16x256xi32>
    %eq3A_803 = arith.cmpi eq, %add3A_759, %eq3A_802 : vector<16x256xi32>
    %and3A_804 = arith.andi %and3A_769, %eq3A_803 : vector<16x256xi1>
    %select_n3A_805 = arith.select %and3A_804, %select_n3A_354, %select_n3A_744 : vector<16x256xi1>, vector<16x256xf32>
    %select_n3A_806 = arith.select %and3A_804, %select_n3A_355, %select_n3A_745 : vector<16x256xi1>, vector<16x256xf32>
    %eq3A_807 = arith.constant 4 : i32
    %eq3A_808 = vector.broadcast %eq3A_807 : i32 to vector<16x256xi32>
    %eq3A_809 = arith.cmpi eq, %add3A_759, %eq3A_808 : vector<16x256xi32>
    %and3A_810 = arith.andi %and3A_769, %eq3A_809 : vector<16x256xi1>
    %select_n3A_811 = arith.select %and3A_810, %select_n3A_354, %select_n3A_750 : vector<16x256xi1>, vector<16x256xf32>
    %select_n3A_812 = arith.select %and3A_810, %select_n3A_355, %select_n3A_751 : vector<16x256xi1>, vector<16x256xf32>
    %eq3A_813 = arith.constant 5 : i32
    %eq3A_814 = vector.broadcast %eq3A_813 : i32 to vector<16x256xi32>
    %eq3A_815 = arith.cmpi eq, %add3A_759, %eq3A_814 : vector<16x256xi32>
    %and3A_816 = arith.andi %and3A_769, %eq3A_815 : vector<16x256xi1>
    %select_n3A_817 = arith.select %and3A_816, %select_n3A_354, %select_n3A_756 : vector<16x256xi1>, vector<16x256xf32>
    %select_n3A_818 = arith.select %and3A_816, %select_n3A_355, %select_n3A_757 : vector<16x256xi1>, vector<16x256xf32>
    %convert_element_type3A_819 = arith.extui %and3A_769 : vector<16x256xi1> to vector<16x256xi32>
    %add3A_820 = arith.addi %add3A_759, %convert_element_type3A_819 : vector<16x256xi32>
    %eq3A_821 = arith.constant 0 : i32
    %eq3A_822 = vector.broadcast %eq3A_821 : i32 to vector<16x256xi32>
    %eq3A_823 = arith.cmpi eq, %add3A_820, %eq3A_822 : vector<16x256xi32>
    %and3A_824 = arith.andi %and3A_771, %eq3A_823 : vector<16x256xi1>
    %select_n3A_825 = arith.select %and3A_824, %add3A_779, %select_n3A_787 : vector<16x256xi1>, vector<16x256xf32>
    %select_n3A_826 = arith.select %and3A_824, %add3A_782, %select_n3A_788 : vector<16x256xi1>, vector<16x256xf32>
    %eq3A_827 = arith.constant 1 : i32
    %eq3A_828 = vector.broadcast %eq3A_827 : i32 to vector<16x256xi32>
    %eq3A_829 = arith.cmpi eq, %add3A_820, %eq3A_828 : vector<16x256xi32>
    %and3A_830 = arith.andi %and3A_771, %eq3A_829 : vector<16x256xi1>
    %select_n3A_831 = arith.select %and3A_830, %add3A_779, %select_n3A_793 : vector<16x256xi1>, vector<16x256xf32>
    %select_n3A_832 = arith.select %and3A_830, %add3A_782, %select_n3A_794 : vector<16x256xi1>, vector<16x256xf32>
    %eq3A_833 = arith.constant 2 : i32
    %eq3A_834 = vector.broadcast %eq3A_833 : i32 to vector<16x256xi32>
    %eq3A_835 = arith.cmpi eq, %add3A_820, %eq3A_834 : vector<16x256xi32>
    %and3A_836 = arith.andi %and3A_771, %eq3A_835 : vector<16x256xi1>
    %select_n3A_837 = arith.select %and3A_836, %add3A_779, %select_n3A_799 : vector<16x256xi1>, vector<16x256xf32>
    %select_n3A_838 = arith.select %and3A_836, %add3A_782, %select_n3A_800 : vector<16x256xi1>, vector<16x256xf32>
    %eq3A_839 = arith.constant 3 : i32
    %eq3A_840 = vector.broadcast %eq3A_839 : i32 to vector<16x256xi32>
    %eq3A_841 = arith.cmpi eq, %add3A_820, %eq3A_840 : vector<16x256xi32>
    %and3A_842 = arith.andi %and3A_771, %eq3A_841 : vector<16x256xi1>
    %select_n3A_843 = arith.select %and3A_842, %add3A_779, %select_n3A_805 : vector<16x256xi1>, vector<16x256xf32>
    %select_n3A_844 = arith.select %and3A_842, %add3A_782, %select_n3A_806 : vector<16x256xi1>, vector<16x256xf32>
    %eq3A_845 = arith.constant 4 : i32
    %eq3A_846 = vector.broadcast %eq3A_845 : i32 to vector<16x256xi32>
    %eq3A_847 = arith.cmpi eq, %add3A_820, %eq3A_846 : vector<16x256xi32>
    %and3A_848 = arith.andi %and3A_771, %eq3A_847 : vector<16x256xi1>
    %select_n3A_849 = arith.select %and3A_848, %add3A_779, %select_n3A_811 : vector<16x256xi1>, vector<16x256xf32>
    %select_n3A_850 = arith.select %and3A_848, %add3A_782, %select_n3A_812 : vector<16x256xi1>, vector<16x256xf32>
    %eq3A_851 = arith.constant 5 : i32
    %eq3A_852 = vector.broadcast %eq3A_851 : i32 to vector<16x256xi32>
    %eq3A_853 = arith.cmpi eq, %add3A_820, %eq3A_852 : vector<16x256xi32>
    %and3A_854 = arith.andi %and3A_771, %eq3A_853 : vector<16x256xi1>
    %select_n3A_855 = arith.select %and3A_854, %add3A_779, %select_n3A_817 : vector<16x256xi1>, vector<16x256xf32>
    %select_n3A_856 = arith.select %and3A_854, %add3A_782, %select_n3A_818 : vector<16x256xi1>, vector<16x256xf32>
    %convert_element_type3A_857 = arith.extui %and3A_771 : vector<16x256xi1> to vector<16x256xi32>
    %add3A_858 = arith.addi %add3A_820, %convert_element_type3A_857 : vector<16x256xi32>
    %sub3A_859 = arith.subf %slice3A_35, %slice3A_34 : vector<1x256xf32>
    %sub3A_860 = arith.subf %slice3A_39, %slice3A_38 : vector<1x256xf32>
    %sub3A_861 = vector.broadcast %slice3A_38 : vector<1x256xf32> to vector<16x256xf32>
    %sub3A_862 = arith.subf %select_n3A_826, %sub3A_861 : vector<16x256xf32>
    %mul3A_863 = vector.broadcast %sub3A_859 : vector<1x256xf32> to vector<16x256xf32>
    %mul3A_864 = arith.mulf %mul3A_863, %sub3A_862 : vector<16x256xf32>
    %sub3A_865 = vector.broadcast %slice3A_34 : vector<1x256xf32> to vector<16x256xf32>
    %sub3A_866 = arith.subf %select_n3A_825, %sub3A_865 : vector<16x256xf32>
    %mul3A_867 = vector.broadcast %sub3A_860 : vector<1x256xf32> to vector<16x256xf32>
    %mul3A_868 = arith.mulf %mul3A_867, %sub3A_866 : vector<16x256xf32>
    %sub3A_869 = arith.subf %mul3A_864, %mul3A_868 : vector<16x256xf32>
    %sub3A_870 = vector.broadcast %slice3A_38 : vector<1x256xf32> to vector<16x256xf32>
    %sub3A_871 = arith.subf %select_n3A_832, %sub3A_870 : vector<16x256xf32>
    %mul3A_872 = vector.broadcast %sub3A_859 : vector<1x256xf32> to vector<16x256xf32>
    %mul3A_873 = arith.mulf %mul3A_872, %sub3A_871 : vector<16x256xf32>
    %sub3A_874 = vector.broadcast %slice3A_34 : vector<1x256xf32> to vector<16x256xf32>
    %sub3A_875 = arith.subf %select_n3A_831, %sub3A_874 : vector<16x256xf32>
    %mul3A_876 = vector.broadcast %sub3A_860 : vector<1x256xf32> to vector<16x256xf32>
    %mul3A_877 = arith.mulf %mul3A_876, %sub3A_875 : vector<16x256xf32>
    %sub3A_878 = arith.subf %mul3A_873, %mul3A_877 : vector<16x256xf32>
    %sub3A_879 = vector.broadcast %slice3A_38 : vector<1x256xf32> to vector<16x256xf32>
    %sub3A_880 = arith.subf %select_n3A_838, %sub3A_879 : vector<16x256xf32>
    %mul3A_881 = vector.broadcast %sub3A_859 : vector<1x256xf32> to vector<16x256xf32>
    %mul3A_882 = arith.mulf %mul3A_881, %sub3A_880 : vector<16x256xf32>
    %sub3A_883 = vector.broadcast %slice3A_34 : vector<1x256xf32> to vector<16x256xf32>
    %sub3A_884 = arith.subf %select_n3A_837, %sub3A_883 : vector<16x256xf32>
    %mul3A_885 = vector.broadcast %sub3A_860 : vector<1x256xf32> to vector<16x256xf32>
    %mul3A_886 = arith.mulf %mul3A_885, %sub3A_884 : vector<16x256xf32>
    %sub3A_887 = arith.subf %mul3A_882, %mul3A_886 : vector<16x256xf32>
    %sub3A_888 = vector.broadcast %slice3A_38 : vector<1x256xf32> to vector<16x256xf32>
    %sub3A_889 = arith.subf %select_n3A_844, %sub3A_888 : vector<16x256xf32>
    %mul3A_890 = vector.broadcast %sub3A_859 : vector<1x256xf32> to vector<16x256xf32>
    %mul3A_891 = arith.mulf %mul3A_890, %sub3A_889 : vector<16x256xf32>
    %sub3A_892 = vector.broadcast %slice3A_34 : vector<1x256xf32> to vector<16x256xf32>
    %sub3A_893 = arith.subf %select_n3A_843, %sub3A_892 : vector<16x256xf32>
    %mul3A_894 = vector.broadcast %sub3A_860 : vector<1x256xf32> to vector<16x256xf32>
    %mul3A_895 = arith.mulf %mul3A_894, %sub3A_893 : vector<16x256xf32>
    %sub3A_896 = arith.subf %mul3A_891, %mul3A_895 : vector<16x256xf32>
    %sub3A_897 = vector.broadcast %slice3A_38 : vector<1x256xf32> to vector<16x256xf32>
    %sub3A_898 = arith.subf %select_n3A_850, %sub3A_897 : vector<16x256xf32>
    %mul3A_899 = vector.broadcast %sub3A_859 : vector<1x256xf32> to vector<16x256xf32>
    %mul3A_900 = arith.mulf %mul3A_899, %sub3A_898 : vector<16x256xf32>
    %sub3A_901 = vector.broadcast %slice3A_34 : vector<1x256xf32> to vector<16x256xf32>
    %sub3A_902 = arith.subf %select_n3A_849, %sub3A_901 : vector<16x256xf32>
    %mul3A_903 = vector.broadcast %sub3A_860 : vector<1x256xf32> to vector<16x256xf32>
    %mul3A_904 = arith.mulf %mul3A_903, %sub3A_902 : vector<16x256xf32>
    %sub3A_905 = arith.subf %mul3A_900, %mul3A_904 : vector<16x256xf32>
    %sub3A_906 = vector.broadcast %slice3A_38 : vector<1x256xf32> to vector<16x256xf32>
    %sub3A_907 = arith.subf %select_n3A_856, %sub3A_906 : vector<16x256xf32>
    %mul3A_908 = vector.broadcast %sub3A_859 : vector<1x256xf32> to vector<16x256xf32>
    %mul3A_909 = arith.mulf %mul3A_908, %sub3A_907 : vector<16x256xf32>
    %sub3A_910 = vector.broadcast %slice3A_34 : vector<1x256xf32> to vector<16x256xf32>
    %sub3A_911 = arith.subf %select_n3A_855, %sub3A_910 : vector<16x256xf32>
    %mul3A_912 = vector.broadcast %sub3A_860 : vector<1x256xf32> to vector<16x256xf32>
    %mul3A_913 = arith.mulf %mul3A_912, %sub3A_911 : vector<16x256xf32>
    %sub3A_914 = arith.subf %mul3A_909, %mul3A_913 : vector<16x256xf32>
    %broadcast_in_dim3A_915 = arith.constant 0.000000e+00 : f32
    %broadcast_in_dim3A_916 = vector.broadcast %broadcast_in_dim3A_915 : f32 to vector<16x256xf32>
    %broadcast_in_dim3A_917 = arith.constant 0.000000e+00 : f32
    %broadcast_in_dim3A_918 = vector.broadcast %broadcast_in_dim3A_917 : f32 to vector<16x256xf32>
    %broadcast_in_dim3A_919 = arith.constant 0.000000e+00 : f32
    %broadcast_in_dim3A_920 = vector.broadcast %broadcast_in_dim3A_919 : f32 to vector<16x256xf32>
    %broadcast_in_dim3A_921 = arith.constant 0.000000e+00 : f32
    %broadcast_in_dim3A_922 = vector.broadcast %broadcast_in_dim3A_921 : f32 to vector<16x256xf32>
    %broadcast_in_dim3A_923 = arith.constant 0.000000e+00 : f32
    %broadcast_in_dim3A_924 = vector.broadcast %broadcast_in_dim3A_923 : f32 to vector<16x256xf32>
    %broadcast_in_dim3A_925 = arith.constant 0.000000e+00 : f32
    %broadcast_in_dim3A_926 = vector.broadcast %broadcast_in_dim3A_925 : f32 to vector<16x256xf32>
    %broadcast_in_dim3A_927 = arith.constant 0.000000e+00 : f32
    %broadcast_in_dim3A_928 = vector.broadcast %broadcast_in_dim3A_927 : f32 to vector<16x256xf32>
    %broadcast_in_dim3A_929 = arith.constant 0.000000e+00 : f32
    %broadcast_in_dim3A_930 = vector.broadcast %broadcast_in_dim3A_929 : f32 to vector<16x256xf32>
    %broadcast_in_dim3A_931 = arith.constant 0.000000e+00 : f32
    %broadcast_in_dim3A_932 = vector.broadcast %broadcast_in_dim3A_931 : f32 to vector<16x256xf32>
    %broadcast_in_dim3A_933 = arith.constant 0.000000e+00 : f32
    %broadcast_in_dim3A_934 = vector.broadcast %broadcast_in_dim3A_933 : f32 to vector<16x256xf32>
    %broadcast_in_dim3A_935 = arith.constant 0.000000e+00 : f32
    %broadcast_in_dim3A_936 = vector.broadcast %broadcast_in_dim3A_935 : f32 to vector<16x256xf32>
    %broadcast_in_dim3A_937 = arith.constant 0.000000e+00 : f32
    %broadcast_in_dim3A_938 = vector.broadcast %broadcast_in_dim3A_937 : f32 to vector<16x256xf32>
    %broadcast_in_dim3A_939 = arith.constant 0.000000e+00 : f32
    %broadcast_in_dim3A_940 = vector.broadcast %broadcast_in_dim3A_939 : f32 to vector<16x256xf32>
    %broadcast_in_dim3A_941 = arith.constant 0.000000e+00 : f32
    %broadcast_in_dim3A_942 = vector.broadcast %broadcast_in_dim3A_941 : f32 to vector<16x256xf32>
    %broadcast_in_dim3A_943 = arith.constant 0 : i32
    %broadcast_in_dim3A_944 = vector.broadcast %broadcast_in_dim3A_943 : i32 to vector<16x256xi32>
    %eq3A_945 = arith.constant 1 : i32
    %eq3A_946 = vector.broadcast %eq3A_945 : i32 to vector<16x256xi32>
    %eq3A_947 = arith.cmpi eq, %add3A_858, %eq3A_946 : vector<16x256xi32>
    %select_n3A_948 = arith.select %eq3A_947, %select_n3A_825, %select_n3A_831 : vector<16x256xi1>, vector<16x256xf32>
    %select_n3A_949 = arith.select %eq3A_947, %select_n3A_826, %select_n3A_832 : vector<16x256xi1>, vector<16x256xf32>
    %select_n3A_950 = arith.select %eq3A_947, %sub3A_869, %sub3A_878 : vector<16x256xi1>, vector<16x256xf32>
    %ge3A_951 = arith.constant 0.000000e+00 : f32
    %ge3A_952 = vector.broadcast %ge3A_951 : f32 to vector<16x256xf32>
    %ge3A_953 = arith.cmpf oge, %sub3A_869, %ge3A_952 : vector<16x256xf32>
    %ge3A_954 = arith.constant 0.000000e+00 : f32
    %ge3A_955 = vector.broadcast %ge3A_954 : f32 to vector<16x256xf32>
    %ge3A_956 = arith.cmpf oge, %select_n3A_950, %ge3A_955 : vector<16x256xf32>
    %gt3A_957 = arith.constant 0 : i32
    %gt3A_958 = vector.broadcast %gt3A_957 : i32 to vector<16x256xi32>
    %gt3A_959 = arith.cmpi sgt, %add3A_858, %gt3A_958 : vector<16x256xi32>
    %and3A_960 = arith.andi %gt3A_959, %ge3A_953 : vector<16x256xi1>
    %ne3A_961 = arith.xori %ge3A_953, %ge3A_956 : vector<16x256xi1>
    %and3A_962 = arith.andi %gt3A_959, %ne3A_961 : vector<16x256xi1>
    %sub3A_963 = arith.subf %sub3A_869, %select_n3A_950 : vector<16x256xf32>
    %jit3A_964 = arith.constant 1.000000e+00 : f32
    %broadcast_in_dim3A_965 = vector.broadcast %jit3A_964 : f32 to vector<16x256xf32>
    %select_n3A_966 = arith.select %and3A_962, %sub3A_963, %broadcast_in_dim3A_965 : vector<16x256xi1>, vector<16x256xf32>
    %div3A_967 = arith.divf %sub3A_869, %select_n3A_966 : vector<16x256xf32>
    %sub3A_968 = arith.subf %select_n3A_948, %select_n3A_825 : vector<16x256xf32>
    %mul3A_969 = arith.mulf %div3A_967, %sub3A_968 : vector<16x256xf32>
    %add3A_970 = arith.addf %select_n3A_825, %mul3A_969 : vector<16x256xf32>
    %sub3A_971 = arith.subf %select_n3A_949, %select_n3A_826 : vector<16x256xf32>
    %mul3A_972 = arith.mulf %div3A_967, %sub3A_971 : vector<16x256xf32>
    %add3A_973 = arith.addf %select_n3A_826, %mul3A_972 : vector<16x256xf32>
    %eq3A_974 = arith.constant 0 : i32
    %eq3A_975 = vector.broadcast %eq3A_974 : i32 to vector<16x256xi32>
    %eq3A_976 = arith.cmpi eq, %broadcast_in_dim3A_944, %eq3A_975 : vector<16x256xi32>
    %and3A_977 = arith.andi %and3A_960, %eq3A_976 : vector<16x256xi1>
    %select_n3A_978 = arith.select %and3A_977, %select_n3A_825, %broadcast_in_dim3A_916 : vector<16x256xi1>, vector<16x256xf32>
    %select_n3A_979 = arith.select %and3A_977, %select_n3A_826, %broadcast_in_dim3A_930 : vector<16x256xi1>, vector<16x256xf32>
    %convert_element_type3A_980 = arith.extui %and3A_960 : vector<16x256xi1> to vector<16x256xi32>
    %add3A_981 = arith.addi %broadcast_in_dim3A_944, %convert_element_type3A_980 : vector<16x256xi32>
    %eq3A_982 = arith.constant 0 : i32
    %eq3A_983 = vector.broadcast %eq3A_982 : i32 to vector<16x256xi32>
    %eq3A_984 = arith.cmpi eq, %add3A_981, %eq3A_983 : vector<16x256xi32>
    %and3A_985 = arith.andi %and3A_962, %eq3A_984 : vector<16x256xi1>
    %select_n3A_986 = arith.select %and3A_985, %add3A_970, %select_n3A_978 : vector<16x256xi1>, vector<16x256xf32>
    %select_n3A_987 = arith.select %and3A_985, %add3A_973, %select_n3A_979 : vector<16x256xi1>, vector<16x256xf32>
    %eq3A_988 = arith.constant 1 : i32
    %eq3A_989 = vector.broadcast %eq3A_988 : i32 to vector<16x256xi32>
    %eq3A_990 = arith.cmpi eq, %add3A_981, %eq3A_989 : vector<16x256xi32>
    %and3A_991 = arith.andi %and3A_962, %eq3A_990 : vector<16x256xi1>
    %select_n3A_992 = arith.select %and3A_991, %add3A_970, %broadcast_in_dim3A_918 : vector<16x256xi1>, vector<16x256xf32>
    %select_n3A_993 = arith.select %and3A_991, %add3A_973, %broadcast_in_dim3A_932 : vector<16x256xi1>, vector<16x256xf32>
    %convert_element_type3A_994 = arith.extui %and3A_962 : vector<16x256xi1> to vector<16x256xi32>
    %add3A_995 = arith.addi %add3A_981, %convert_element_type3A_994 : vector<16x256xi32>
    %eq3A_996 = arith.constant 2 : i32
    %eq3A_997 = vector.broadcast %eq3A_996 : i32 to vector<16x256xi32>
    %eq3A_998 = arith.cmpi eq, %add3A_858, %eq3A_997 : vector<16x256xi32>
    %select_n3A_999 = arith.select %eq3A_998, %select_n3A_825, %select_n3A_837 : vector<16x256xi1>, vector<16x256xf32>
    %select_n3A_1000 = arith.select %eq3A_998, %select_n3A_826, %select_n3A_838 : vector<16x256xi1>, vector<16x256xf32>
    %select_n3A_1001 = arith.select %eq3A_998, %sub3A_869, %sub3A_887 : vector<16x256xi1>, vector<16x256xf32>
    %ge3A_1002 = arith.constant 0.000000e+00 : f32
    %ge3A_1003 = vector.broadcast %ge3A_1002 : f32 to vector<16x256xf32>
    %ge3A_1004 = arith.cmpf oge, %sub3A_878, %ge3A_1003 : vector<16x256xf32>
    %ge3A_1005 = arith.constant 0.000000e+00 : f32
    %ge3A_1006 = vector.broadcast %ge3A_1005 : f32 to vector<16x256xf32>
    %ge3A_1007 = arith.cmpf oge, %select_n3A_1001, %ge3A_1006 : vector<16x256xf32>
    %gt3A_1008 = arith.constant 1 : i32
    %gt3A_1009 = vector.broadcast %gt3A_1008 : i32 to vector<16x256xi32>
    %gt3A_1010 = arith.cmpi sgt, %add3A_858, %gt3A_1009 : vector<16x256xi32>
    %and3A_1011 = arith.andi %gt3A_1010, %ge3A_1004 : vector<16x256xi1>
    %ne3A_1012 = arith.xori %ge3A_1004, %ge3A_1007 : vector<16x256xi1>
    %and3A_1013 = arith.andi %gt3A_1010, %ne3A_1012 : vector<16x256xi1>
    %sub3A_1014 = arith.subf %sub3A_878, %select_n3A_1001 : vector<16x256xf32>
    %jit3A_1015 = arith.constant 1.000000e+00 : f32
    %broadcast_in_dim3A_1016 = vector.broadcast %jit3A_1015 : f32 to vector<16x256xf32>
    %select_n3A_1017 = arith.select %and3A_1013, %sub3A_1014, %broadcast_in_dim3A_1016 : vector<16x256xi1>, vector<16x256xf32>
    %div3A_1018 = arith.divf %sub3A_878, %select_n3A_1017 : vector<16x256xf32>
    %sub3A_1019 = arith.subf %select_n3A_999, %select_n3A_831 : vector<16x256xf32>
    %mul3A_1020 = arith.mulf %div3A_1018, %sub3A_1019 : vector<16x256xf32>
    %add3A_1021 = arith.addf %select_n3A_831, %mul3A_1020 : vector<16x256xf32>
    %sub3A_1022 = arith.subf %select_n3A_1000, %select_n3A_832 : vector<16x256xf32>
    %mul3A_1023 = arith.mulf %div3A_1018, %sub3A_1022 : vector<16x256xf32>
    %add3A_1024 = arith.addf %select_n3A_832, %mul3A_1023 : vector<16x256xf32>
    %eq3A_1025 = arith.constant 0 : i32
    %eq3A_1026 = vector.broadcast %eq3A_1025 : i32 to vector<16x256xi32>
    %eq3A_1027 = arith.cmpi eq, %add3A_995, %eq3A_1026 : vector<16x256xi32>
    %and3A_1028 = arith.andi %and3A_1011, %eq3A_1027 : vector<16x256xi1>
    %select_n3A_1029 = arith.select %and3A_1028, %select_n3A_831, %select_n3A_986 : vector<16x256xi1>, vector<16x256xf32>
    %select_n3A_1030 = arith.select %and3A_1028, %select_n3A_832, %select_n3A_987 : vector<16x256xi1>, vector<16x256xf32>
    %eq3A_1031 = arith.constant 1 : i32
    %eq3A_1032 = vector.broadcast %eq3A_1031 : i32 to vector<16x256xi32>
    %eq3A_1033 = arith.cmpi eq, %add3A_995, %eq3A_1032 : vector<16x256xi32>
    %and3A_1034 = arith.andi %and3A_1011, %eq3A_1033 : vector<16x256xi1>
    %select_n3A_1035 = arith.select %and3A_1034, %select_n3A_831, %select_n3A_992 : vector<16x256xi1>, vector<16x256xf32>
    %select_n3A_1036 = arith.select %and3A_1034, %select_n3A_832, %select_n3A_993 : vector<16x256xi1>, vector<16x256xf32>
    %eq3A_1037 = arith.constant 2 : i32
    %eq3A_1038 = vector.broadcast %eq3A_1037 : i32 to vector<16x256xi32>
    %eq3A_1039 = arith.cmpi eq, %add3A_995, %eq3A_1038 : vector<16x256xi32>
    %and3A_1040 = arith.andi %and3A_1011, %eq3A_1039 : vector<16x256xi1>
    %select_n3A_1041 = arith.select %and3A_1040, %select_n3A_831, %broadcast_in_dim3A_920 : vector<16x256xi1>, vector<16x256xf32>
    %select_n3A_1042 = arith.select %and3A_1040, %select_n3A_832, %broadcast_in_dim3A_934 : vector<16x256xi1>, vector<16x256xf32>
    %convert_element_type3A_1043 = arith.extui %and3A_1011 : vector<16x256xi1> to vector<16x256xi32>
    %add3A_1044 = arith.addi %add3A_995, %convert_element_type3A_1043 : vector<16x256xi32>
    %eq3A_1045 = arith.constant 0 : i32
    %eq3A_1046 = vector.broadcast %eq3A_1045 : i32 to vector<16x256xi32>
    %eq3A_1047 = arith.cmpi eq, %add3A_1044, %eq3A_1046 : vector<16x256xi32>
    %and3A_1048 = arith.andi %and3A_1013, %eq3A_1047 : vector<16x256xi1>
    %select_n3A_1049 = arith.select %and3A_1048, %add3A_1021, %select_n3A_1029 : vector<16x256xi1>, vector<16x256xf32>
    %select_n3A_1050 = arith.select %and3A_1048, %add3A_1024, %select_n3A_1030 : vector<16x256xi1>, vector<16x256xf32>
    %eq3A_1051 = arith.constant 1 : i32
    %eq3A_1052 = vector.broadcast %eq3A_1051 : i32 to vector<16x256xi32>
    %eq3A_1053 = arith.cmpi eq, %add3A_1044, %eq3A_1052 : vector<16x256xi32>
    %and3A_1054 = arith.andi %and3A_1013, %eq3A_1053 : vector<16x256xi1>
    %select_n3A_1055 = arith.select %and3A_1054, %add3A_1021, %select_n3A_1035 : vector<16x256xi1>, vector<16x256xf32>
    %select_n3A_1056 = arith.select %and3A_1054, %add3A_1024, %select_n3A_1036 : vector<16x256xi1>, vector<16x256xf32>
    %eq3A_1057 = arith.constant 2 : i32
    %eq3A_1058 = vector.broadcast %eq3A_1057 : i32 to vector<16x256xi32>
    %eq3A_1059 = arith.cmpi eq, %add3A_1044, %eq3A_1058 : vector<16x256xi32>
    %and3A_1060 = arith.andi %and3A_1013, %eq3A_1059 : vector<16x256xi1>
    %select_n3A_1061 = arith.select %and3A_1060, %add3A_1021, %select_n3A_1041 : vector<16x256xi1>, vector<16x256xf32>
    %select_n3A_1062 = arith.select %and3A_1060, %add3A_1024, %select_n3A_1042 : vector<16x256xi1>, vector<16x256xf32>
    %eq3A_1063 = arith.constant 3 : i32
    %eq3A_1064 = vector.broadcast %eq3A_1063 : i32 to vector<16x256xi32>
    %eq3A_1065 = arith.cmpi eq, %add3A_1044, %eq3A_1064 : vector<16x256xi32>
    %and3A_1066 = arith.andi %and3A_1013, %eq3A_1065 : vector<16x256xi1>
    %select_n3A_1067 = arith.select %and3A_1066, %add3A_1021, %broadcast_in_dim3A_922 : vector<16x256xi1>, vector<16x256xf32>
    %select_n3A_1068 = arith.select %and3A_1066, %add3A_1024, %broadcast_in_dim3A_936 : vector<16x256xi1>, vector<16x256xf32>
    %convert_element_type3A_1069 = arith.extui %and3A_1013 : vector<16x256xi1> to vector<16x256xi32>
    %add3A_1070 = arith.addi %add3A_1044, %convert_element_type3A_1069 : vector<16x256xi32>
    %eq3A_1071 = arith.constant 3 : i32
    %eq3A_1072 = vector.broadcast %eq3A_1071 : i32 to vector<16x256xi32>
    %eq3A_1073 = arith.cmpi eq, %add3A_858, %eq3A_1072 : vector<16x256xi32>
    %select_n3A_1074 = arith.select %eq3A_1073, %select_n3A_825, %select_n3A_843 : vector<16x256xi1>, vector<16x256xf32>
    %select_n3A_1075 = arith.select %eq3A_1073, %select_n3A_826, %select_n3A_844 : vector<16x256xi1>, vector<16x256xf32>
    %select_n3A_1076 = arith.select %eq3A_1073, %sub3A_869, %sub3A_896 : vector<16x256xi1>, vector<16x256xf32>
    %ge3A_1077 = arith.constant 0.000000e+00 : f32
    %ge3A_1078 = vector.broadcast %ge3A_1077 : f32 to vector<16x256xf32>
    %ge3A_1079 = arith.cmpf oge, %sub3A_887, %ge3A_1078 : vector<16x256xf32>
    %ge3A_1080 = arith.constant 0.000000e+00 : f32
    %ge3A_1081 = vector.broadcast %ge3A_1080 : f32 to vector<16x256xf32>
    %ge3A_1082 = arith.cmpf oge, %select_n3A_1076, %ge3A_1081 : vector<16x256xf32>
    %gt3A_1083 = arith.constant 2 : i32
    %gt3A_1084 = vector.broadcast %gt3A_1083 : i32 to vector<16x256xi32>
    %gt3A_1085 = arith.cmpi sgt, %add3A_858, %gt3A_1084 : vector<16x256xi32>
    %and3A_1086 = arith.andi %gt3A_1085, %ge3A_1079 : vector<16x256xi1>
    %ne3A_1087 = arith.xori %ge3A_1079, %ge3A_1082 : vector<16x256xi1>
    %and3A_1088 = arith.andi %gt3A_1085, %ne3A_1087 : vector<16x256xi1>
    %sub3A_1089 = arith.subf %sub3A_887, %select_n3A_1076 : vector<16x256xf32>
    %jit3A_1090 = arith.constant 1.000000e+00 : f32
    %broadcast_in_dim3A_1091 = vector.broadcast %jit3A_1090 : f32 to vector<16x256xf32>
    %select_n3A_1092 = arith.select %and3A_1088, %sub3A_1089, %broadcast_in_dim3A_1091 : vector<16x256xi1>, vector<16x256xf32>
    %div3A_1093 = arith.divf %sub3A_887, %select_n3A_1092 : vector<16x256xf32>
    %sub3A_1094 = arith.subf %select_n3A_1074, %select_n3A_837 : vector<16x256xf32>
    %mul3A_1095 = arith.mulf %div3A_1093, %sub3A_1094 : vector<16x256xf32>
    %add3A_1096 = arith.addf %select_n3A_837, %mul3A_1095 : vector<16x256xf32>
    %sub3A_1097 = arith.subf %select_n3A_1075, %select_n3A_838 : vector<16x256xf32>
    %mul3A_1098 = arith.mulf %div3A_1093, %sub3A_1097 : vector<16x256xf32>
    %add3A_1099 = arith.addf %select_n3A_838, %mul3A_1098 : vector<16x256xf32>
    %eq3A_1100 = arith.constant 0 : i32
    %eq3A_1101 = vector.broadcast %eq3A_1100 : i32 to vector<16x256xi32>
    %eq3A_1102 = arith.cmpi eq, %add3A_1070, %eq3A_1101 : vector<16x256xi32>
    %and3A_1103 = arith.andi %and3A_1086, %eq3A_1102 : vector<16x256xi1>
    %select_n3A_1104 = arith.select %and3A_1103, %select_n3A_837, %select_n3A_1049 : vector<16x256xi1>, vector<16x256xf32>
    %select_n3A_1105 = arith.select %and3A_1103, %select_n3A_838, %select_n3A_1050 : vector<16x256xi1>, vector<16x256xf32>
    %eq3A_1106 = arith.constant 1 : i32
    %eq3A_1107 = vector.broadcast %eq3A_1106 : i32 to vector<16x256xi32>
    %eq3A_1108 = arith.cmpi eq, %add3A_1070, %eq3A_1107 : vector<16x256xi32>
    %and3A_1109 = arith.andi %and3A_1086, %eq3A_1108 : vector<16x256xi1>
    %select_n3A_1110 = arith.select %and3A_1109, %select_n3A_837, %select_n3A_1055 : vector<16x256xi1>, vector<16x256xf32>
    %select_n3A_1111 = arith.select %and3A_1109, %select_n3A_838, %select_n3A_1056 : vector<16x256xi1>, vector<16x256xf32>
    %eq3A_1112 = arith.constant 2 : i32
    %eq3A_1113 = vector.broadcast %eq3A_1112 : i32 to vector<16x256xi32>
    %eq3A_1114 = arith.cmpi eq, %add3A_1070, %eq3A_1113 : vector<16x256xi32>
    %and3A_1115 = arith.andi %and3A_1086, %eq3A_1114 : vector<16x256xi1>
    %select_n3A_1116 = arith.select %and3A_1115, %select_n3A_837, %select_n3A_1061 : vector<16x256xi1>, vector<16x256xf32>
    %select_n3A_1117 = arith.select %and3A_1115, %select_n3A_838, %select_n3A_1062 : vector<16x256xi1>, vector<16x256xf32>
    %eq3A_1118 = arith.constant 3 : i32
    %eq3A_1119 = vector.broadcast %eq3A_1118 : i32 to vector<16x256xi32>
    %eq3A_1120 = arith.cmpi eq, %add3A_1070, %eq3A_1119 : vector<16x256xi32>
    %and3A_1121 = arith.andi %and3A_1086, %eq3A_1120 : vector<16x256xi1>
    %select_n3A_1122 = arith.select %and3A_1121, %select_n3A_837, %select_n3A_1067 : vector<16x256xi1>, vector<16x256xf32>
    %select_n3A_1123 = arith.select %and3A_1121, %select_n3A_838, %select_n3A_1068 : vector<16x256xi1>, vector<16x256xf32>
    %eq3A_1124 = arith.constant 4 : i32
    %eq3A_1125 = vector.broadcast %eq3A_1124 : i32 to vector<16x256xi32>
    %eq3A_1126 = arith.cmpi eq, %add3A_1070, %eq3A_1125 : vector<16x256xi32>
    %and3A_1127 = arith.andi %and3A_1086, %eq3A_1126 : vector<16x256xi1>
    %select_n3A_1128 = arith.select %and3A_1127, %select_n3A_837, %broadcast_in_dim3A_924 : vector<16x256xi1>, vector<16x256xf32>
    %select_n3A_1129 = arith.select %and3A_1127, %select_n3A_838, %broadcast_in_dim3A_938 : vector<16x256xi1>, vector<16x256xf32>
    %convert_element_type3A_1130 = arith.extui %and3A_1086 : vector<16x256xi1> to vector<16x256xi32>
    %add3A_1131 = arith.addi %add3A_1070, %convert_element_type3A_1130 : vector<16x256xi32>
    %eq3A_1132 = arith.constant 0 : i32
    %eq3A_1133 = vector.broadcast %eq3A_1132 : i32 to vector<16x256xi32>
    %eq3A_1134 = arith.cmpi eq, %add3A_1131, %eq3A_1133 : vector<16x256xi32>
    %and3A_1135 = arith.andi %and3A_1088, %eq3A_1134 : vector<16x256xi1>
    %select_n3A_1136 = arith.select %and3A_1135, %add3A_1096, %select_n3A_1104 : vector<16x256xi1>, vector<16x256xf32>
    %select_n3A_1137 = arith.select %and3A_1135, %add3A_1099, %select_n3A_1105 : vector<16x256xi1>, vector<16x256xf32>
    %eq3A_1138 = arith.constant 1 : i32
    %eq3A_1139 = vector.broadcast %eq3A_1138 : i32 to vector<16x256xi32>
    %eq3A_1140 = arith.cmpi eq, %add3A_1131, %eq3A_1139 : vector<16x256xi32>
    %and3A_1141 = arith.andi %and3A_1088, %eq3A_1140 : vector<16x256xi1>
    %select_n3A_1142 = arith.select %and3A_1141, %add3A_1096, %select_n3A_1110 : vector<16x256xi1>, vector<16x256xf32>
    %select_n3A_1143 = arith.select %and3A_1141, %add3A_1099, %select_n3A_1111 : vector<16x256xi1>, vector<16x256xf32>
    %eq3A_1144 = arith.constant 2 : i32
    %eq3A_1145 = vector.broadcast %eq3A_1144 : i32 to vector<16x256xi32>
    %eq3A_1146 = arith.cmpi eq, %add3A_1131, %eq3A_1145 : vector<16x256xi32>
    %and3A_1147 = arith.andi %and3A_1088, %eq3A_1146 : vector<16x256xi1>
    %select_n3A_1148 = arith.select %and3A_1147, %add3A_1096, %select_n3A_1116 : vector<16x256xi1>, vector<16x256xf32>
    %select_n3A_1149 = arith.select %and3A_1147, %add3A_1099, %select_n3A_1117 : vector<16x256xi1>, vector<16x256xf32>
    %eq3A_1150 = arith.constant 3 : i32
    %eq3A_1151 = vector.broadcast %eq3A_1150 : i32 to vector<16x256xi32>
    %eq3A_1152 = arith.cmpi eq, %add3A_1131, %eq3A_1151 : vector<16x256xi32>
    %and3A_1153 = arith.andi %and3A_1088, %eq3A_1152 : vector<16x256xi1>
    %select_n3A_1154 = arith.select %and3A_1153, %add3A_1096, %select_n3A_1122 : vector<16x256xi1>, vector<16x256xf32>
    %select_n3A_1155 = arith.select %and3A_1153, %add3A_1099, %select_n3A_1123 : vector<16x256xi1>, vector<16x256xf32>
    %eq3A_1156 = arith.constant 4 : i32
    %eq3A_1157 = vector.broadcast %eq3A_1156 : i32 to vector<16x256xi32>
    %eq3A_1158 = arith.cmpi eq, %add3A_1131, %eq3A_1157 : vector<16x256xi32>
    %and3A_1159 = arith.andi %and3A_1088, %eq3A_1158 : vector<16x256xi1>
    %select_n3A_1160 = arith.select %and3A_1159, %add3A_1096, %select_n3A_1128 : vector<16x256xi1>, vector<16x256xf32>
    %select_n3A_1161 = arith.select %and3A_1159, %add3A_1099, %select_n3A_1129 : vector<16x256xi1>, vector<16x256xf32>
    %eq3A_1162 = arith.constant 5 : i32
    %eq3A_1163 = vector.broadcast %eq3A_1162 : i32 to vector<16x256xi32>
    %eq3A_1164 = arith.cmpi eq, %add3A_1131, %eq3A_1163 : vector<16x256xi32>
    %and3A_1165 = arith.andi %and3A_1088, %eq3A_1164 : vector<16x256xi1>
    %select_n3A_1166 = arith.select %and3A_1165, %add3A_1096, %broadcast_in_dim3A_926 : vector<16x256xi1>, vector<16x256xf32>
    %select_n3A_1167 = arith.select %and3A_1165, %add3A_1099, %broadcast_in_dim3A_940 : vector<16x256xi1>, vector<16x256xf32>
    %convert_element_type3A_1168 = arith.extui %and3A_1088 : vector<16x256xi1> to vector<16x256xi32>
    %add3A_1169 = arith.addi %add3A_1131, %convert_element_type3A_1168 : vector<16x256xi32>
    %eq3A_1170 = arith.constant 4 : i32
    %eq3A_1171 = vector.broadcast %eq3A_1170 : i32 to vector<16x256xi32>
    %eq3A_1172 = arith.cmpi eq, %add3A_858, %eq3A_1171 : vector<16x256xi32>
    %select_n3A_1173 = arith.select %eq3A_1172, %select_n3A_825, %select_n3A_849 : vector<16x256xi1>, vector<16x256xf32>
    %select_n3A_1174 = arith.select %eq3A_1172, %select_n3A_826, %select_n3A_850 : vector<16x256xi1>, vector<16x256xf32>
    %select_n3A_1175 = arith.select %eq3A_1172, %sub3A_869, %sub3A_905 : vector<16x256xi1>, vector<16x256xf32>
    %ge3A_1176 = arith.constant 0.000000e+00 : f32
    %ge3A_1177 = vector.broadcast %ge3A_1176 : f32 to vector<16x256xf32>
    %ge3A_1178 = arith.cmpf oge, %sub3A_896, %ge3A_1177 : vector<16x256xf32>
    %ge3A_1179 = arith.constant 0.000000e+00 : f32
    %ge3A_1180 = vector.broadcast %ge3A_1179 : f32 to vector<16x256xf32>
    %ge3A_1181 = arith.cmpf oge, %select_n3A_1175, %ge3A_1180 : vector<16x256xf32>
    %gt3A_1182 = arith.constant 3 : i32
    %gt3A_1183 = vector.broadcast %gt3A_1182 : i32 to vector<16x256xi32>
    %gt3A_1184 = arith.cmpi sgt, %add3A_858, %gt3A_1183 : vector<16x256xi32>
    %and3A_1185 = arith.andi %gt3A_1184, %ge3A_1178 : vector<16x256xi1>
    %ne3A_1186 = arith.xori %ge3A_1178, %ge3A_1181 : vector<16x256xi1>
    %and3A_1187 = arith.andi %gt3A_1184, %ne3A_1186 : vector<16x256xi1>
    %sub3A_1188 = arith.subf %sub3A_896, %select_n3A_1175 : vector<16x256xf32>
    %jit3A_1189 = arith.constant 1.000000e+00 : f32
    %broadcast_in_dim3A_1190 = vector.broadcast %jit3A_1189 : f32 to vector<16x256xf32>
    %select_n3A_1191 = arith.select %and3A_1187, %sub3A_1188, %broadcast_in_dim3A_1190 : vector<16x256xi1>, vector<16x256xf32>
    %div3A_1192 = arith.divf %sub3A_896, %select_n3A_1191 : vector<16x256xf32>
    %sub3A_1193 = arith.subf %select_n3A_1173, %select_n3A_843 : vector<16x256xf32>
    %mul3A_1194 = arith.mulf %div3A_1192, %sub3A_1193 : vector<16x256xf32>
    %add3A_1195 = arith.addf %select_n3A_843, %mul3A_1194 : vector<16x256xf32>
    %sub3A_1196 = arith.subf %select_n3A_1174, %select_n3A_844 : vector<16x256xf32>
    %mul3A_1197 = arith.mulf %div3A_1192, %sub3A_1196 : vector<16x256xf32>
    %add3A_1198 = arith.addf %select_n3A_844, %mul3A_1197 : vector<16x256xf32>
    %eq3A_1199 = arith.constant 0 : i32
    %eq3A_1200 = vector.broadcast %eq3A_1199 : i32 to vector<16x256xi32>
    %eq3A_1201 = arith.cmpi eq, %add3A_1169, %eq3A_1200 : vector<16x256xi32>
    %and3A_1202 = arith.andi %and3A_1185, %eq3A_1201 : vector<16x256xi1>
    %select_n3A_1203 = arith.select %and3A_1202, %select_n3A_843, %select_n3A_1136 : vector<16x256xi1>, vector<16x256xf32>
    %select_n3A_1204 = arith.select %and3A_1202, %select_n3A_844, %select_n3A_1137 : vector<16x256xi1>, vector<16x256xf32>
    %eq3A_1205 = arith.constant 1 : i32
    %eq3A_1206 = vector.broadcast %eq3A_1205 : i32 to vector<16x256xi32>
    %eq3A_1207 = arith.cmpi eq, %add3A_1169, %eq3A_1206 : vector<16x256xi32>
    %and3A_1208 = arith.andi %and3A_1185, %eq3A_1207 : vector<16x256xi1>
    %select_n3A_1209 = arith.select %and3A_1208, %select_n3A_843, %select_n3A_1142 : vector<16x256xi1>, vector<16x256xf32>
    %select_n3A_1210 = arith.select %and3A_1208, %select_n3A_844, %select_n3A_1143 : vector<16x256xi1>, vector<16x256xf32>
    %eq3A_1211 = arith.constant 2 : i32
    %eq3A_1212 = vector.broadcast %eq3A_1211 : i32 to vector<16x256xi32>
    %eq3A_1213 = arith.cmpi eq, %add3A_1169, %eq3A_1212 : vector<16x256xi32>
    %and3A_1214 = arith.andi %and3A_1185, %eq3A_1213 : vector<16x256xi1>
    %select_n3A_1215 = arith.select %and3A_1214, %select_n3A_843, %select_n3A_1148 : vector<16x256xi1>, vector<16x256xf32>
    %select_n3A_1216 = arith.select %and3A_1214, %select_n3A_844, %select_n3A_1149 : vector<16x256xi1>, vector<16x256xf32>
    %eq3A_1217 = arith.constant 3 : i32
    %eq3A_1218 = vector.broadcast %eq3A_1217 : i32 to vector<16x256xi32>
    %eq3A_1219 = arith.cmpi eq, %add3A_1169, %eq3A_1218 : vector<16x256xi32>
    %and3A_1220 = arith.andi %and3A_1185, %eq3A_1219 : vector<16x256xi1>
    %select_n3A_1221 = arith.select %and3A_1220, %select_n3A_843, %select_n3A_1154 : vector<16x256xi1>, vector<16x256xf32>
    %select_n3A_1222 = arith.select %and3A_1220, %select_n3A_844, %select_n3A_1155 : vector<16x256xi1>, vector<16x256xf32>
    %eq3A_1223 = arith.constant 4 : i32
    %eq3A_1224 = vector.broadcast %eq3A_1223 : i32 to vector<16x256xi32>
    %eq3A_1225 = arith.cmpi eq, %add3A_1169, %eq3A_1224 : vector<16x256xi32>
    %and3A_1226 = arith.andi %and3A_1185, %eq3A_1225 : vector<16x256xi1>
    %select_n3A_1227 = arith.select %and3A_1226, %select_n3A_843, %select_n3A_1160 : vector<16x256xi1>, vector<16x256xf32>
    %select_n3A_1228 = arith.select %and3A_1226, %select_n3A_844, %select_n3A_1161 : vector<16x256xi1>, vector<16x256xf32>
    %eq3A_1229 = arith.constant 5 : i32
    %eq3A_1230 = vector.broadcast %eq3A_1229 : i32 to vector<16x256xi32>
    %eq3A_1231 = arith.cmpi eq, %add3A_1169, %eq3A_1230 : vector<16x256xi32>
    %and3A_1232 = arith.andi %and3A_1185, %eq3A_1231 : vector<16x256xi1>
    %select_n3A_1233 = arith.select %and3A_1232, %select_n3A_843, %select_n3A_1166 : vector<16x256xi1>, vector<16x256xf32>
    %select_n3A_1234 = arith.select %and3A_1232, %select_n3A_844, %select_n3A_1167 : vector<16x256xi1>, vector<16x256xf32>
    %eq3A_1235 = arith.constant 6 : i32
    %eq3A_1236 = vector.broadcast %eq3A_1235 : i32 to vector<16x256xi32>
    %eq3A_1237 = arith.cmpi eq, %add3A_1169, %eq3A_1236 : vector<16x256xi32>
    %and3A_1238 = arith.andi %and3A_1185, %eq3A_1237 : vector<16x256xi1>
    %select_n3A_1239 = arith.select %and3A_1238, %select_n3A_843, %broadcast_in_dim3A_928 : vector<16x256xi1>, vector<16x256xf32>
    %select_n3A_1240 = arith.select %and3A_1238, %select_n3A_844, %broadcast_in_dim3A_942 : vector<16x256xi1>, vector<16x256xf32>
    %convert_element_type3A_1241 = arith.extui %and3A_1185 : vector<16x256xi1> to vector<16x256xi32>
    %add3A_1242 = arith.addi %add3A_1169, %convert_element_type3A_1241 : vector<16x256xi32>
    %eq3A_1243 = arith.constant 0 : i32
    %eq3A_1244 = vector.broadcast %eq3A_1243 : i32 to vector<16x256xi32>
    %eq3A_1245 = arith.cmpi eq, %add3A_1242, %eq3A_1244 : vector<16x256xi32>
    %and3A_1246 = arith.andi %and3A_1187, %eq3A_1245 : vector<16x256xi1>
    %select_n3A_1247 = arith.select %and3A_1246, %add3A_1195, %select_n3A_1203 : vector<16x256xi1>, vector<16x256xf32>
    %select_n3A_1248 = arith.select %and3A_1246, %add3A_1198, %select_n3A_1204 : vector<16x256xi1>, vector<16x256xf32>
    %eq3A_1249 = arith.constant 1 : i32
    %eq3A_1250 = vector.broadcast %eq3A_1249 : i32 to vector<16x256xi32>
    %eq3A_1251 = arith.cmpi eq, %add3A_1242, %eq3A_1250 : vector<16x256xi32>
    %and3A_1252 = arith.andi %and3A_1187, %eq3A_1251 : vector<16x256xi1>
    %select_n3A_1253 = arith.select %and3A_1252, %add3A_1195, %select_n3A_1209 : vector<16x256xi1>, vector<16x256xf32>
    %select_n3A_1254 = arith.select %and3A_1252, %add3A_1198, %select_n3A_1210 : vector<16x256xi1>, vector<16x256xf32>
    %eq3A_1255 = arith.constant 2 : i32
    %eq3A_1256 = vector.broadcast %eq3A_1255 : i32 to vector<16x256xi32>
    %eq3A_1257 = arith.cmpi eq, %add3A_1242, %eq3A_1256 : vector<16x256xi32>
    %and3A_1258 = arith.andi %and3A_1187, %eq3A_1257 : vector<16x256xi1>
    %select_n3A_1259 = arith.select %and3A_1258, %add3A_1195, %select_n3A_1215 : vector<16x256xi1>, vector<16x256xf32>
    %select_n3A_1260 = arith.select %and3A_1258, %add3A_1198, %select_n3A_1216 : vector<16x256xi1>, vector<16x256xf32>
    %eq3A_1261 = arith.constant 3 : i32
    %eq3A_1262 = vector.broadcast %eq3A_1261 : i32 to vector<16x256xi32>
    %eq3A_1263 = arith.cmpi eq, %add3A_1242, %eq3A_1262 : vector<16x256xi32>
    %and3A_1264 = arith.andi %and3A_1187, %eq3A_1263 : vector<16x256xi1>
    %select_n3A_1265 = arith.select %and3A_1264, %add3A_1195, %select_n3A_1221 : vector<16x256xi1>, vector<16x256xf32>
    %select_n3A_1266 = arith.select %and3A_1264, %add3A_1198, %select_n3A_1222 : vector<16x256xi1>, vector<16x256xf32>
    %eq3A_1267 = arith.constant 4 : i32
    %eq3A_1268 = vector.broadcast %eq3A_1267 : i32 to vector<16x256xi32>
    %eq3A_1269 = arith.cmpi eq, %add3A_1242, %eq3A_1268 : vector<16x256xi32>
    %and3A_1270 = arith.andi %and3A_1187, %eq3A_1269 : vector<16x256xi1>
    %select_n3A_1271 = arith.select %and3A_1270, %add3A_1195, %select_n3A_1227 : vector<16x256xi1>, vector<16x256xf32>
    %select_n3A_1272 = arith.select %and3A_1270, %add3A_1198, %select_n3A_1228 : vector<16x256xi1>, vector<16x256xf32>
    %eq3A_1273 = arith.constant 5 : i32
    %eq3A_1274 = vector.broadcast %eq3A_1273 : i32 to vector<16x256xi32>
    %eq3A_1275 = arith.cmpi eq, %add3A_1242, %eq3A_1274 : vector<16x256xi32>
    %and3A_1276 = arith.andi %and3A_1187, %eq3A_1275 : vector<16x256xi1>
    %select_n3A_1277 = arith.select %and3A_1276, %add3A_1195, %select_n3A_1233 : vector<16x256xi1>, vector<16x256xf32>
    %select_n3A_1278 = arith.select %and3A_1276, %add3A_1198, %select_n3A_1234 : vector<16x256xi1>, vector<16x256xf32>
    %eq3A_1279 = arith.constant 6 : i32
    %eq3A_1280 = vector.broadcast %eq3A_1279 : i32 to vector<16x256xi32>
    %eq3A_1281 = arith.cmpi eq, %add3A_1242, %eq3A_1280 : vector<16x256xi32>
    %and3A_1282 = arith.andi %and3A_1187, %eq3A_1281 : vector<16x256xi1>
    %select_n3A_1283 = arith.select %and3A_1282, %add3A_1195, %select_n3A_1239 : vector<16x256xi1>, vector<16x256xf32>
    %select_n3A_1284 = arith.select %and3A_1282, %add3A_1198, %select_n3A_1240 : vector<16x256xi1>, vector<16x256xf32>
    %convert_element_type3A_1285 = arith.extui %and3A_1187 : vector<16x256xi1> to vector<16x256xi32>
    %add3A_1286 = arith.addi %add3A_1242, %convert_element_type3A_1285 : vector<16x256xi32>
    %eq3A_1287 = arith.constant 5 : i32
    %eq3A_1288 = vector.broadcast %eq3A_1287 : i32 to vector<16x256xi32>
    %eq3A_1289 = arith.cmpi eq, %add3A_858, %eq3A_1288 : vector<16x256xi32>
    %select_n3A_1290 = arith.select %eq3A_1289, %select_n3A_825, %select_n3A_855 : vector<16x256xi1>, vector<16x256xf32>
    %select_n3A_1291 = arith.select %eq3A_1289, %select_n3A_826, %select_n3A_856 : vector<16x256xi1>, vector<16x256xf32>
    %select_n3A_1292 = arith.select %eq3A_1289, %sub3A_869, %sub3A_914 : vector<16x256xi1>, vector<16x256xf32>
    %ge3A_1293 = arith.constant 0.000000e+00 : f32
    %ge3A_1294 = vector.broadcast %ge3A_1293 : f32 to vector<16x256xf32>
    %ge3A_1295 = arith.cmpf oge, %sub3A_905, %ge3A_1294 : vector<16x256xf32>
    %ge3A_1296 = arith.constant 0.000000e+00 : f32
    %ge3A_1297 = vector.broadcast %ge3A_1296 : f32 to vector<16x256xf32>
    %ge3A_1298 = arith.cmpf oge, %select_n3A_1292, %ge3A_1297 : vector<16x256xf32>
    %gt3A_1299 = arith.constant 4 : i32
    %gt3A_1300 = vector.broadcast %gt3A_1299 : i32 to vector<16x256xi32>
    %gt3A_1301 = arith.cmpi sgt, %add3A_858, %gt3A_1300 : vector<16x256xi32>
    %and3A_1302 = arith.andi %gt3A_1301, %ge3A_1295 : vector<16x256xi1>
    %ne3A_1303 = arith.xori %ge3A_1295, %ge3A_1298 : vector<16x256xi1>
    %and3A_1304 = arith.andi %gt3A_1301, %ne3A_1303 : vector<16x256xi1>
    %sub3A_1305 = arith.subf %sub3A_905, %select_n3A_1292 : vector<16x256xf32>
    %jit3A_1306 = arith.constant 1.000000e+00 : f32
    %broadcast_in_dim3A_1307 = vector.broadcast %jit3A_1306 : f32 to vector<16x256xf32>
    %select_n3A_1308 = arith.select %and3A_1304, %sub3A_1305, %broadcast_in_dim3A_1307 : vector<16x256xi1>, vector<16x256xf32>
    %div3A_1309 = arith.divf %sub3A_905, %select_n3A_1308 : vector<16x256xf32>
    %sub3A_1310 = arith.subf %select_n3A_1290, %select_n3A_849 : vector<16x256xf32>
    %mul3A_1311 = arith.mulf %div3A_1309, %sub3A_1310 : vector<16x256xf32>
    %add3A_1312 = arith.addf %select_n3A_849, %mul3A_1311 : vector<16x256xf32>
    %sub3A_1313 = arith.subf %select_n3A_1291, %select_n3A_850 : vector<16x256xf32>
    %mul3A_1314 = arith.mulf %div3A_1309, %sub3A_1313 : vector<16x256xf32>
    %add3A_1315 = arith.addf %select_n3A_850, %mul3A_1314 : vector<16x256xf32>
    %eq3A_1316 = arith.constant 0 : i32
    %eq3A_1317 = vector.broadcast %eq3A_1316 : i32 to vector<16x256xi32>
    %eq3A_1318 = arith.cmpi eq, %add3A_1286, %eq3A_1317 : vector<16x256xi32>
    %and3A_1319 = arith.andi %and3A_1302, %eq3A_1318 : vector<16x256xi1>
    %select_n3A_1320 = arith.select %and3A_1319, %select_n3A_849, %select_n3A_1247 : vector<16x256xi1>, vector<16x256xf32>
    %select_n3A_1321 = arith.select %and3A_1319, %select_n3A_850, %select_n3A_1248 : vector<16x256xi1>, vector<16x256xf32>
    %eq3A_1322 = arith.constant 1 : i32
    %eq3A_1323 = vector.broadcast %eq3A_1322 : i32 to vector<16x256xi32>
    %eq3A_1324 = arith.cmpi eq, %add3A_1286, %eq3A_1323 : vector<16x256xi32>
    %and3A_1325 = arith.andi %and3A_1302, %eq3A_1324 : vector<16x256xi1>
    %select_n3A_1326 = arith.select %and3A_1325, %select_n3A_849, %select_n3A_1253 : vector<16x256xi1>, vector<16x256xf32>
    %select_n3A_1327 = arith.select %and3A_1325, %select_n3A_850, %select_n3A_1254 : vector<16x256xi1>, vector<16x256xf32>
    %eq3A_1328 = arith.constant 2 : i32
    %eq3A_1329 = vector.broadcast %eq3A_1328 : i32 to vector<16x256xi32>
    %eq3A_1330 = arith.cmpi eq, %add3A_1286, %eq3A_1329 : vector<16x256xi32>
    %and3A_1331 = arith.andi %and3A_1302, %eq3A_1330 : vector<16x256xi1>
    %select_n3A_1332 = arith.select %and3A_1331, %select_n3A_849, %select_n3A_1259 : vector<16x256xi1>, vector<16x256xf32>
    %select_n3A_1333 = arith.select %and3A_1331, %select_n3A_850, %select_n3A_1260 : vector<16x256xi1>, vector<16x256xf32>
    %eq3A_1334 = arith.constant 3 : i32
    %eq3A_1335 = vector.broadcast %eq3A_1334 : i32 to vector<16x256xi32>
    %eq3A_1336 = arith.cmpi eq, %add3A_1286, %eq3A_1335 : vector<16x256xi32>
    %and3A_1337 = arith.andi %and3A_1302, %eq3A_1336 : vector<16x256xi1>
    %select_n3A_1338 = arith.select %and3A_1337, %select_n3A_849, %select_n3A_1265 : vector<16x256xi1>, vector<16x256xf32>
    %select_n3A_1339 = arith.select %and3A_1337, %select_n3A_850, %select_n3A_1266 : vector<16x256xi1>, vector<16x256xf32>
    %eq3A_1340 = arith.constant 4 : i32
    %eq3A_1341 = vector.broadcast %eq3A_1340 : i32 to vector<16x256xi32>
    %eq3A_1342 = arith.cmpi eq, %add3A_1286, %eq3A_1341 : vector<16x256xi32>
    %and3A_1343 = arith.andi %and3A_1302, %eq3A_1342 : vector<16x256xi1>
    %select_n3A_1344 = arith.select %and3A_1343, %select_n3A_849, %select_n3A_1271 : vector<16x256xi1>, vector<16x256xf32>
    %select_n3A_1345 = arith.select %and3A_1343, %select_n3A_850, %select_n3A_1272 : vector<16x256xi1>, vector<16x256xf32>
    %eq3A_1346 = arith.constant 5 : i32
    %eq3A_1347 = vector.broadcast %eq3A_1346 : i32 to vector<16x256xi32>
    %eq3A_1348 = arith.cmpi eq, %add3A_1286, %eq3A_1347 : vector<16x256xi32>
    %and3A_1349 = arith.andi %and3A_1302, %eq3A_1348 : vector<16x256xi1>
    %select_n3A_1350 = arith.select %and3A_1349, %select_n3A_849, %select_n3A_1277 : vector<16x256xi1>, vector<16x256xf32>
    %select_n3A_1351 = arith.select %and3A_1349, %select_n3A_850, %select_n3A_1278 : vector<16x256xi1>, vector<16x256xf32>
    %eq3A_1352 = arith.constant 6 : i32
    %eq3A_1353 = vector.broadcast %eq3A_1352 : i32 to vector<16x256xi32>
    %eq3A_1354 = arith.cmpi eq, %add3A_1286, %eq3A_1353 : vector<16x256xi32>
    %and3A_1355 = arith.andi %and3A_1302, %eq3A_1354 : vector<16x256xi1>
    %select_n3A_1356 = arith.select %and3A_1355, %select_n3A_849, %select_n3A_1283 : vector<16x256xi1>, vector<16x256xf32>
    %select_n3A_1357 = arith.select %and3A_1355, %select_n3A_850, %select_n3A_1284 : vector<16x256xi1>, vector<16x256xf32>
    %convert_element_type3A_1358 = arith.extui %and3A_1302 : vector<16x256xi1> to vector<16x256xi32>
    %add3A_1359 = arith.addi %add3A_1286, %convert_element_type3A_1358 : vector<16x256xi32>
    %eq3A_1360 = arith.constant 0 : i32
    %eq3A_1361 = vector.broadcast %eq3A_1360 : i32 to vector<16x256xi32>
    %eq3A_1362 = arith.cmpi eq, %add3A_1359, %eq3A_1361 : vector<16x256xi32>
    %and3A_1363 = arith.andi %and3A_1304, %eq3A_1362 : vector<16x256xi1>
    %select_n3A_1364 = arith.select %and3A_1363, %add3A_1312, %select_n3A_1320 : vector<16x256xi1>, vector<16x256xf32>
    %select_n3A_1365 = arith.select %and3A_1363, %add3A_1315, %select_n3A_1321 : vector<16x256xi1>, vector<16x256xf32>
    %eq3A_1366 = arith.constant 1 : i32
    %eq3A_1367 = vector.broadcast %eq3A_1366 : i32 to vector<16x256xi32>
    %eq3A_1368 = arith.cmpi eq, %add3A_1359, %eq3A_1367 : vector<16x256xi32>
    %and3A_1369 = arith.andi %and3A_1304, %eq3A_1368 : vector<16x256xi1>
    %select_n3A_1370 = arith.select %and3A_1369, %add3A_1312, %select_n3A_1326 : vector<16x256xi1>, vector<16x256xf32>
    %select_n3A_1371 = arith.select %and3A_1369, %add3A_1315, %select_n3A_1327 : vector<16x256xi1>, vector<16x256xf32>
    %eq3A_1372 = arith.constant 2 : i32
    %eq3A_1373 = vector.broadcast %eq3A_1372 : i32 to vector<16x256xi32>
    %eq3A_1374 = arith.cmpi eq, %add3A_1359, %eq3A_1373 : vector<16x256xi32>
    %and3A_1375 = arith.andi %and3A_1304, %eq3A_1374 : vector<16x256xi1>
    %select_n3A_1376 = arith.select %and3A_1375, %add3A_1312, %select_n3A_1332 : vector<16x256xi1>, vector<16x256xf32>
    %select_n3A_1377 = arith.select %and3A_1375, %add3A_1315, %select_n3A_1333 : vector<16x256xi1>, vector<16x256xf32>
    %eq3A_1378 = arith.constant 3 : i32
    %eq3A_1379 = vector.broadcast %eq3A_1378 : i32 to vector<16x256xi32>
    %eq3A_1380 = arith.cmpi eq, %add3A_1359, %eq3A_1379 : vector<16x256xi32>
    %and3A_1381 = arith.andi %and3A_1304, %eq3A_1380 : vector<16x256xi1>
    %select_n3A_1382 = arith.select %and3A_1381, %add3A_1312, %select_n3A_1338 : vector<16x256xi1>, vector<16x256xf32>
    %select_n3A_1383 = arith.select %and3A_1381, %add3A_1315, %select_n3A_1339 : vector<16x256xi1>, vector<16x256xf32>
    %eq3A_1384 = arith.constant 4 : i32
    %eq3A_1385 = vector.broadcast %eq3A_1384 : i32 to vector<16x256xi32>
    %eq3A_1386 = arith.cmpi eq, %add3A_1359, %eq3A_1385 : vector<16x256xi32>
    %and3A_1387 = arith.andi %and3A_1304, %eq3A_1386 : vector<16x256xi1>
    %select_n3A_1388 = arith.select %and3A_1387, %add3A_1312, %select_n3A_1344 : vector<16x256xi1>, vector<16x256xf32>
    %select_n3A_1389 = arith.select %and3A_1387, %add3A_1315, %select_n3A_1345 : vector<16x256xi1>, vector<16x256xf32>
    %eq3A_1390 = arith.constant 5 : i32
    %eq3A_1391 = vector.broadcast %eq3A_1390 : i32 to vector<16x256xi32>
    %eq3A_1392 = arith.cmpi eq, %add3A_1359, %eq3A_1391 : vector<16x256xi32>
    %and3A_1393 = arith.andi %and3A_1304, %eq3A_1392 : vector<16x256xi1>
    %select_n3A_1394 = arith.select %and3A_1393, %add3A_1312, %select_n3A_1350 : vector<16x256xi1>, vector<16x256xf32>
    %select_n3A_1395 = arith.select %and3A_1393, %add3A_1315, %select_n3A_1351 : vector<16x256xi1>, vector<16x256xf32>
    %eq3A_1396 = arith.constant 6 : i32
    %eq3A_1397 = vector.broadcast %eq3A_1396 : i32 to vector<16x256xi32>
    %eq3A_1398 = arith.cmpi eq, %add3A_1359, %eq3A_1397 : vector<16x256xi32>
    %and3A_1399 = arith.andi %and3A_1304, %eq3A_1398 : vector<16x256xi1>
    %select_n3A_1400 = arith.select %and3A_1399, %add3A_1312, %select_n3A_1356 : vector<16x256xi1>, vector<16x256xf32>
    %select_n3A_1401 = arith.select %and3A_1399, %add3A_1315, %select_n3A_1357 : vector<16x256xi1>, vector<16x256xf32>
    %convert_element_type3A_1402 = arith.extui %and3A_1304 : vector<16x256xi1> to vector<16x256xi32>
    %add3A_1403 = arith.addi %add3A_1359, %convert_element_type3A_1402 : vector<16x256xi32>
    %ge3A_1404 = arith.constant 0.000000e+00 : f32
    %ge3A_1405 = vector.broadcast %ge3A_1404 : f32 to vector<16x256xf32>
    %ge3A_1406 = arith.cmpf oge, %sub3A_914, %ge3A_1405 : vector<16x256xf32>
    %ge3A_1407 = arith.constant 0.000000e+00 : f32
    %ge3A_1408 = vector.broadcast %ge3A_1407 : f32 to vector<16x256xf32>
    %ge3A_1409 = arith.cmpf oge, %sub3A_869, %ge3A_1408 : vector<16x256xf32>
    %gt3A_1410 = arith.constant 5 : i32
    %gt3A_1411 = vector.broadcast %gt3A_1410 : i32 to vector<16x256xi32>
    %gt3A_1412 = arith.cmpi sgt, %add3A_858, %gt3A_1411 : vector<16x256xi32>
    %and3A_1413 = arith.andi %gt3A_1412, %ge3A_1406 : vector<16x256xi1>
    %ne3A_1414 = arith.xori %ge3A_1406, %ge3A_1409 : vector<16x256xi1>
    %and3A_1415 = arith.andi %gt3A_1412, %ne3A_1414 : vector<16x256xi1>
    %sub3A_1416 = arith.subf %sub3A_914, %sub3A_869 : vector<16x256xf32>
    %jit3A_1417 = arith.constant 1.000000e+00 : f32
    %broadcast_in_dim3A_1418 = vector.broadcast %jit3A_1417 : f32 to vector<16x256xf32>
    %select_n3A_1419 = arith.select %and3A_1415, %sub3A_1416, %broadcast_in_dim3A_1418 : vector<16x256xi1>, vector<16x256xf32>
    %div3A_1420 = arith.divf %sub3A_914, %select_n3A_1419 : vector<16x256xf32>
    %sub3A_1421 = arith.subf %select_n3A_825, %select_n3A_855 : vector<16x256xf32>
    %mul3A_1422 = arith.mulf %div3A_1420, %sub3A_1421 : vector<16x256xf32>
    %add3A_1423 = arith.addf %select_n3A_855, %mul3A_1422 : vector<16x256xf32>
    %sub3A_1424 = arith.subf %select_n3A_826, %select_n3A_856 : vector<16x256xf32>
    %mul3A_1425 = arith.mulf %div3A_1420, %sub3A_1424 : vector<16x256xf32>
    %add3A_1426 = arith.addf %select_n3A_856, %mul3A_1425 : vector<16x256xf32>
    %eq3A_1427 = arith.constant 0 : i32
    %eq3A_1428 = vector.broadcast %eq3A_1427 : i32 to vector<16x256xi32>
    %eq3A_1429 = arith.cmpi eq, %add3A_1403, %eq3A_1428 : vector<16x256xi32>
    %and3A_1430 = arith.andi %and3A_1413, %eq3A_1429 : vector<16x256xi1>
    %select_n3A_1431 = arith.select %and3A_1430, %select_n3A_855, %select_n3A_1364 : vector<16x256xi1>, vector<16x256xf32>
    %select_n3A_1432 = arith.select %and3A_1430, %select_n3A_856, %select_n3A_1365 : vector<16x256xi1>, vector<16x256xf32>
    %eq3A_1433 = arith.constant 1 : i32
    %eq3A_1434 = vector.broadcast %eq3A_1433 : i32 to vector<16x256xi32>
    %eq3A_1435 = arith.cmpi eq, %add3A_1403, %eq3A_1434 : vector<16x256xi32>
    %and3A_1436 = arith.andi %and3A_1413, %eq3A_1435 : vector<16x256xi1>
    %select_n3A_1437 = arith.select %and3A_1436, %select_n3A_855, %select_n3A_1370 : vector<16x256xi1>, vector<16x256xf32>
    %select_n3A_1438 = arith.select %and3A_1436, %select_n3A_856, %select_n3A_1371 : vector<16x256xi1>, vector<16x256xf32>
    %eq3A_1439 = arith.constant 2 : i32
    %eq3A_1440 = vector.broadcast %eq3A_1439 : i32 to vector<16x256xi32>
    %eq3A_1441 = arith.cmpi eq, %add3A_1403, %eq3A_1440 : vector<16x256xi32>
    %and3A_1442 = arith.andi %and3A_1413, %eq3A_1441 : vector<16x256xi1>
    %select_n3A_1443 = arith.select %and3A_1442, %select_n3A_855, %select_n3A_1376 : vector<16x256xi1>, vector<16x256xf32>
    %select_n3A_1444 = arith.select %and3A_1442, %select_n3A_856, %select_n3A_1377 : vector<16x256xi1>, vector<16x256xf32>
    %eq3A_1445 = arith.constant 3 : i32
    %eq3A_1446 = vector.broadcast %eq3A_1445 : i32 to vector<16x256xi32>
    %eq3A_1447 = arith.cmpi eq, %add3A_1403, %eq3A_1446 : vector<16x256xi32>
    %and3A_1448 = arith.andi %and3A_1413, %eq3A_1447 : vector<16x256xi1>
    %select_n3A_1449 = arith.select %and3A_1448, %select_n3A_855, %select_n3A_1382 : vector<16x256xi1>, vector<16x256xf32>
    %select_n3A_1450 = arith.select %and3A_1448, %select_n3A_856, %select_n3A_1383 : vector<16x256xi1>, vector<16x256xf32>
    %eq3A_1451 = arith.constant 4 : i32
    %eq3A_1452 = vector.broadcast %eq3A_1451 : i32 to vector<16x256xi32>
    %eq3A_1453 = arith.cmpi eq, %add3A_1403, %eq3A_1452 : vector<16x256xi32>
    %and3A_1454 = arith.andi %and3A_1413, %eq3A_1453 : vector<16x256xi1>
    %select_n3A_1455 = arith.select %and3A_1454, %select_n3A_855, %select_n3A_1388 : vector<16x256xi1>, vector<16x256xf32>
    %select_n3A_1456 = arith.select %and3A_1454, %select_n3A_856, %select_n3A_1389 : vector<16x256xi1>, vector<16x256xf32>
    %eq3A_1457 = arith.constant 5 : i32
    %eq3A_1458 = vector.broadcast %eq3A_1457 : i32 to vector<16x256xi32>
    %eq3A_1459 = arith.cmpi eq, %add3A_1403, %eq3A_1458 : vector<16x256xi32>
    %and3A_1460 = arith.andi %and3A_1413, %eq3A_1459 : vector<16x256xi1>
    %select_n3A_1461 = arith.select %and3A_1460, %select_n3A_855, %select_n3A_1394 : vector<16x256xi1>, vector<16x256xf32>
    %select_n3A_1462 = arith.select %and3A_1460, %select_n3A_856, %select_n3A_1395 : vector<16x256xi1>, vector<16x256xf32>
    %eq3A_1463 = arith.constant 6 : i32
    %eq3A_1464 = vector.broadcast %eq3A_1463 : i32 to vector<16x256xi32>
    %eq3A_1465 = arith.cmpi eq, %add3A_1403, %eq3A_1464 : vector<16x256xi32>
    %and3A_1466 = arith.andi %and3A_1413, %eq3A_1465 : vector<16x256xi1>
    %select_n3A_1467 = arith.select %and3A_1466, %select_n3A_855, %select_n3A_1400 : vector<16x256xi1>, vector<16x256xf32>
    %select_n3A_1468 = arith.select %and3A_1466, %select_n3A_856, %select_n3A_1401 : vector<16x256xi1>, vector<16x256xf32>
    %convert_element_type3A_1469 = arith.extui %and3A_1413 : vector<16x256xi1> to vector<16x256xi32>
    %add3A_1470 = arith.addi %add3A_1403, %convert_element_type3A_1469 : vector<16x256xi32>
    %eq3A_1471 = arith.constant 0 : i32
    %eq3A_1472 = vector.broadcast %eq3A_1471 : i32 to vector<16x256xi32>
    %eq3A_1473 = arith.cmpi eq, %add3A_1470, %eq3A_1472 : vector<16x256xi32>
    %and3A_1474 = arith.andi %and3A_1415, %eq3A_1473 : vector<16x256xi1>
    %select_n3A_1475 = arith.select %and3A_1474, %add3A_1423, %select_n3A_1431 : vector<16x256xi1>, vector<16x256xf32>
    %select_n3A_1476 = arith.select %and3A_1474, %add3A_1426, %select_n3A_1432 : vector<16x256xi1>, vector<16x256xf32>
    %eq3A_1477 = arith.constant 1 : i32
    %eq3A_1478 = vector.broadcast %eq3A_1477 : i32 to vector<16x256xi32>
    %eq3A_1479 = arith.cmpi eq, %add3A_1470, %eq3A_1478 : vector<16x256xi32>
    %and3A_1480 = arith.andi %and3A_1415, %eq3A_1479 : vector<16x256xi1>
    %select_n3A_1481 = arith.select %and3A_1480, %add3A_1423, %select_n3A_1437 : vector<16x256xi1>, vector<16x256xf32>
    %select_n3A_1482 = arith.select %and3A_1480, %add3A_1426, %select_n3A_1438 : vector<16x256xi1>, vector<16x256xf32>
    %eq3A_1483 = arith.constant 2 : i32
    %eq3A_1484 = vector.broadcast %eq3A_1483 : i32 to vector<16x256xi32>
    %eq3A_1485 = arith.cmpi eq, %add3A_1470, %eq3A_1484 : vector<16x256xi32>
    %and3A_1486 = arith.andi %and3A_1415, %eq3A_1485 : vector<16x256xi1>
    %select_n3A_1487 = arith.select %and3A_1486, %add3A_1423, %select_n3A_1443 : vector<16x256xi1>, vector<16x256xf32>
    %select_n3A_1488 = arith.select %and3A_1486, %add3A_1426, %select_n3A_1444 : vector<16x256xi1>, vector<16x256xf32>
    %eq3A_1489 = arith.constant 3 : i32
    %eq3A_1490 = vector.broadcast %eq3A_1489 : i32 to vector<16x256xi32>
    %eq3A_1491 = arith.cmpi eq, %add3A_1470, %eq3A_1490 : vector<16x256xi32>
    %and3A_1492 = arith.andi %and3A_1415, %eq3A_1491 : vector<16x256xi1>
    %select_n3A_1493 = arith.select %and3A_1492, %add3A_1423, %select_n3A_1449 : vector<16x256xi1>, vector<16x256xf32>
    %select_n3A_1494 = arith.select %and3A_1492, %add3A_1426, %select_n3A_1450 : vector<16x256xi1>, vector<16x256xf32>
    %eq3A_1495 = arith.constant 4 : i32
    %eq3A_1496 = vector.broadcast %eq3A_1495 : i32 to vector<16x256xi32>
    %eq3A_1497 = arith.cmpi eq, %add3A_1470, %eq3A_1496 : vector<16x256xi32>
    %and3A_1498 = arith.andi %and3A_1415, %eq3A_1497 : vector<16x256xi1>
    %select_n3A_1499 = arith.select %and3A_1498, %add3A_1423, %select_n3A_1455 : vector<16x256xi1>, vector<16x256xf32>
    %select_n3A_1500 = arith.select %and3A_1498, %add3A_1426, %select_n3A_1456 : vector<16x256xi1>, vector<16x256xf32>
    %eq3A_1501 = arith.constant 5 : i32
    %eq3A_1502 = vector.broadcast %eq3A_1501 : i32 to vector<16x256xi32>
    %eq3A_1503 = arith.cmpi eq, %add3A_1470, %eq3A_1502 : vector<16x256xi32>
    %and3A_1504 = arith.andi %and3A_1415, %eq3A_1503 : vector<16x256xi1>
    %select_n3A_1505 = arith.select %and3A_1504, %add3A_1423, %select_n3A_1461 : vector<16x256xi1>, vector<16x256xf32>
    %select_n3A_1506 = arith.select %and3A_1504, %add3A_1426, %select_n3A_1462 : vector<16x256xi1>, vector<16x256xf32>
    %eq3A_1507 = arith.constant 6 : i32
    %eq3A_1508 = vector.broadcast %eq3A_1507 : i32 to vector<16x256xi32>
    %eq3A_1509 = arith.cmpi eq, %add3A_1470, %eq3A_1508 : vector<16x256xi32>
    %and3A_1510 = arith.andi %and3A_1415, %eq3A_1509 : vector<16x256xi1>
    %select_n3A_1511 = arith.select %and3A_1510, %add3A_1423, %select_n3A_1467 : vector<16x256xi1>, vector<16x256xf32>
    %select_n3A_1512 = arith.select %and3A_1510, %add3A_1426, %select_n3A_1468 : vector<16x256xi1>, vector<16x256xf32>
    %convert_element_type3A_1513 = arith.extui %and3A_1415 : vector<16x256xi1> to vector<16x256xi32>
    %add3A_1514 = arith.addi %add3A_1470, %convert_element_type3A_1513 : vector<16x256xi32>
    %sub3A_1515 = arith.subf %slice3A_32, %slice3A_35 : vector<1x256xf32>
    %sub3A_1516 = arith.subf %slice3A_36, %slice3A_39 : vector<1x256xf32>
    %sub3A_1517 = vector.broadcast %slice3A_39 : vector<1x256xf32> to vector<16x256xf32>
    %sub3A_1518 = arith.subf %select_n3A_1476, %sub3A_1517 : vector<16x256xf32>
    %mul3A_1519 = vector.broadcast %sub3A_1515 : vector<1x256xf32> to vector<16x256xf32>
    %mul3A_1520 = arith.mulf %mul3A_1519, %sub3A_1518 : vector<16x256xf32>
    %sub3A_1521 = vector.broadcast %slice3A_35 : vector<1x256xf32> to vector<16x256xf32>
    %sub3A_1522 = arith.subf %select_n3A_1475, %sub3A_1521 : vector<16x256xf32>
    %mul3A_1523 = vector.broadcast %sub3A_1516 : vector<1x256xf32> to vector<16x256xf32>
    %mul3A_1524 = arith.mulf %mul3A_1523, %sub3A_1522 : vector<16x256xf32>
    %sub3A_1525 = arith.subf %mul3A_1520, %mul3A_1524 : vector<16x256xf32>
    %sub3A_1526 = vector.broadcast %slice3A_39 : vector<1x256xf32> to vector<16x256xf32>
    %sub3A_1527 = arith.subf %select_n3A_1482, %sub3A_1526 : vector<16x256xf32>
    %mul3A_1528 = vector.broadcast %sub3A_1515 : vector<1x256xf32> to vector<16x256xf32>
    %mul3A_1529 = arith.mulf %mul3A_1528, %sub3A_1527 : vector<16x256xf32>
    %sub3A_1530 = vector.broadcast %slice3A_35 : vector<1x256xf32> to vector<16x256xf32>
    %sub3A_1531 = arith.subf %select_n3A_1481, %sub3A_1530 : vector<16x256xf32>
    %mul3A_1532 = vector.broadcast %sub3A_1516 : vector<1x256xf32> to vector<16x256xf32>
    %mul3A_1533 = arith.mulf %mul3A_1532, %sub3A_1531 : vector<16x256xf32>
    %sub3A_1534 = arith.subf %mul3A_1529, %mul3A_1533 : vector<16x256xf32>
    %sub3A_1535 = vector.broadcast %slice3A_39 : vector<1x256xf32> to vector<16x256xf32>
    %sub3A_1536 = arith.subf %select_n3A_1488, %sub3A_1535 : vector<16x256xf32>
    %mul3A_1537 = vector.broadcast %sub3A_1515 : vector<1x256xf32> to vector<16x256xf32>
    %mul3A_1538 = arith.mulf %mul3A_1537, %sub3A_1536 : vector<16x256xf32>
    %sub3A_1539 = vector.broadcast %slice3A_35 : vector<1x256xf32> to vector<16x256xf32>
    %sub3A_1540 = arith.subf %select_n3A_1487, %sub3A_1539 : vector<16x256xf32>
    %mul3A_1541 = vector.broadcast %sub3A_1516 : vector<1x256xf32> to vector<16x256xf32>
    %mul3A_1542 = arith.mulf %mul3A_1541, %sub3A_1540 : vector<16x256xf32>
    %sub3A_1543 = arith.subf %mul3A_1538, %mul3A_1542 : vector<16x256xf32>
    %sub3A_1544 = vector.broadcast %slice3A_39 : vector<1x256xf32> to vector<16x256xf32>
    %sub3A_1545 = arith.subf %select_n3A_1494, %sub3A_1544 : vector<16x256xf32>
    %mul3A_1546 = vector.broadcast %sub3A_1515 : vector<1x256xf32> to vector<16x256xf32>
    %mul3A_1547 = arith.mulf %mul3A_1546, %sub3A_1545 : vector<16x256xf32>
    %sub3A_1548 = vector.broadcast %slice3A_35 : vector<1x256xf32> to vector<16x256xf32>
    %sub3A_1549 = arith.subf %select_n3A_1493, %sub3A_1548 : vector<16x256xf32>
    %mul3A_1550 = vector.broadcast %sub3A_1516 : vector<1x256xf32> to vector<16x256xf32>
    %mul3A_1551 = arith.mulf %mul3A_1550, %sub3A_1549 : vector<16x256xf32>
    %sub3A_1552 = arith.subf %mul3A_1547, %mul3A_1551 : vector<16x256xf32>
    %sub3A_1553 = vector.broadcast %slice3A_39 : vector<1x256xf32> to vector<16x256xf32>
    %sub3A_1554 = arith.subf %select_n3A_1500, %sub3A_1553 : vector<16x256xf32>
    %mul3A_1555 = vector.broadcast %sub3A_1515 : vector<1x256xf32> to vector<16x256xf32>
    %mul3A_1556 = arith.mulf %mul3A_1555, %sub3A_1554 : vector<16x256xf32>
    %sub3A_1557 = vector.broadcast %slice3A_35 : vector<1x256xf32> to vector<16x256xf32>
    %sub3A_1558 = arith.subf %select_n3A_1499, %sub3A_1557 : vector<16x256xf32>
    %mul3A_1559 = vector.broadcast %sub3A_1516 : vector<1x256xf32> to vector<16x256xf32>
    %mul3A_1560 = arith.mulf %mul3A_1559, %sub3A_1558 : vector<16x256xf32>
    %sub3A_1561 = arith.subf %mul3A_1556, %mul3A_1560 : vector<16x256xf32>
    %sub3A_1562 = vector.broadcast %slice3A_39 : vector<1x256xf32> to vector<16x256xf32>
    %sub3A_1563 = arith.subf %select_n3A_1506, %sub3A_1562 : vector<16x256xf32>
    %mul3A_1564 = vector.broadcast %sub3A_1515 : vector<1x256xf32> to vector<16x256xf32>
    %mul3A_1565 = arith.mulf %mul3A_1564, %sub3A_1563 : vector<16x256xf32>
    %sub3A_1566 = vector.broadcast %slice3A_35 : vector<1x256xf32> to vector<16x256xf32>
    %sub3A_1567 = arith.subf %select_n3A_1505, %sub3A_1566 : vector<16x256xf32>
    %mul3A_1568 = vector.broadcast %sub3A_1516 : vector<1x256xf32> to vector<16x256xf32>
    %mul3A_1569 = arith.mulf %mul3A_1568, %sub3A_1567 : vector<16x256xf32>
    %sub3A_1570 = arith.subf %mul3A_1565, %mul3A_1569 : vector<16x256xf32>
    %sub3A_1571 = vector.broadcast %slice3A_39 : vector<1x256xf32> to vector<16x256xf32>
    %sub3A_1572 = arith.subf %select_n3A_1512, %sub3A_1571 : vector<16x256xf32>
    %mul3A_1573 = vector.broadcast %sub3A_1515 : vector<1x256xf32> to vector<16x256xf32>
    %mul3A_1574 = arith.mulf %mul3A_1573, %sub3A_1572 : vector<16x256xf32>
    %sub3A_1575 = vector.broadcast %slice3A_35 : vector<1x256xf32> to vector<16x256xf32>
    %sub3A_1576 = arith.subf %select_n3A_1511, %sub3A_1575 : vector<16x256xf32>
    %mul3A_1577 = vector.broadcast %sub3A_1516 : vector<1x256xf32> to vector<16x256xf32>
    %mul3A_1578 = arith.mulf %mul3A_1577, %sub3A_1576 : vector<16x256xf32>
    %sub3A_1579 = arith.subf %mul3A_1574, %mul3A_1578 : vector<16x256xf32>
    %broadcast_in_dim3A_1580 = arith.constant 0.000000e+00 : f32
    %broadcast_in_dim3A_1581 = vector.broadcast %broadcast_in_dim3A_1580 : f32 to vector<16x256xf32>
    %broadcast_in_dim3A_1582 = arith.constant 0.000000e+00 : f32
    %broadcast_in_dim3A_1583 = vector.broadcast %broadcast_in_dim3A_1582 : f32 to vector<16x256xf32>
    %broadcast_in_dim3A_1584 = arith.constant 0.000000e+00 : f32
    %broadcast_in_dim3A_1585 = vector.broadcast %broadcast_in_dim3A_1584 : f32 to vector<16x256xf32>
    %broadcast_in_dim3A_1586 = arith.constant 0.000000e+00 : f32
    %broadcast_in_dim3A_1587 = vector.broadcast %broadcast_in_dim3A_1586 : f32 to vector<16x256xf32>
    %broadcast_in_dim3A_1588 = arith.constant 0.000000e+00 : f32
    %broadcast_in_dim3A_1589 = vector.broadcast %broadcast_in_dim3A_1588 : f32 to vector<16x256xf32>
    %broadcast_in_dim3A_1590 = arith.constant 0.000000e+00 : f32
    %broadcast_in_dim3A_1591 = vector.broadcast %broadcast_in_dim3A_1590 : f32 to vector<16x256xf32>
    %broadcast_in_dim3A_1592 = arith.constant 0.000000e+00 : f32
    %broadcast_in_dim3A_1593 = vector.broadcast %broadcast_in_dim3A_1592 : f32 to vector<16x256xf32>
    %broadcast_in_dim3A_1594 = arith.constant 0.000000e+00 : f32
    %broadcast_in_dim3A_1595 = vector.broadcast %broadcast_in_dim3A_1594 : f32 to vector<16x256xf32>
    %broadcast_in_dim3A_1596 = arith.constant 0.000000e+00 : f32
    %broadcast_in_dim3A_1597 = vector.broadcast %broadcast_in_dim3A_1596 : f32 to vector<16x256xf32>
    %broadcast_in_dim3A_1598 = arith.constant 0.000000e+00 : f32
    %broadcast_in_dim3A_1599 = vector.broadcast %broadcast_in_dim3A_1598 : f32 to vector<16x256xf32>
    %broadcast_in_dim3A_1600 = arith.constant 0.000000e+00 : f32
    %broadcast_in_dim3A_1601 = vector.broadcast %broadcast_in_dim3A_1600 : f32 to vector<16x256xf32>
    %broadcast_in_dim3A_1602 = arith.constant 0.000000e+00 : f32
    %broadcast_in_dim3A_1603 = vector.broadcast %broadcast_in_dim3A_1602 : f32 to vector<16x256xf32>
    %broadcast_in_dim3A_1604 = arith.constant 0.000000e+00 : f32
    %broadcast_in_dim3A_1605 = vector.broadcast %broadcast_in_dim3A_1604 : f32 to vector<16x256xf32>
    %broadcast_in_dim3A_1606 = arith.constant 0.000000e+00 : f32
    %broadcast_in_dim3A_1607 = vector.broadcast %broadcast_in_dim3A_1606 : f32 to vector<16x256xf32>
    %broadcast_in_dim3A_1608 = arith.constant 0.000000e+00 : f32
    %broadcast_in_dim3A_1609 = vector.broadcast %broadcast_in_dim3A_1608 : f32 to vector<16x256xf32>
    %broadcast_in_dim3A_1610 = arith.constant 0.000000e+00 : f32
    %broadcast_in_dim3A_1611 = vector.broadcast %broadcast_in_dim3A_1610 : f32 to vector<16x256xf32>
    %broadcast_in_dim3A_1612 = arith.constant 0 : i32
    %broadcast_in_dim3A_1613 = vector.broadcast %broadcast_in_dim3A_1612 : i32 to vector<16x256xi32>
    %eq3A_1614 = arith.constant 1 : i32
    %eq3A_1615 = vector.broadcast %eq3A_1614 : i32 to vector<16x256xi32>
    %eq3A_1616 = arith.cmpi eq, %add3A_1514, %eq3A_1615 : vector<16x256xi32>
    %select_n3A_1617 = arith.select %eq3A_1616, %select_n3A_1475, %select_n3A_1481 : vector<16x256xi1>, vector<16x256xf32>
    %select_n3A_1618 = arith.select %eq3A_1616, %select_n3A_1476, %select_n3A_1482 : vector<16x256xi1>, vector<16x256xf32>
    %select_n3A_1619 = arith.select %eq3A_1616, %sub3A_1525, %sub3A_1534 : vector<16x256xi1>, vector<16x256xf32>
    %ge3A_1620 = arith.constant 0.000000e+00 : f32
    %ge3A_1621 = vector.broadcast %ge3A_1620 : f32 to vector<16x256xf32>
    %ge3A_1622 = arith.cmpf oge, %sub3A_1525, %ge3A_1621 : vector<16x256xf32>
    %ge3A_1623 = arith.constant 0.000000e+00 : f32
    %ge3A_1624 = vector.broadcast %ge3A_1623 : f32 to vector<16x256xf32>
    %ge3A_1625 = arith.cmpf oge, %select_n3A_1619, %ge3A_1624 : vector<16x256xf32>
    %gt3A_1626 = arith.constant 0 : i32
    %gt3A_1627 = vector.broadcast %gt3A_1626 : i32 to vector<16x256xi32>
    %gt3A_1628 = arith.cmpi sgt, %add3A_1514, %gt3A_1627 : vector<16x256xi32>
    %and3A_1629 = arith.andi %gt3A_1628, %ge3A_1622 : vector<16x256xi1>
    %ne3A_1630 = arith.xori %ge3A_1622, %ge3A_1625 : vector<16x256xi1>
    %and3A_1631 = arith.andi %gt3A_1628, %ne3A_1630 : vector<16x256xi1>
    %sub3A_1632 = arith.subf %sub3A_1525, %select_n3A_1619 : vector<16x256xf32>
    %jit3A_1633 = arith.constant 1.000000e+00 : f32
    %broadcast_in_dim3A_1634 = vector.broadcast %jit3A_1633 : f32 to vector<16x256xf32>
    %select_n3A_1635 = arith.select %and3A_1631, %sub3A_1632, %broadcast_in_dim3A_1634 : vector<16x256xi1>, vector<16x256xf32>
    %div3A_1636 = arith.divf %sub3A_1525, %select_n3A_1635 : vector<16x256xf32>
    %sub3A_1637 = arith.subf %select_n3A_1617, %select_n3A_1475 : vector<16x256xf32>
    %mul3A_1638 = arith.mulf %div3A_1636, %sub3A_1637 : vector<16x256xf32>
    %add3A_1639 = arith.addf %select_n3A_1475, %mul3A_1638 : vector<16x256xf32>
    %sub3A_1640 = arith.subf %select_n3A_1618, %select_n3A_1476 : vector<16x256xf32>
    %mul3A_1641 = arith.mulf %div3A_1636, %sub3A_1640 : vector<16x256xf32>
    %add3A_1642 = arith.addf %select_n3A_1476, %mul3A_1641 : vector<16x256xf32>
    %eq3A_1643 = arith.constant 0 : i32
    %eq3A_1644 = vector.broadcast %eq3A_1643 : i32 to vector<16x256xi32>
    %eq3A_1645 = arith.cmpi eq, %broadcast_in_dim3A_1613, %eq3A_1644 : vector<16x256xi32>
    %and3A_1646 = arith.andi %and3A_1629, %eq3A_1645 : vector<16x256xi1>
    %select_n3A_1647 = arith.select %and3A_1646, %select_n3A_1475, %broadcast_in_dim3A_1581 : vector<16x256xi1>, vector<16x256xf32>
    %select_n3A_1648 = arith.select %and3A_1646, %select_n3A_1476, %broadcast_in_dim3A_1597 : vector<16x256xi1>, vector<16x256xf32>
    %convert_element_type3A_1649 = arith.extui %and3A_1629 : vector<16x256xi1> to vector<16x256xi32>
    %add3A_1650 = arith.addi %broadcast_in_dim3A_1613, %convert_element_type3A_1649 : vector<16x256xi32>
    %eq3A_1651 = arith.constant 0 : i32
    %eq3A_1652 = vector.broadcast %eq3A_1651 : i32 to vector<16x256xi32>
    %eq3A_1653 = arith.cmpi eq, %add3A_1650, %eq3A_1652 : vector<16x256xi32>
    %and3A_1654 = arith.andi %and3A_1631, %eq3A_1653 : vector<16x256xi1>
    %select_n3A_1655 = arith.select %and3A_1654, %add3A_1639, %select_n3A_1647 : vector<16x256xi1>, vector<16x256xf32>
    %select_n3A_1656 = arith.select %and3A_1654, %add3A_1642, %select_n3A_1648 : vector<16x256xi1>, vector<16x256xf32>
    %eq3A_1657 = arith.constant 1 : i32
    %eq3A_1658 = vector.broadcast %eq3A_1657 : i32 to vector<16x256xi32>
    %eq3A_1659 = arith.cmpi eq, %add3A_1650, %eq3A_1658 : vector<16x256xi32>
    %and3A_1660 = arith.andi %and3A_1631, %eq3A_1659 : vector<16x256xi1>
    %select_n3A_1661 = arith.select %and3A_1660, %add3A_1639, %broadcast_in_dim3A_1583 : vector<16x256xi1>, vector<16x256xf32>
    %select_n3A_1662 = arith.select %and3A_1660, %add3A_1642, %broadcast_in_dim3A_1599 : vector<16x256xi1>, vector<16x256xf32>
    %convert_element_type3A_1663 = arith.extui %and3A_1631 : vector<16x256xi1> to vector<16x256xi32>
    %add3A_1664 = arith.addi %add3A_1650, %convert_element_type3A_1663 : vector<16x256xi32>
    %eq3A_1665 = arith.constant 2 : i32
    %eq3A_1666 = vector.broadcast %eq3A_1665 : i32 to vector<16x256xi32>
    %eq3A_1667 = arith.cmpi eq, %add3A_1514, %eq3A_1666 : vector<16x256xi32>
    %select_n3A_1668 = arith.select %eq3A_1667, %select_n3A_1475, %select_n3A_1487 : vector<16x256xi1>, vector<16x256xf32>
    %select_n3A_1669 = arith.select %eq3A_1667, %select_n3A_1476, %select_n3A_1488 : vector<16x256xi1>, vector<16x256xf32>
    %select_n3A_1670 = arith.select %eq3A_1667, %sub3A_1525, %sub3A_1543 : vector<16x256xi1>, vector<16x256xf32>
    %ge3A_1671 = arith.constant 0.000000e+00 : f32
    %ge3A_1672 = vector.broadcast %ge3A_1671 : f32 to vector<16x256xf32>
    %ge3A_1673 = arith.cmpf oge, %sub3A_1534, %ge3A_1672 : vector<16x256xf32>
    %ge3A_1674 = arith.constant 0.000000e+00 : f32
    %ge3A_1675 = vector.broadcast %ge3A_1674 : f32 to vector<16x256xf32>
    %ge3A_1676 = arith.cmpf oge, %select_n3A_1670, %ge3A_1675 : vector<16x256xf32>
    %gt3A_1677 = arith.constant 1 : i32
    %gt3A_1678 = vector.broadcast %gt3A_1677 : i32 to vector<16x256xi32>
    %gt3A_1679 = arith.cmpi sgt, %add3A_1514, %gt3A_1678 : vector<16x256xi32>
    %and3A_1680 = arith.andi %gt3A_1679, %ge3A_1673 : vector<16x256xi1>
    %ne3A_1681 = arith.xori %ge3A_1673, %ge3A_1676 : vector<16x256xi1>
    %and3A_1682 = arith.andi %gt3A_1679, %ne3A_1681 : vector<16x256xi1>
    %sub3A_1683 = arith.subf %sub3A_1534, %select_n3A_1670 : vector<16x256xf32>
    %jit3A_1684 = arith.constant 1.000000e+00 : f32
    %broadcast_in_dim3A_1685 = vector.broadcast %jit3A_1684 : f32 to vector<16x256xf32>
    %select_n3A_1686 = arith.select %and3A_1682, %sub3A_1683, %broadcast_in_dim3A_1685 : vector<16x256xi1>, vector<16x256xf32>
    %div3A_1687 = arith.divf %sub3A_1534, %select_n3A_1686 : vector<16x256xf32>
    %sub3A_1688 = arith.subf %select_n3A_1668, %select_n3A_1481 : vector<16x256xf32>
    %mul3A_1689 = arith.mulf %div3A_1687, %sub3A_1688 : vector<16x256xf32>
    %add3A_1690 = arith.addf %select_n3A_1481, %mul3A_1689 : vector<16x256xf32>
    %sub3A_1691 = arith.subf %select_n3A_1669, %select_n3A_1482 : vector<16x256xf32>
    %mul3A_1692 = arith.mulf %div3A_1687, %sub3A_1691 : vector<16x256xf32>
    %add3A_1693 = arith.addf %select_n3A_1482, %mul3A_1692 : vector<16x256xf32>
    %eq3A_1694 = arith.constant 0 : i32
    %eq3A_1695 = vector.broadcast %eq3A_1694 : i32 to vector<16x256xi32>
    %eq3A_1696 = arith.cmpi eq, %add3A_1664, %eq3A_1695 : vector<16x256xi32>
    %and3A_1697 = arith.andi %and3A_1680, %eq3A_1696 : vector<16x256xi1>
    %select_n3A_1698 = arith.select %and3A_1697, %select_n3A_1481, %select_n3A_1655 : vector<16x256xi1>, vector<16x256xf32>
    %select_n3A_1699 = arith.select %and3A_1697, %select_n3A_1482, %select_n3A_1656 : vector<16x256xi1>, vector<16x256xf32>
    %eq3A_1700 = arith.constant 1 : i32
    %eq3A_1701 = vector.broadcast %eq3A_1700 : i32 to vector<16x256xi32>
    %eq3A_1702 = arith.cmpi eq, %add3A_1664, %eq3A_1701 : vector<16x256xi32>
    %and3A_1703 = arith.andi %and3A_1680, %eq3A_1702 : vector<16x256xi1>
    %select_n3A_1704 = arith.select %and3A_1703, %select_n3A_1481, %select_n3A_1661 : vector<16x256xi1>, vector<16x256xf32>
    %select_n3A_1705 = arith.select %and3A_1703, %select_n3A_1482, %select_n3A_1662 : vector<16x256xi1>, vector<16x256xf32>
    %eq3A_1706 = arith.constant 2 : i32
    %eq3A_1707 = vector.broadcast %eq3A_1706 : i32 to vector<16x256xi32>
    %eq3A_1708 = arith.cmpi eq, %add3A_1664, %eq3A_1707 : vector<16x256xi32>
    %and3A_1709 = arith.andi %and3A_1680, %eq3A_1708 : vector<16x256xi1>
    %select_n3A_1710 = arith.select %and3A_1709, %select_n3A_1481, %broadcast_in_dim3A_1585 : vector<16x256xi1>, vector<16x256xf32>
    %select_n3A_1711 = arith.select %and3A_1709, %select_n3A_1482, %broadcast_in_dim3A_1601 : vector<16x256xi1>, vector<16x256xf32>
    %convert_element_type3A_1712 = arith.extui %and3A_1680 : vector<16x256xi1> to vector<16x256xi32>
    %add3A_1713 = arith.addi %add3A_1664, %convert_element_type3A_1712 : vector<16x256xi32>
    %eq3A_1714 = arith.constant 0 : i32
    %eq3A_1715 = vector.broadcast %eq3A_1714 : i32 to vector<16x256xi32>
    %eq3A_1716 = arith.cmpi eq, %add3A_1713, %eq3A_1715 : vector<16x256xi32>
    %and3A_1717 = arith.andi %and3A_1682, %eq3A_1716 : vector<16x256xi1>
    %select_n3A_1718 = arith.select %and3A_1717, %add3A_1690, %select_n3A_1698 : vector<16x256xi1>, vector<16x256xf32>
    %select_n3A_1719 = arith.select %and3A_1717, %add3A_1693, %select_n3A_1699 : vector<16x256xi1>, vector<16x256xf32>
    %eq3A_1720 = arith.constant 1 : i32
    %eq3A_1721 = vector.broadcast %eq3A_1720 : i32 to vector<16x256xi32>
    %eq3A_1722 = arith.cmpi eq, %add3A_1713, %eq3A_1721 : vector<16x256xi32>
    %and3A_1723 = arith.andi %and3A_1682, %eq3A_1722 : vector<16x256xi1>
    %select_n3A_1724 = arith.select %and3A_1723, %add3A_1690, %select_n3A_1704 : vector<16x256xi1>, vector<16x256xf32>
    %select_n3A_1725 = arith.select %and3A_1723, %add3A_1693, %select_n3A_1705 : vector<16x256xi1>, vector<16x256xf32>
    %eq3A_1726 = arith.constant 2 : i32
    %eq3A_1727 = vector.broadcast %eq3A_1726 : i32 to vector<16x256xi32>
    %eq3A_1728 = arith.cmpi eq, %add3A_1713, %eq3A_1727 : vector<16x256xi32>
    %and3A_1729 = arith.andi %and3A_1682, %eq3A_1728 : vector<16x256xi1>
    %select_n3A_1730 = arith.select %and3A_1729, %add3A_1690, %select_n3A_1710 : vector<16x256xi1>, vector<16x256xf32>
    %select_n3A_1731 = arith.select %and3A_1729, %add3A_1693, %select_n3A_1711 : vector<16x256xi1>, vector<16x256xf32>
    %eq3A_1732 = arith.constant 3 : i32
    %eq3A_1733 = vector.broadcast %eq3A_1732 : i32 to vector<16x256xi32>
    %eq3A_1734 = arith.cmpi eq, %add3A_1713, %eq3A_1733 : vector<16x256xi32>
    %and3A_1735 = arith.andi %and3A_1682, %eq3A_1734 : vector<16x256xi1>
    %select_n3A_1736 = arith.select %and3A_1735, %add3A_1690, %broadcast_in_dim3A_1587 : vector<16x256xi1>, vector<16x256xf32>
    %select_n3A_1737 = arith.select %and3A_1735, %add3A_1693, %broadcast_in_dim3A_1603 : vector<16x256xi1>, vector<16x256xf32>
    %convert_element_type3A_1738 = arith.extui %and3A_1682 : vector<16x256xi1> to vector<16x256xi32>
    %add3A_1739 = arith.addi %add3A_1713, %convert_element_type3A_1738 : vector<16x256xi32>
    %eq3A_1740 = arith.constant 3 : i32
    %eq3A_1741 = vector.broadcast %eq3A_1740 : i32 to vector<16x256xi32>
    %eq3A_1742 = arith.cmpi eq, %add3A_1514, %eq3A_1741 : vector<16x256xi32>
    %select_n3A_1743 = arith.select %eq3A_1742, %select_n3A_1475, %select_n3A_1493 : vector<16x256xi1>, vector<16x256xf32>
    %select_n3A_1744 = arith.select %eq3A_1742, %select_n3A_1476, %select_n3A_1494 : vector<16x256xi1>, vector<16x256xf32>
    %select_n3A_1745 = arith.select %eq3A_1742, %sub3A_1525, %sub3A_1552 : vector<16x256xi1>, vector<16x256xf32>
    %ge3A_1746 = arith.constant 0.000000e+00 : f32
    %ge3A_1747 = vector.broadcast %ge3A_1746 : f32 to vector<16x256xf32>
    %ge3A_1748 = arith.cmpf oge, %sub3A_1543, %ge3A_1747 : vector<16x256xf32>
    %ge3A_1749 = arith.constant 0.000000e+00 : f32
    %ge3A_1750 = vector.broadcast %ge3A_1749 : f32 to vector<16x256xf32>
    %ge3A_1751 = arith.cmpf oge, %select_n3A_1745, %ge3A_1750 : vector<16x256xf32>
    %gt3A_1752 = arith.constant 2 : i32
    %gt3A_1753 = vector.broadcast %gt3A_1752 : i32 to vector<16x256xi32>
    %gt3A_1754 = arith.cmpi sgt, %add3A_1514, %gt3A_1753 : vector<16x256xi32>
    %and3A_1755 = arith.andi %gt3A_1754, %ge3A_1748 : vector<16x256xi1>
    %ne3A_1756 = arith.xori %ge3A_1748, %ge3A_1751 : vector<16x256xi1>
    %and3A_1757 = arith.andi %gt3A_1754, %ne3A_1756 : vector<16x256xi1>
    %sub3A_1758 = arith.subf %sub3A_1543, %select_n3A_1745 : vector<16x256xf32>
    %jit3A_1759 = arith.constant 1.000000e+00 : f32
    %broadcast_in_dim3A_1760 = vector.broadcast %jit3A_1759 : f32 to vector<16x256xf32>
    %select_n3A_1761 = arith.select %and3A_1757, %sub3A_1758, %broadcast_in_dim3A_1760 : vector<16x256xi1>, vector<16x256xf32>
    %div3A_1762 = arith.divf %sub3A_1543, %select_n3A_1761 : vector<16x256xf32>
    %sub3A_1763 = arith.subf %select_n3A_1743, %select_n3A_1487 : vector<16x256xf32>
    %mul3A_1764 = arith.mulf %div3A_1762, %sub3A_1763 : vector<16x256xf32>
    %add3A_1765 = arith.addf %select_n3A_1487, %mul3A_1764 : vector<16x256xf32>
    %sub3A_1766 = arith.subf %select_n3A_1744, %select_n3A_1488 : vector<16x256xf32>
    %mul3A_1767 = arith.mulf %div3A_1762, %sub3A_1766 : vector<16x256xf32>
    %add3A_1768 = arith.addf %select_n3A_1488, %mul3A_1767 : vector<16x256xf32>
    %eq3A_1769 = arith.constant 0 : i32
    %eq3A_1770 = vector.broadcast %eq3A_1769 : i32 to vector<16x256xi32>
    %eq3A_1771 = arith.cmpi eq, %add3A_1739, %eq3A_1770 : vector<16x256xi32>
    %and3A_1772 = arith.andi %and3A_1755, %eq3A_1771 : vector<16x256xi1>
    %select_n3A_1773 = arith.select %and3A_1772, %select_n3A_1487, %select_n3A_1718 : vector<16x256xi1>, vector<16x256xf32>
    %select_n3A_1774 = arith.select %and3A_1772, %select_n3A_1488, %select_n3A_1719 : vector<16x256xi1>, vector<16x256xf32>
    %eq3A_1775 = arith.constant 1 : i32
    %eq3A_1776 = vector.broadcast %eq3A_1775 : i32 to vector<16x256xi32>
    %eq3A_1777 = arith.cmpi eq, %add3A_1739, %eq3A_1776 : vector<16x256xi32>
    %and3A_1778 = arith.andi %and3A_1755, %eq3A_1777 : vector<16x256xi1>
    %select_n3A_1779 = arith.select %and3A_1778, %select_n3A_1487, %select_n3A_1724 : vector<16x256xi1>, vector<16x256xf32>
    %select_n3A_1780 = arith.select %and3A_1778, %select_n3A_1488, %select_n3A_1725 : vector<16x256xi1>, vector<16x256xf32>
    %eq3A_1781 = arith.constant 2 : i32
    %eq3A_1782 = vector.broadcast %eq3A_1781 : i32 to vector<16x256xi32>
    %eq3A_1783 = arith.cmpi eq, %add3A_1739, %eq3A_1782 : vector<16x256xi32>
    %and3A_1784 = arith.andi %and3A_1755, %eq3A_1783 : vector<16x256xi1>
    %select_n3A_1785 = arith.select %and3A_1784, %select_n3A_1487, %select_n3A_1730 : vector<16x256xi1>, vector<16x256xf32>
    %select_n3A_1786 = arith.select %and3A_1784, %select_n3A_1488, %select_n3A_1731 : vector<16x256xi1>, vector<16x256xf32>
    %eq3A_1787 = arith.constant 3 : i32
    %eq3A_1788 = vector.broadcast %eq3A_1787 : i32 to vector<16x256xi32>
    %eq3A_1789 = arith.cmpi eq, %add3A_1739, %eq3A_1788 : vector<16x256xi32>
    %and3A_1790 = arith.andi %and3A_1755, %eq3A_1789 : vector<16x256xi1>
    %select_n3A_1791 = arith.select %and3A_1790, %select_n3A_1487, %select_n3A_1736 : vector<16x256xi1>, vector<16x256xf32>
    %select_n3A_1792 = arith.select %and3A_1790, %select_n3A_1488, %select_n3A_1737 : vector<16x256xi1>, vector<16x256xf32>
    %eq3A_1793 = arith.constant 4 : i32
    %eq3A_1794 = vector.broadcast %eq3A_1793 : i32 to vector<16x256xi32>
    %eq3A_1795 = arith.cmpi eq, %add3A_1739, %eq3A_1794 : vector<16x256xi32>
    %and3A_1796 = arith.andi %and3A_1755, %eq3A_1795 : vector<16x256xi1>
    %select_n3A_1797 = arith.select %and3A_1796, %select_n3A_1487, %broadcast_in_dim3A_1589 : vector<16x256xi1>, vector<16x256xf32>
    %select_n3A_1798 = arith.select %and3A_1796, %select_n3A_1488, %broadcast_in_dim3A_1605 : vector<16x256xi1>, vector<16x256xf32>
    %convert_element_type3A_1799 = arith.extui %and3A_1755 : vector<16x256xi1> to vector<16x256xi32>
    %add3A_1800 = arith.addi %add3A_1739, %convert_element_type3A_1799 : vector<16x256xi32>
    %eq3A_1801 = arith.constant 0 : i32
    %eq3A_1802 = vector.broadcast %eq3A_1801 : i32 to vector<16x256xi32>
    %eq3A_1803 = arith.cmpi eq, %add3A_1800, %eq3A_1802 : vector<16x256xi32>
    %and3A_1804 = arith.andi %and3A_1757, %eq3A_1803 : vector<16x256xi1>
    %select_n3A_1805 = arith.select %and3A_1804, %add3A_1765, %select_n3A_1773 : vector<16x256xi1>, vector<16x256xf32>
    %select_n3A_1806 = arith.select %and3A_1804, %add3A_1768, %select_n3A_1774 : vector<16x256xi1>, vector<16x256xf32>
    %eq3A_1807 = arith.constant 1 : i32
    %eq3A_1808 = vector.broadcast %eq3A_1807 : i32 to vector<16x256xi32>
    %eq3A_1809 = arith.cmpi eq, %add3A_1800, %eq3A_1808 : vector<16x256xi32>
    %and3A_1810 = arith.andi %and3A_1757, %eq3A_1809 : vector<16x256xi1>
    %select_n3A_1811 = arith.select %and3A_1810, %add3A_1765, %select_n3A_1779 : vector<16x256xi1>, vector<16x256xf32>
    %select_n3A_1812 = arith.select %and3A_1810, %add3A_1768, %select_n3A_1780 : vector<16x256xi1>, vector<16x256xf32>
    %eq3A_1813 = arith.constant 2 : i32
    %eq3A_1814 = vector.broadcast %eq3A_1813 : i32 to vector<16x256xi32>
    %eq3A_1815 = arith.cmpi eq, %add3A_1800, %eq3A_1814 : vector<16x256xi32>
    %and3A_1816 = arith.andi %and3A_1757, %eq3A_1815 : vector<16x256xi1>
    %select_n3A_1817 = arith.select %and3A_1816, %add3A_1765, %select_n3A_1785 : vector<16x256xi1>, vector<16x256xf32>
    %select_n3A_1818 = arith.select %and3A_1816, %add3A_1768, %select_n3A_1786 : vector<16x256xi1>, vector<16x256xf32>
    %eq3A_1819 = arith.constant 3 : i32
    %eq3A_1820 = vector.broadcast %eq3A_1819 : i32 to vector<16x256xi32>
    %eq3A_1821 = arith.cmpi eq, %add3A_1800, %eq3A_1820 : vector<16x256xi32>
    %and3A_1822 = arith.andi %and3A_1757, %eq3A_1821 : vector<16x256xi1>
    %select_n3A_1823 = arith.select %and3A_1822, %add3A_1765, %select_n3A_1791 : vector<16x256xi1>, vector<16x256xf32>
    %select_n3A_1824 = arith.select %and3A_1822, %add3A_1768, %select_n3A_1792 : vector<16x256xi1>, vector<16x256xf32>
    %eq3A_1825 = arith.constant 4 : i32
    %eq3A_1826 = vector.broadcast %eq3A_1825 : i32 to vector<16x256xi32>
    %eq3A_1827 = arith.cmpi eq, %add3A_1800, %eq3A_1826 : vector<16x256xi32>
    %and3A_1828 = arith.andi %and3A_1757, %eq3A_1827 : vector<16x256xi1>
    %select_n3A_1829 = arith.select %and3A_1828, %add3A_1765, %select_n3A_1797 : vector<16x256xi1>, vector<16x256xf32>
    %select_n3A_1830 = arith.select %and3A_1828, %add3A_1768, %select_n3A_1798 : vector<16x256xi1>, vector<16x256xf32>
    %eq3A_1831 = arith.constant 5 : i32
    %eq3A_1832 = vector.broadcast %eq3A_1831 : i32 to vector<16x256xi32>
    %eq3A_1833 = arith.cmpi eq, %add3A_1800, %eq3A_1832 : vector<16x256xi32>
    %and3A_1834 = arith.andi %and3A_1757, %eq3A_1833 : vector<16x256xi1>
    %select_n3A_1835 = arith.select %and3A_1834, %add3A_1765, %broadcast_in_dim3A_1591 : vector<16x256xi1>, vector<16x256xf32>
    %select_n3A_1836 = arith.select %and3A_1834, %add3A_1768, %broadcast_in_dim3A_1607 : vector<16x256xi1>, vector<16x256xf32>
    %convert_element_type3A_1837 = arith.extui %and3A_1757 : vector<16x256xi1> to vector<16x256xi32>
    %add3A_1838 = arith.addi %add3A_1800, %convert_element_type3A_1837 : vector<16x256xi32>
    %eq3A_1839 = arith.constant 4 : i32
    %eq3A_1840 = vector.broadcast %eq3A_1839 : i32 to vector<16x256xi32>
    %eq3A_1841 = arith.cmpi eq, %add3A_1514, %eq3A_1840 : vector<16x256xi32>
    %select_n3A_1842 = arith.select %eq3A_1841, %select_n3A_1475, %select_n3A_1499 : vector<16x256xi1>, vector<16x256xf32>
    %select_n3A_1843 = arith.select %eq3A_1841, %select_n3A_1476, %select_n3A_1500 : vector<16x256xi1>, vector<16x256xf32>
    %select_n3A_1844 = arith.select %eq3A_1841, %sub3A_1525, %sub3A_1561 : vector<16x256xi1>, vector<16x256xf32>
    %ge3A_1845 = arith.constant 0.000000e+00 : f32
    %ge3A_1846 = vector.broadcast %ge3A_1845 : f32 to vector<16x256xf32>
    %ge3A_1847 = arith.cmpf oge, %sub3A_1552, %ge3A_1846 : vector<16x256xf32>
    %ge3A_1848 = arith.constant 0.000000e+00 : f32
    %ge3A_1849 = vector.broadcast %ge3A_1848 : f32 to vector<16x256xf32>
    %ge3A_1850 = arith.cmpf oge, %select_n3A_1844, %ge3A_1849 : vector<16x256xf32>
    %gt3A_1851 = arith.constant 3 : i32
    %gt3A_1852 = vector.broadcast %gt3A_1851 : i32 to vector<16x256xi32>
    %gt3A_1853 = arith.cmpi sgt, %add3A_1514, %gt3A_1852 : vector<16x256xi32>
    %and3A_1854 = arith.andi %gt3A_1853, %ge3A_1847 : vector<16x256xi1>
    %ne3A_1855 = arith.xori %ge3A_1847, %ge3A_1850 : vector<16x256xi1>
    %and3A_1856 = arith.andi %gt3A_1853, %ne3A_1855 : vector<16x256xi1>
    %sub3A_1857 = arith.subf %sub3A_1552, %select_n3A_1844 : vector<16x256xf32>
    %jit3A_1858 = arith.constant 1.000000e+00 : f32
    %broadcast_in_dim3A_1859 = vector.broadcast %jit3A_1858 : f32 to vector<16x256xf32>
    %select_n3A_1860 = arith.select %and3A_1856, %sub3A_1857, %broadcast_in_dim3A_1859 : vector<16x256xi1>, vector<16x256xf32>
    %div3A_1861 = arith.divf %sub3A_1552, %select_n3A_1860 : vector<16x256xf32>
    %sub3A_1862 = arith.subf %select_n3A_1842, %select_n3A_1493 : vector<16x256xf32>
    %mul3A_1863 = arith.mulf %div3A_1861, %sub3A_1862 : vector<16x256xf32>
    %add3A_1864 = arith.addf %select_n3A_1493, %mul3A_1863 : vector<16x256xf32>
    %sub3A_1865 = arith.subf %select_n3A_1843, %select_n3A_1494 : vector<16x256xf32>
    %mul3A_1866 = arith.mulf %div3A_1861, %sub3A_1865 : vector<16x256xf32>
    %add3A_1867 = arith.addf %select_n3A_1494, %mul3A_1866 : vector<16x256xf32>
    %eq3A_1868 = arith.constant 0 : i32
    %eq3A_1869 = vector.broadcast %eq3A_1868 : i32 to vector<16x256xi32>
    %eq3A_1870 = arith.cmpi eq, %add3A_1838, %eq3A_1869 : vector<16x256xi32>
    %and3A_1871 = arith.andi %and3A_1854, %eq3A_1870 : vector<16x256xi1>
    %select_n3A_1872 = arith.select %and3A_1871, %select_n3A_1493, %select_n3A_1805 : vector<16x256xi1>, vector<16x256xf32>
    %select_n3A_1873 = arith.select %and3A_1871, %select_n3A_1494, %select_n3A_1806 : vector<16x256xi1>, vector<16x256xf32>
    %eq3A_1874 = arith.constant 1 : i32
    %eq3A_1875 = vector.broadcast %eq3A_1874 : i32 to vector<16x256xi32>
    %eq3A_1876 = arith.cmpi eq, %add3A_1838, %eq3A_1875 : vector<16x256xi32>
    %and3A_1877 = arith.andi %and3A_1854, %eq3A_1876 : vector<16x256xi1>
    %select_n3A_1878 = arith.select %and3A_1877, %select_n3A_1493, %select_n3A_1811 : vector<16x256xi1>, vector<16x256xf32>
    %select_n3A_1879 = arith.select %and3A_1877, %select_n3A_1494, %select_n3A_1812 : vector<16x256xi1>, vector<16x256xf32>
    %eq3A_1880 = arith.constant 2 : i32
    %eq3A_1881 = vector.broadcast %eq3A_1880 : i32 to vector<16x256xi32>
    %eq3A_1882 = arith.cmpi eq, %add3A_1838, %eq3A_1881 : vector<16x256xi32>
    %and3A_1883 = arith.andi %and3A_1854, %eq3A_1882 : vector<16x256xi1>
    %select_n3A_1884 = arith.select %and3A_1883, %select_n3A_1493, %select_n3A_1817 : vector<16x256xi1>, vector<16x256xf32>
    %select_n3A_1885 = arith.select %and3A_1883, %select_n3A_1494, %select_n3A_1818 : vector<16x256xi1>, vector<16x256xf32>
    %eq3A_1886 = arith.constant 3 : i32
    %eq3A_1887 = vector.broadcast %eq3A_1886 : i32 to vector<16x256xi32>
    %eq3A_1888 = arith.cmpi eq, %add3A_1838, %eq3A_1887 : vector<16x256xi32>
    %and3A_1889 = arith.andi %and3A_1854, %eq3A_1888 : vector<16x256xi1>
    %select_n3A_1890 = arith.select %and3A_1889, %select_n3A_1493, %select_n3A_1823 : vector<16x256xi1>, vector<16x256xf32>
    %select_n3A_1891 = arith.select %and3A_1889, %select_n3A_1494, %select_n3A_1824 : vector<16x256xi1>, vector<16x256xf32>
    %eq3A_1892 = arith.constant 4 : i32
    %eq3A_1893 = vector.broadcast %eq3A_1892 : i32 to vector<16x256xi32>
    %eq3A_1894 = arith.cmpi eq, %add3A_1838, %eq3A_1893 : vector<16x256xi32>
    %and3A_1895 = arith.andi %and3A_1854, %eq3A_1894 : vector<16x256xi1>
    %select_n3A_1896 = arith.select %and3A_1895, %select_n3A_1493, %select_n3A_1829 : vector<16x256xi1>, vector<16x256xf32>
    %select_n3A_1897 = arith.select %and3A_1895, %select_n3A_1494, %select_n3A_1830 : vector<16x256xi1>, vector<16x256xf32>
    %eq3A_1898 = arith.constant 5 : i32
    %eq3A_1899 = vector.broadcast %eq3A_1898 : i32 to vector<16x256xi32>
    %eq3A_1900 = arith.cmpi eq, %add3A_1838, %eq3A_1899 : vector<16x256xi32>
    %and3A_1901 = arith.andi %and3A_1854, %eq3A_1900 : vector<16x256xi1>
    %select_n3A_1902 = arith.select %and3A_1901, %select_n3A_1493, %select_n3A_1835 : vector<16x256xi1>, vector<16x256xf32>
    %select_n3A_1903 = arith.select %and3A_1901, %select_n3A_1494, %select_n3A_1836 : vector<16x256xi1>, vector<16x256xf32>
    %eq3A_1904 = arith.constant 6 : i32
    %eq3A_1905 = vector.broadcast %eq3A_1904 : i32 to vector<16x256xi32>
    %eq3A_1906 = arith.cmpi eq, %add3A_1838, %eq3A_1905 : vector<16x256xi32>
    %and3A_1907 = arith.andi %and3A_1854, %eq3A_1906 : vector<16x256xi1>
    %select_n3A_1908 = arith.select %and3A_1907, %select_n3A_1493, %broadcast_in_dim3A_1593 : vector<16x256xi1>, vector<16x256xf32>
    %select_n3A_1909 = arith.select %and3A_1907, %select_n3A_1494, %broadcast_in_dim3A_1609 : vector<16x256xi1>, vector<16x256xf32>
    %convert_element_type3A_1910 = arith.extui %and3A_1854 : vector<16x256xi1> to vector<16x256xi32>
    %add3A_1911 = arith.addi %add3A_1838, %convert_element_type3A_1910 : vector<16x256xi32>
    %eq3A_1912 = arith.constant 0 : i32
    %eq3A_1913 = vector.broadcast %eq3A_1912 : i32 to vector<16x256xi32>
    %eq3A_1914 = arith.cmpi eq, %add3A_1911, %eq3A_1913 : vector<16x256xi32>
    %and3A_1915 = arith.andi %and3A_1856, %eq3A_1914 : vector<16x256xi1>
    %select_n3A_1916 = arith.select %and3A_1915, %add3A_1864, %select_n3A_1872 : vector<16x256xi1>, vector<16x256xf32>
    %select_n3A_1917 = arith.select %and3A_1915, %add3A_1867, %select_n3A_1873 : vector<16x256xi1>, vector<16x256xf32>
    %eq3A_1918 = arith.constant 1 : i32
    %eq3A_1919 = vector.broadcast %eq3A_1918 : i32 to vector<16x256xi32>
    %eq3A_1920 = arith.cmpi eq, %add3A_1911, %eq3A_1919 : vector<16x256xi32>
    %and3A_1921 = arith.andi %and3A_1856, %eq3A_1920 : vector<16x256xi1>
    %select_n3A_1922 = arith.select %and3A_1921, %add3A_1864, %select_n3A_1878 : vector<16x256xi1>, vector<16x256xf32>
    %select_n3A_1923 = arith.select %and3A_1921, %add3A_1867, %select_n3A_1879 : vector<16x256xi1>, vector<16x256xf32>
    %eq3A_1924 = arith.constant 2 : i32
    %eq3A_1925 = vector.broadcast %eq3A_1924 : i32 to vector<16x256xi32>
    %eq3A_1926 = arith.cmpi eq, %add3A_1911, %eq3A_1925 : vector<16x256xi32>
    %and3A_1927 = arith.andi %and3A_1856, %eq3A_1926 : vector<16x256xi1>
    %select_n3A_1928 = arith.select %and3A_1927, %add3A_1864, %select_n3A_1884 : vector<16x256xi1>, vector<16x256xf32>
    %select_n3A_1929 = arith.select %and3A_1927, %add3A_1867, %select_n3A_1885 : vector<16x256xi1>, vector<16x256xf32>
    %eq3A_1930 = arith.constant 3 : i32
    %eq3A_1931 = vector.broadcast %eq3A_1930 : i32 to vector<16x256xi32>
    %eq3A_1932 = arith.cmpi eq, %add3A_1911, %eq3A_1931 : vector<16x256xi32>
    %and3A_1933 = arith.andi %and3A_1856, %eq3A_1932 : vector<16x256xi1>
    %select_n3A_1934 = arith.select %and3A_1933, %add3A_1864, %select_n3A_1890 : vector<16x256xi1>, vector<16x256xf32>
    %select_n3A_1935 = arith.select %and3A_1933, %add3A_1867, %select_n3A_1891 : vector<16x256xi1>, vector<16x256xf32>
    %eq3A_1936 = arith.constant 4 : i32
    %eq3A_1937 = vector.broadcast %eq3A_1936 : i32 to vector<16x256xi32>
    %eq3A_1938 = arith.cmpi eq, %add3A_1911, %eq3A_1937 : vector<16x256xi32>
    %and3A_1939 = arith.andi %and3A_1856, %eq3A_1938 : vector<16x256xi1>
    %select_n3A_1940 = arith.select %and3A_1939, %add3A_1864, %select_n3A_1896 : vector<16x256xi1>, vector<16x256xf32>
    %select_n3A_1941 = arith.select %and3A_1939, %add3A_1867, %select_n3A_1897 : vector<16x256xi1>, vector<16x256xf32>
    %eq3A_1942 = arith.constant 5 : i32
    %eq3A_1943 = vector.broadcast %eq3A_1942 : i32 to vector<16x256xi32>
    %eq3A_1944 = arith.cmpi eq, %add3A_1911, %eq3A_1943 : vector<16x256xi32>
    %and3A_1945 = arith.andi %and3A_1856, %eq3A_1944 : vector<16x256xi1>
    %select_n3A_1946 = arith.select %and3A_1945, %add3A_1864, %select_n3A_1902 : vector<16x256xi1>, vector<16x256xf32>
    %select_n3A_1947 = arith.select %and3A_1945, %add3A_1867, %select_n3A_1903 : vector<16x256xi1>, vector<16x256xf32>
    %eq3A_1948 = arith.constant 6 : i32
    %eq3A_1949 = vector.broadcast %eq3A_1948 : i32 to vector<16x256xi32>
    %eq3A_1950 = arith.cmpi eq, %add3A_1911, %eq3A_1949 : vector<16x256xi32>
    %and3A_1951 = arith.andi %and3A_1856, %eq3A_1950 : vector<16x256xi1>
    %select_n3A_1952 = arith.select %and3A_1951, %add3A_1864, %select_n3A_1908 : vector<16x256xi1>, vector<16x256xf32>
    %select_n3A_1953 = arith.select %and3A_1951, %add3A_1867, %select_n3A_1909 : vector<16x256xi1>, vector<16x256xf32>
    %eq3A_1954 = arith.constant 7 : i32
    %eq3A_1955 = vector.broadcast %eq3A_1954 : i32 to vector<16x256xi32>
    %eq3A_1956 = arith.cmpi eq, %add3A_1911, %eq3A_1955 : vector<16x256xi32>
    %and3A_1957 = arith.andi %and3A_1856, %eq3A_1956 : vector<16x256xi1>
    %select_n3A_1958 = arith.select %and3A_1957, %add3A_1864, %broadcast_in_dim3A_1595 : vector<16x256xi1>, vector<16x256xf32>
    %select_n3A_1959 = arith.select %and3A_1957, %add3A_1867, %broadcast_in_dim3A_1611 : vector<16x256xi1>, vector<16x256xf32>
    %convert_element_type3A_1960 = arith.extui %and3A_1856 : vector<16x256xi1> to vector<16x256xi32>
    %add3A_1961 = arith.addi %add3A_1911, %convert_element_type3A_1960 : vector<16x256xi32>
    %eq3A_1962 = arith.constant 5 : i32
    %eq3A_1963 = vector.broadcast %eq3A_1962 : i32 to vector<16x256xi32>
    %eq3A_1964 = arith.cmpi eq, %add3A_1514, %eq3A_1963 : vector<16x256xi32>
    %select_n3A_1965 = arith.select %eq3A_1964, %select_n3A_1475, %select_n3A_1505 : vector<16x256xi1>, vector<16x256xf32>
    %select_n3A_1966 = arith.select %eq3A_1964, %select_n3A_1476, %select_n3A_1506 : vector<16x256xi1>, vector<16x256xf32>
    %select_n3A_1967 = arith.select %eq3A_1964, %sub3A_1525, %sub3A_1570 : vector<16x256xi1>, vector<16x256xf32>
    %ge3A_1968 = arith.constant 0.000000e+00 : f32
    %ge3A_1969 = vector.broadcast %ge3A_1968 : f32 to vector<16x256xf32>
    %ge3A_1970 = arith.cmpf oge, %sub3A_1561, %ge3A_1969 : vector<16x256xf32>
    %ge3A_1971 = arith.constant 0.000000e+00 : f32
    %ge3A_1972 = vector.broadcast %ge3A_1971 : f32 to vector<16x256xf32>
    %ge3A_1973 = arith.cmpf oge, %select_n3A_1967, %ge3A_1972 : vector<16x256xf32>
    %gt3A_1974 = arith.constant 4 : i32
    %gt3A_1975 = vector.broadcast %gt3A_1974 : i32 to vector<16x256xi32>
    %gt3A_1976 = arith.cmpi sgt, %add3A_1514, %gt3A_1975 : vector<16x256xi32>
    %and3A_1977 = arith.andi %gt3A_1976, %ge3A_1970 : vector<16x256xi1>
    %ne3A_1978 = arith.xori %ge3A_1970, %ge3A_1973 : vector<16x256xi1>
    %and3A_1979 = arith.andi %gt3A_1976, %ne3A_1978 : vector<16x256xi1>
    %sub3A_1980 = arith.subf %sub3A_1561, %select_n3A_1967 : vector<16x256xf32>
    %jit3A_1981 = arith.constant 1.000000e+00 : f32
    %broadcast_in_dim3A_1982 = vector.broadcast %jit3A_1981 : f32 to vector<16x256xf32>
    %select_n3A_1983 = arith.select %and3A_1979, %sub3A_1980, %broadcast_in_dim3A_1982 : vector<16x256xi1>, vector<16x256xf32>
    %div3A_1984 = arith.divf %sub3A_1561, %select_n3A_1983 : vector<16x256xf32>
    %sub3A_1985 = arith.subf %select_n3A_1965, %select_n3A_1499 : vector<16x256xf32>
    %mul3A_1986 = arith.mulf %div3A_1984, %sub3A_1985 : vector<16x256xf32>
    %add3A_1987 = arith.addf %select_n3A_1499, %mul3A_1986 : vector<16x256xf32>
    %sub3A_1988 = arith.subf %select_n3A_1966, %select_n3A_1500 : vector<16x256xf32>
    %mul3A_1989 = arith.mulf %div3A_1984, %sub3A_1988 : vector<16x256xf32>
    %add3A_1990 = arith.addf %select_n3A_1500, %mul3A_1989 : vector<16x256xf32>
    %eq3A_1991 = arith.constant 0 : i32
    %eq3A_1992 = vector.broadcast %eq3A_1991 : i32 to vector<16x256xi32>
    %eq3A_1993 = arith.cmpi eq, %add3A_1961, %eq3A_1992 : vector<16x256xi32>
    %and3A_1994 = arith.andi %and3A_1977, %eq3A_1993 : vector<16x256xi1>
    %select_n3A_1995 = arith.select %and3A_1994, %select_n3A_1499, %select_n3A_1916 : vector<16x256xi1>, vector<16x256xf32>
    %select_n3A_1996 = arith.select %and3A_1994, %select_n3A_1500, %select_n3A_1917 : vector<16x256xi1>, vector<16x256xf32>
    %eq3A_1997 = arith.constant 1 : i32
    %eq3A_1998 = vector.broadcast %eq3A_1997 : i32 to vector<16x256xi32>
    %eq3A_1999 = arith.cmpi eq, %add3A_1961, %eq3A_1998 : vector<16x256xi32>
    %and3A_2000 = arith.andi %and3A_1977, %eq3A_1999 : vector<16x256xi1>
    %select_n3A_2001 = arith.select %and3A_2000, %select_n3A_1499, %select_n3A_1922 : vector<16x256xi1>, vector<16x256xf32>
    %select_n3A_2002 = arith.select %and3A_2000, %select_n3A_1500, %select_n3A_1923 : vector<16x256xi1>, vector<16x256xf32>
    %eq3A_2003 = arith.constant 2 : i32
    %eq3A_2004 = vector.broadcast %eq3A_2003 : i32 to vector<16x256xi32>
    %eq3A_2005 = arith.cmpi eq, %add3A_1961, %eq3A_2004 : vector<16x256xi32>
    %and3A_2006 = arith.andi %and3A_1977, %eq3A_2005 : vector<16x256xi1>
    %select_n3A_2007 = arith.select %and3A_2006, %select_n3A_1499, %select_n3A_1928 : vector<16x256xi1>, vector<16x256xf32>
    %select_n3A_2008 = arith.select %and3A_2006, %select_n3A_1500, %select_n3A_1929 : vector<16x256xi1>, vector<16x256xf32>
    %eq3A_2009 = arith.constant 3 : i32
    %eq3A_2010 = vector.broadcast %eq3A_2009 : i32 to vector<16x256xi32>
    %eq3A_2011 = arith.cmpi eq, %add3A_1961, %eq3A_2010 : vector<16x256xi32>
    %and3A_2012 = arith.andi %and3A_1977, %eq3A_2011 : vector<16x256xi1>
    %select_n3A_2013 = arith.select %and3A_2012, %select_n3A_1499, %select_n3A_1934 : vector<16x256xi1>, vector<16x256xf32>
    %select_n3A_2014 = arith.select %and3A_2012, %select_n3A_1500, %select_n3A_1935 : vector<16x256xi1>, vector<16x256xf32>
    %eq3A_2015 = arith.constant 4 : i32
    %eq3A_2016 = vector.broadcast %eq3A_2015 : i32 to vector<16x256xi32>
    %eq3A_2017 = arith.cmpi eq, %add3A_1961, %eq3A_2016 : vector<16x256xi32>
    %and3A_2018 = arith.andi %and3A_1977, %eq3A_2017 : vector<16x256xi1>
    %select_n3A_2019 = arith.select %and3A_2018, %select_n3A_1499, %select_n3A_1940 : vector<16x256xi1>, vector<16x256xf32>
    %select_n3A_2020 = arith.select %and3A_2018, %select_n3A_1500, %select_n3A_1941 : vector<16x256xi1>, vector<16x256xf32>
    %eq3A_2021 = arith.constant 5 : i32
    %eq3A_2022 = vector.broadcast %eq3A_2021 : i32 to vector<16x256xi32>
    %eq3A_2023 = arith.cmpi eq, %add3A_1961, %eq3A_2022 : vector<16x256xi32>
    %and3A_2024 = arith.andi %and3A_1977, %eq3A_2023 : vector<16x256xi1>
    %select_n3A_2025 = arith.select %and3A_2024, %select_n3A_1499, %select_n3A_1946 : vector<16x256xi1>, vector<16x256xf32>
    %select_n3A_2026 = arith.select %and3A_2024, %select_n3A_1500, %select_n3A_1947 : vector<16x256xi1>, vector<16x256xf32>
    %eq3A_2027 = arith.constant 6 : i32
    %eq3A_2028 = vector.broadcast %eq3A_2027 : i32 to vector<16x256xi32>
    %eq3A_2029 = arith.cmpi eq, %add3A_1961, %eq3A_2028 : vector<16x256xi32>
    %and3A_2030 = arith.andi %and3A_1977, %eq3A_2029 : vector<16x256xi1>
    %select_n3A_2031 = arith.select %and3A_2030, %select_n3A_1499, %select_n3A_1952 : vector<16x256xi1>, vector<16x256xf32>
    %select_n3A_2032 = arith.select %and3A_2030, %select_n3A_1500, %select_n3A_1953 : vector<16x256xi1>, vector<16x256xf32>
    %eq3A_2033 = arith.constant 7 : i32
    %eq3A_2034 = vector.broadcast %eq3A_2033 : i32 to vector<16x256xi32>
    %eq3A_2035 = arith.cmpi eq, %add3A_1961, %eq3A_2034 : vector<16x256xi32>
    %and3A_2036 = arith.andi %and3A_1977, %eq3A_2035 : vector<16x256xi1>
    %select_n3A_2037 = arith.select %and3A_2036, %select_n3A_1499, %select_n3A_1958 : vector<16x256xi1>, vector<16x256xf32>
    %select_n3A_2038 = arith.select %and3A_2036, %select_n3A_1500, %select_n3A_1959 : vector<16x256xi1>, vector<16x256xf32>
    %convert_element_type3A_2039 = arith.extui %and3A_1977 : vector<16x256xi1> to vector<16x256xi32>
    %add3A_2040 = arith.addi %add3A_1961, %convert_element_type3A_2039 : vector<16x256xi32>
    %eq3A_2041 = arith.constant 0 : i32
    %eq3A_2042 = vector.broadcast %eq3A_2041 : i32 to vector<16x256xi32>
    %eq3A_2043 = arith.cmpi eq, %add3A_2040, %eq3A_2042 : vector<16x256xi32>
    %and3A_2044 = arith.andi %and3A_1979, %eq3A_2043 : vector<16x256xi1>
    %select_n3A_2045 = arith.select %and3A_2044, %add3A_1987, %select_n3A_1995 : vector<16x256xi1>, vector<16x256xf32>
    %select_n3A_2046 = arith.select %and3A_2044, %add3A_1990, %select_n3A_1996 : vector<16x256xi1>, vector<16x256xf32>
    %eq3A_2047 = arith.constant 1 : i32
    %eq3A_2048 = vector.broadcast %eq3A_2047 : i32 to vector<16x256xi32>
    %eq3A_2049 = arith.cmpi eq, %add3A_2040, %eq3A_2048 : vector<16x256xi32>
    %and3A_2050 = arith.andi %and3A_1979, %eq3A_2049 : vector<16x256xi1>
    %select_n3A_2051 = arith.select %and3A_2050, %add3A_1987, %select_n3A_2001 : vector<16x256xi1>, vector<16x256xf32>
    %select_n3A_2052 = arith.select %and3A_2050, %add3A_1990, %select_n3A_2002 : vector<16x256xi1>, vector<16x256xf32>
    %eq3A_2053 = arith.constant 2 : i32
    %eq3A_2054 = vector.broadcast %eq3A_2053 : i32 to vector<16x256xi32>
    %eq3A_2055 = arith.cmpi eq, %add3A_2040, %eq3A_2054 : vector<16x256xi32>
    %and3A_2056 = arith.andi %and3A_1979, %eq3A_2055 : vector<16x256xi1>
    %select_n3A_2057 = arith.select %and3A_2056, %add3A_1987, %select_n3A_2007 : vector<16x256xi1>, vector<16x256xf32>
    %select_n3A_2058 = arith.select %and3A_2056, %add3A_1990, %select_n3A_2008 : vector<16x256xi1>, vector<16x256xf32>
    %eq3A_2059 = arith.constant 3 : i32
    %eq3A_2060 = vector.broadcast %eq3A_2059 : i32 to vector<16x256xi32>
    %eq3A_2061 = arith.cmpi eq, %add3A_2040, %eq3A_2060 : vector<16x256xi32>
    %and3A_2062 = arith.andi %and3A_1979, %eq3A_2061 : vector<16x256xi1>
    %select_n3A_2063 = arith.select %and3A_2062, %add3A_1987, %select_n3A_2013 : vector<16x256xi1>, vector<16x256xf32>
    %select_n3A_2064 = arith.select %and3A_2062, %add3A_1990, %select_n3A_2014 : vector<16x256xi1>, vector<16x256xf32>
    %eq3A_2065 = arith.constant 4 : i32
    %eq3A_2066 = vector.broadcast %eq3A_2065 : i32 to vector<16x256xi32>
    %eq3A_2067 = arith.cmpi eq, %add3A_2040, %eq3A_2066 : vector<16x256xi32>
    %and3A_2068 = arith.andi %and3A_1979, %eq3A_2067 : vector<16x256xi1>
    %select_n3A_2069 = arith.select %and3A_2068, %add3A_1987, %select_n3A_2019 : vector<16x256xi1>, vector<16x256xf32>
    %select_n3A_2070 = arith.select %and3A_2068, %add3A_1990, %select_n3A_2020 : vector<16x256xi1>, vector<16x256xf32>
    %eq3A_2071 = arith.constant 5 : i32
    %eq3A_2072 = vector.broadcast %eq3A_2071 : i32 to vector<16x256xi32>
    %eq3A_2073 = arith.cmpi eq, %add3A_2040, %eq3A_2072 : vector<16x256xi32>
    %and3A_2074 = arith.andi %and3A_1979, %eq3A_2073 : vector<16x256xi1>
    %select_n3A_2075 = arith.select %and3A_2074, %add3A_1987, %select_n3A_2025 : vector<16x256xi1>, vector<16x256xf32>
    %select_n3A_2076 = arith.select %and3A_2074, %add3A_1990, %select_n3A_2026 : vector<16x256xi1>, vector<16x256xf32>
    %eq3A_2077 = arith.constant 6 : i32
    %eq3A_2078 = vector.broadcast %eq3A_2077 : i32 to vector<16x256xi32>
    %eq3A_2079 = arith.cmpi eq, %add3A_2040, %eq3A_2078 : vector<16x256xi32>
    %and3A_2080 = arith.andi %and3A_1979, %eq3A_2079 : vector<16x256xi1>
    %select_n3A_2081 = arith.select %and3A_2080, %add3A_1987, %select_n3A_2031 : vector<16x256xi1>, vector<16x256xf32>
    %select_n3A_2082 = arith.select %and3A_2080, %add3A_1990, %select_n3A_2032 : vector<16x256xi1>, vector<16x256xf32>
    %eq3A_2083 = arith.constant 7 : i32
    %eq3A_2084 = vector.broadcast %eq3A_2083 : i32 to vector<16x256xi32>
    %eq3A_2085 = arith.cmpi eq, %add3A_2040, %eq3A_2084 : vector<16x256xi32>
    %and3A_2086 = arith.andi %and3A_1979, %eq3A_2085 : vector<16x256xi1>
    %select_n3A_2087 = arith.select %and3A_2086, %add3A_1987, %select_n3A_2037 : vector<16x256xi1>, vector<16x256xf32>
    %select_n3A_2088 = arith.select %and3A_2086, %add3A_1990, %select_n3A_2038 : vector<16x256xi1>, vector<16x256xf32>
    %convert_element_type3A_2089 = arith.extui %and3A_1979 : vector<16x256xi1> to vector<16x256xi32>
    %add3A_2090 = arith.addi %add3A_2040, %convert_element_type3A_2089 : vector<16x256xi32>
    %eq3A_2091 = arith.constant 6 : i32
    %eq3A_2092 = vector.broadcast %eq3A_2091 : i32 to vector<16x256xi32>
    %eq3A_2093 = arith.cmpi eq, %add3A_1514, %eq3A_2092 : vector<16x256xi32>
    %select_n3A_2094 = arith.select %eq3A_2093, %select_n3A_1475, %select_n3A_1511 : vector<16x256xi1>, vector<16x256xf32>
    %select_n3A_2095 = arith.select %eq3A_2093, %select_n3A_1476, %select_n3A_1512 : vector<16x256xi1>, vector<16x256xf32>
    %select_n3A_2096 = arith.select %eq3A_2093, %sub3A_1525, %sub3A_1579 : vector<16x256xi1>, vector<16x256xf32>
    %ge3A_2097 = arith.constant 0.000000e+00 : f32
    %ge3A_2098 = vector.broadcast %ge3A_2097 : f32 to vector<16x256xf32>
    %ge3A_2099 = arith.cmpf oge, %sub3A_1570, %ge3A_2098 : vector<16x256xf32>
    %ge3A_2100 = arith.constant 0.000000e+00 : f32
    %ge3A_2101 = vector.broadcast %ge3A_2100 : f32 to vector<16x256xf32>
    %ge3A_2102 = arith.cmpf oge, %select_n3A_2096, %ge3A_2101 : vector<16x256xf32>
    %gt3A_2103 = arith.constant 5 : i32
    %gt3A_2104 = vector.broadcast %gt3A_2103 : i32 to vector<16x256xi32>
    %gt3A_2105 = arith.cmpi sgt, %add3A_1514, %gt3A_2104 : vector<16x256xi32>
    %and3A_2106 = arith.andi %gt3A_2105, %ge3A_2099 : vector<16x256xi1>
    %ne3A_2107 = arith.xori %ge3A_2099, %ge3A_2102 : vector<16x256xi1>
    %and3A_2108 = arith.andi %gt3A_2105, %ne3A_2107 : vector<16x256xi1>
    %sub3A_2109 = arith.subf %sub3A_1570, %select_n3A_2096 : vector<16x256xf32>
    %jit3A_2110 = arith.constant 1.000000e+00 : f32
    %broadcast_in_dim3A_2111 = vector.broadcast %jit3A_2110 : f32 to vector<16x256xf32>
    %select_n3A_2112 = arith.select %and3A_2108, %sub3A_2109, %broadcast_in_dim3A_2111 : vector<16x256xi1>, vector<16x256xf32>
    %div3A_2113 = arith.divf %sub3A_1570, %select_n3A_2112 : vector<16x256xf32>
    %sub3A_2114 = arith.subf %select_n3A_2094, %select_n3A_1505 : vector<16x256xf32>
    %mul3A_2115 = arith.mulf %div3A_2113, %sub3A_2114 : vector<16x256xf32>
    %add3A_2116 = arith.addf %select_n3A_1505, %mul3A_2115 : vector<16x256xf32>
    %sub3A_2117 = arith.subf %select_n3A_2095, %select_n3A_1506 : vector<16x256xf32>
    %mul3A_2118 = arith.mulf %div3A_2113, %sub3A_2117 : vector<16x256xf32>
    %add3A_2119 = arith.addf %select_n3A_1506, %mul3A_2118 : vector<16x256xf32>
    %eq3A_2120 = arith.constant 0 : i32
    %eq3A_2121 = vector.broadcast %eq3A_2120 : i32 to vector<16x256xi32>
    %eq3A_2122 = arith.cmpi eq, %add3A_2090, %eq3A_2121 : vector<16x256xi32>
    %and3A_2123 = arith.andi %and3A_2106, %eq3A_2122 : vector<16x256xi1>
    %select_n3A_2124 = arith.select %and3A_2123, %select_n3A_1505, %select_n3A_2045 : vector<16x256xi1>, vector<16x256xf32>
    %select_n3A_2125 = arith.select %and3A_2123, %select_n3A_1506, %select_n3A_2046 : vector<16x256xi1>, vector<16x256xf32>
    %eq3A_2126 = arith.constant 1 : i32
    %eq3A_2127 = vector.broadcast %eq3A_2126 : i32 to vector<16x256xi32>
    %eq3A_2128 = arith.cmpi eq, %add3A_2090, %eq3A_2127 : vector<16x256xi32>
    %and3A_2129 = arith.andi %and3A_2106, %eq3A_2128 : vector<16x256xi1>
    %select_n3A_2130 = arith.select %and3A_2129, %select_n3A_1505, %select_n3A_2051 : vector<16x256xi1>, vector<16x256xf32>
    %select_n3A_2131 = arith.select %and3A_2129, %select_n3A_1506, %select_n3A_2052 : vector<16x256xi1>, vector<16x256xf32>
    %eq3A_2132 = arith.constant 2 : i32
    %eq3A_2133 = vector.broadcast %eq3A_2132 : i32 to vector<16x256xi32>
    %eq3A_2134 = arith.cmpi eq, %add3A_2090, %eq3A_2133 : vector<16x256xi32>
    %and3A_2135 = arith.andi %and3A_2106, %eq3A_2134 : vector<16x256xi1>
    %select_n3A_2136 = arith.select %and3A_2135, %select_n3A_1505, %select_n3A_2057 : vector<16x256xi1>, vector<16x256xf32>
    %select_n3A_2137 = arith.select %and3A_2135, %select_n3A_1506, %select_n3A_2058 : vector<16x256xi1>, vector<16x256xf32>
    %eq3A_2138 = arith.constant 3 : i32
    %eq3A_2139 = vector.broadcast %eq3A_2138 : i32 to vector<16x256xi32>
    %eq3A_2140 = arith.cmpi eq, %add3A_2090, %eq3A_2139 : vector<16x256xi32>
    %and3A_2141 = arith.andi %and3A_2106, %eq3A_2140 : vector<16x256xi1>
    %select_n3A_2142 = arith.select %and3A_2141, %select_n3A_1505, %select_n3A_2063 : vector<16x256xi1>, vector<16x256xf32>
    %select_n3A_2143 = arith.select %and3A_2141, %select_n3A_1506, %select_n3A_2064 : vector<16x256xi1>, vector<16x256xf32>
    %eq3A_2144 = arith.constant 4 : i32
    %eq3A_2145 = vector.broadcast %eq3A_2144 : i32 to vector<16x256xi32>
    %eq3A_2146 = arith.cmpi eq, %add3A_2090, %eq3A_2145 : vector<16x256xi32>
    %and3A_2147 = arith.andi %and3A_2106, %eq3A_2146 : vector<16x256xi1>
    %select_n3A_2148 = arith.select %and3A_2147, %select_n3A_1505, %select_n3A_2069 : vector<16x256xi1>, vector<16x256xf32>
    %select_n3A_2149 = arith.select %and3A_2147, %select_n3A_1506, %select_n3A_2070 : vector<16x256xi1>, vector<16x256xf32>
    %eq3A_2150 = arith.constant 5 : i32
    %eq3A_2151 = vector.broadcast %eq3A_2150 : i32 to vector<16x256xi32>
    %eq3A_2152 = arith.cmpi eq, %add3A_2090, %eq3A_2151 : vector<16x256xi32>
    %and3A_2153 = arith.andi %and3A_2106, %eq3A_2152 : vector<16x256xi1>
    %select_n3A_2154 = arith.select %and3A_2153, %select_n3A_1505, %select_n3A_2075 : vector<16x256xi1>, vector<16x256xf32>
    %select_n3A_2155 = arith.select %and3A_2153, %select_n3A_1506, %select_n3A_2076 : vector<16x256xi1>, vector<16x256xf32>
    %eq3A_2156 = arith.constant 6 : i32
    %eq3A_2157 = vector.broadcast %eq3A_2156 : i32 to vector<16x256xi32>
    %eq3A_2158 = arith.cmpi eq, %add3A_2090, %eq3A_2157 : vector<16x256xi32>
    %and3A_2159 = arith.andi %and3A_2106, %eq3A_2158 : vector<16x256xi1>
    %select_n3A_2160 = arith.select %and3A_2159, %select_n3A_1505, %select_n3A_2081 : vector<16x256xi1>, vector<16x256xf32>
    %select_n3A_2161 = arith.select %and3A_2159, %select_n3A_1506, %select_n3A_2082 : vector<16x256xi1>, vector<16x256xf32>
    %eq3A_2162 = arith.constant 7 : i32
    %eq3A_2163 = vector.broadcast %eq3A_2162 : i32 to vector<16x256xi32>
    %eq3A_2164 = arith.cmpi eq, %add3A_2090, %eq3A_2163 : vector<16x256xi32>
    %and3A_2165 = arith.andi %and3A_2106, %eq3A_2164 : vector<16x256xi1>
    %select_n3A_2166 = arith.select %and3A_2165, %select_n3A_1505, %select_n3A_2087 : vector<16x256xi1>, vector<16x256xf32>
    %select_n3A_2167 = arith.select %and3A_2165, %select_n3A_1506, %select_n3A_2088 : vector<16x256xi1>, vector<16x256xf32>
    %convert_element_type3A_2168 = arith.extui %and3A_2106 : vector<16x256xi1> to vector<16x256xi32>
    %add3A_2169 = arith.addi %add3A_2090, %convert_element_type3A_2168 : vector<16x256xi32>
    %eq3A_2170 = arith.constant 0 : i32
    %eq3A_2171 = vector.broadcast %eq3A_2170 : i32 to vector<16x256xi32>
    %eq3A_2172 = arith.cmpi eq, %add3A_2169, %eq3A_2171 : vector<16x256xi32>
    %and3A_2173 = arith.andi %and3A_2108, %eq3A_2172 : vector<16x256xi1>
    %select_n3A_2174 = arith.select %and3A_2173, %add3A_2116, %select_n3A_2124 : vector<16x256xi1>, vector<16x256xf32>
    %select_n3A_2175 = arith.select %and3A_2173, %add3A_2119, %select_n3A_2125 : vector<16x256xi1>, vector<16x256xf32>
    %eq3A_2176 = arith.constant 1 : i32
    %eq3A_2177 = vector.broadcast %eq3A_2176 : i32 to vector<16x256xi32>
    %eq3A_2178 = arith.cmpi eq, %add3A_2169, %eq3A_2177 : vector<16x256xi32>
    %and3A_2179 = arith.andi %and3A_2108, %eq3A_2178 : vector<16x256xi1>
    %select_n3A_2180 = arith.select %and3A_2179, %add3A_2116, %select_n3A_2130 : vector<16x256xi1>, vector<16x256xf32>
    %select_n3A_2181 = arith.select %and3A_2179, %add3A_2119, %select_n3A_2131 : vector<16x256xi1>, vector<16x256xf32>
    %eq3A_2182 = arith.constant 2 : i32
    %eq3A_2183 = vector.broadcast %eq3A_2182 : i32 to vector<16x256xi32>
    %eq3A_2184 = arith.cmpi eq, %add3A_2169, %eq3A_2183 : vector<16x256xi32>
    %and3A_2185 = arith.andi %and3A_2108, %eq3A_2184 : vector<16x256xi1>
    %select_n3A_2186 = arith.select %and3A_2185, %add3A_2116, %select_n3A_2136 : vector<16x256xi1>, vector<16x256xf32>
    %select_n3A_2187 = arith.select %and3A_2185, %add3A_2119, %select_n3A_2137 : vector<16x256xi1>, vector<16x256xf32>
    %eq3A_2188 = arith.constant 3 : i32
    %eq3A_2189 = vector.broadcast %eq3A_2188 : i32 to vector<16x256xi32>
    %eq3A_2190 = arith.cmpi eq, %add3A_2169, %eq3A_2189 : vector<16x256xi32>
    %and3A_2191 = arith.andi %and3A_2108, %eq3A_2190 : vector<16x256xi1>
    %select_n3A_2192 = arith.select %and3A_2191, %add3A_2116, %select_n3A_2142 : vector<16x256xi1>, vector<16x256xf32>
    %select_n3A_2193 = arith.select %and3A_2191, %add3A_2119, %select_n3A_2143 : vector<16x256xi1>, vector<16x256xf32>
    %eq3A_2194 = arith.constant 4 : i32
    %eq3A_2195 = vector.broadcast %eq3A_2194 : i32 to vector<16x256xi32>
    %eq3A_2196 = arith.cmpi eq, %add3A_2169, %eq3A_2195 : vector<16x256xi32>
    %and3A_2197 = arith.andi %and3A_2108, %eq3A_2196 : vector<16x256xi1>
    %select_n3A_2198 = arith.select %and3A_2197, %add3A_2116, %select_n3A_2148 : vector<16x256xi1>, vector<16x256xf32>
    %select_n3A_2199 = arith.select %and3A_2197, %add3A_2119, %select_n3A_2149 : vector<16x256xi1>, vector<16x256xf32>
    %eq3A_2200 = arith.constant 5 : i32
    %eq3A_2201 = vector.broadcast %eq3A_2200 : i32 to vector<16x256xi32>
    %eq3A_2202 = arith.cmpi eq, %add3A_2169, %eq3A_2201 : vector<16x256xi32>
    %and3A_2203 = arith.andi %and3A_2108, %eq3A_2202 : vector<16x256xi1>
    %select_n3A_2204 = arith.select %and3A_2203, %add3A_2116, %select_n3A_2154 : vector<16x256xi1>, vector<16x256xf32>
    %select_n3A_2205 = arith.select %and3A_2203, %add3A_2119, %select_n3A_2155 : vector<16x256xi1>, vector<16x256xf32>
    %eq3A_2206 = arith.constant 6 : i32
    %eq3A_2207 = vector.broadcast %eq3A_2206 : i32 to vector<16x256xi32>
    %eq3A_2208 = arith.cmpi eq, %add3A_2169, %eq3A_2207 : vector<16x256xi32>
    %and3A_2209 = arith.andi %and3A_2108, %eq3A_2208 : vector<16x256xi1>
    %select_n3A_2210 = arith.select %and3A_2209, %add3A_2116, %select_n3A_2160 : vector<16x256xi1>, vector<16x256xf32>
    %select_n3A_2211 = arith.select %and3A_2209, %add3A_2119, %select_n3A_2161 : vector<16x256xi1>, vector<16x256xf32>
    %eq3A_2212 = arith.constant 7 : i32
    %eq3A_2213 = vector.broadcast %eq3A_2212 : i32 to vector<16x256xi32>
    %eq3A_2214 = arith.cmpi eq, %add3A_2169, %eq3A_2213 : vector<16x256xi32>
    %and3A_2215 = arith.andi %and3A_2108, %eq3A_2214 : vector<16x256xi1>
    %select_n3A_2216 = arith.select %and3A_2215, %add3A_2116, %select_n3A_2166 : vector<16x256xi1>, vector<16x256xf32>
    %select_n3A_2217 = arith.select %and3A_2215, %add3A_2119, %select_n3A_2167 : vector<16x256xi1>, vector<16x256xf32>
    %convert_element_type3A_2218 = arith.extui %and3A_2108 : vector<16x256xi1> to vector<16x256xi32>
    %add3A_2219 = arith.addi %add3A_2169, %convert_element_type3A_2218 : vector<16x256xi32>
    %ge3A_2220 = arith.constant 0.000000e+00 : f32
    %ge3A_2221 = vector.broadcast %ge3A_2220 : f32 to vector<16x256xf32>
    %ge3A_2222 = arith.cmpf oge, %sub3A_1579, %ge3A_2221 : vector<16x256xf32>
    %ge3A_2223 = arith.constant 0.000000e+00 : f32
    %ge3A_2224 = vector.broadcast %ge3A_2223 : f32 to vector<16x256xf32>
    %ge3A_2225 = arith.cmpf oge, %sub3A_1525, %ge3A_2224 : vector<16x256xf32>
    %gt3A_2226 = arith.constant 6 : i32
    %gt3A_2227 = vector.broadcast %gt3A_2226 : i32 to vector<16x256xi32>
    %gt3A_2228 = arith.cmpi sgt, %add3A_1514, %gt3A_2227 : vector<16x256xi32>
    %and3A_2229 = arith.andi %gt3A_2228, %ge3A_2222 : vector<16x256xi1>
    %ne3A_2230 = arith.xori %ge3A_2222, %ge3A_2225 : vector<16x256xi1>
    %and3A_2231 = arith.andi %gt3A_2228, %ne3A_2230 : vector<16x256xi1>
    %sub3A_2232 = arith.subf %sub3A_1579, %sub3A_1525 : vector<16x256xf32>
    %jit3A_2233 = arith.constant 1.000000e+00 : f32
    %broadcast_in_dim3A_2234 = vector.broadcast %jit3A_2233 : f32 to vector<16x256xf32>
    %select_n3A_2235 = arith.select %and3A_2231, %sub3A_2232, %broadcast_in_dim3A_2234 : vector<16x256xi1>, vector<16x256xf32>
    %div3A_2236 = arith.divf %sub3A_1579, %select_n3A_2235 : vector<16x256xf32>
    %sub3A_2237 = arith.subf %select_n3A_1475, %select_n3A_1511 : vector<16x256xf32>
    %mul3A_2238 = arith.mulf %div3A_2236, %sub3A_2237 : vector<16x256xf32>
    %add3A_2239 = arith.addf %select_n3A_1511, %mul3A_2238 : vector<16x256xf32>
    %sub3A_2240 = arith.subf %select_n3A_1476, %select_n3A_1512 : vector<16x256xf32>
    %mul3A_2241 = arith.mulf %div3A_2236, %sub3A_2240 : vector<16x256xf32>
    %add3A_2242 = arith.addf %select_n3A_1512, %mul3A_2241 : vector<16x256xf32>
    %eq3A_2243 = arith.constant 0 : i32
    %eq3A_2244 = vector.broadcast %eq3A_2243 : i32 to vector<16x256xi32>
    %eq3A_2245 = arith.cmpi eq, %add3A_2219, %eq3A_2244 : vector<16x256xi32>
    %and3A_2246 = arith.andi %and3A_2229, %eq3A_2245 : vector<16x256xi1>
    %select_n3A_2247 = arith.select %and3A_2246, %select_n3A_1511, %select_n3A_2174 : vector<16x256xi1>, vector<16x256xf32>
    %select_n3A_2248 = arith.select %and3A_2246, %select_n3A_1512, %select_n3A_2175 : vector<16x256xi1>, vector<16x256xf32>
    %eq3A_2249 = arith.constant 1 : i32
    %eq3A_2250 = vector.broadcast %eq3A_2249 : i32 to vector<16x256xi32>
    %eq3A_2251 = arith.cmpi eq, %add3A_2219, %eq3A_2250 : vector<16x256xi32>
    %and3A_2252 = arith.andi %and3A_2229, %eq3A_2251 : vector<16x256xi1>
    %select_n3A_2253 = arith.select %and3A_2252, %select_n3A_1511, %select_n3A_2180 : vector<16x256xi1>, vector<16x256xf32>
    %select_n3A_2254 = arith.select %and3A_2252, %select_n3A_1512, %select_n3A_2181 : vector<16x256xi1>, vector<16x256xf32>
    %eq3A_2255 = arith.constant 2 : i32
    %eq3A_2256 = vector.broadcast %eq3A_2255 : i32 to vector<16x256xi32>
    %eq3A_2257 = arith.cmpi eq, %add3A_2219, %eq3A_2256 : vector<16x256xi32>
    %and3A_2258 = arith.andi %and3A_2229, %eq3A_2257 : vector<16x256xi1>
    %select_n3A_2259 = arith.select %and3A_2258, %select_n3A_1511, %select_n3A_2186 : vector<16x256xi1>, vector<16x256xf32>
    %select_n3A_2260 = arith.select %and3A_2258, %select_n3A_1512, %select_n3A_2187 : vector<16x256xi1>, vector<16x256xf32>
    %eq3A_2261 = arith.constant 3 : i32
    %eq3A_2262 = vector.broadcast %eq3A_2261 : i32 to vector<16x256xi32>
    %eq3A_2263 = arith.cmpi eq, %add3A_2219, %eq3A_2262 : vector<16x256xi32>
    %and3A_2264 = arith.andi %and3A_2229, %eq3A_2263 : vector<16x256xi1>
    %select_n3A_2265 = arith.select %and3A_2264, %select_n3A_1511, %select_n3A_2192 : vector<16x256xi1>, vector<16x256xf32>
    %select_n3A_2266 = arith.select %and3A_2264, %select_n3A_1512, %select_n3A_2193 : vector<16x256xi1>, vector<16x256xf32>
    %eq3A_2267 = arith.constant 4 : i32
    %eq3A_2268 = vector.broadcast %eq3A_2267 : i32 to vector<16x256xi32>
    %eq3A_2269 = arith.cmpi eq, %add3A_2219, %eq3A_2268 : vector<16x256xi32>
    %and3A_2270 = arith.andi %and3A_2229, %eq3A_2269 : vector<16x256xi1>
    %select_n3A_2271 = arith.select %and3A_2270, %select_n3A_1511, %select_n3A_2198 : vector<16x256xi1>, vector<16x256xf32>
    %select_n3A_2272 = arith.select %and3A_2270, %select_n3A_1512, %select_n3A_2199 : vector<16x256xi1>, vector<16x256xf32>
    %eq3A_2273 = arith.constant 5 : i32
    %eq3A_2274 = vector.broadcast %eq3A_2273 : i32 to vector<16x256xi32>
    %eq3A_2275 = arith.cmpi eq, %add3A_2219, %eq3A_2274 : vector<16x256xi32>
    %and3A_2276 = arith.andi %and3A_2229, %eq3A_2275 : vector<16x256xi1>
    %select_n3A_2277 = arith.select %and3A_2276, %select_n3A_1511, %select_n3A_2204 : vector<16x256xi1>, vector<16x256xf32>
    %select_n3A_2278 = arith.select %and3A_2276, %select_n3A_1512, %select_n3A_2205 : vector<16x256xi1>, vector<16x256xf32>
    %eq3A_2279 = arith.constant 6 : i32
    %eq3A_2280 = vector.broadcast %eq3A_2279 : i32 to vector<16x256xi32>
    %eq3A_2281 = arith.cmpi eq, %add3A_2219, %eq3A_2280 : vector<16x256xi32>
    %and3A_2282 = arith.andi %and3A_2229, %eq3A_2281 : vector<16x256xi1>
    %select_n3A_2283 = arith.select %and3A_2282, %select_n3A_1511, %select_n3A_2210 : vector<16x256xi1>, vector<16x256xf32>
    %select_n3A_2284 = arith.select %and3A_2282, %select_n3A_1512, %select_n3A_2211 : vector<16x256xi1>, vector<16x256xf32>
    %eq3A_2285 = arith.constant 7 : i32
    %eq3A_2286 = vector.broadcast %eq3A_2285 : i32 to vector<16x256xi32>
    %eq3A_2287 = arith.cmpi eq, %add3A_2219, %eq3A_2286 : vector<16x256xi32>
    %and3A_2288 = arith.andi %and3A_2229, %eq3A_2287 : vector<16x256xi1>
    %select_n3A_2289 = arith.select %and3A_2288, %select_n3A_1511, %select_n3A_2216 : vector<16x256xi1>, vector<16x256xf32>
    %select_n3A_2290 = arith.select %and3A_2288, %select_n3A_1512, %select_n3A_2217 : vector<16x256xi1>, vector<16x256xf32>
    %convert_element_type3A_2291 = arith.extui %and3A_2229 : vector<16x256xi1> to vector<16x256xi32>
    %add3A_2292 = arith.addi %add3A_2219, %convert_element_type3A_2291 : vector<16x256xi32>
    %eq3A_2293 = arith.constant 0 : i32
    %eq3A_2294 = vector.broadcast %eq3A_2293 : i32 to vector<16x256xi32>
    %eq3A_2295 = arith.cmpi eq, %add3A_2292, %eq3A_2294 : vector<16x256xi32>
    %and3A_2296 = arith.andi %and3A_2231, %eq3A_2295 : vector<16x256xi1>
    %select_n3A_2297 = arith.select %and3A_2296, %add3A_2239, %select_n3A_2247 : vector<16x256xi1>, vector<16x256xf32>
    %select_n3A_2298 = arith.select %and3A_2296, %add3A_2242, %select_n3A_2248 : vector<16x256xi1>, vector<16x256xf32>
    %eq3A_2299 = arith.constant 1 : i32
    %eq3A_2300 = vector.broadcast %eq3A_2299 : i32 to vector<16x256xi32>
    %eq3A_2301 = arith.cmpi eq, %add3A_2292, %eq3A_2300 : vector<16x256xi32>
    %and3A_2302 = arith.andi %and3A_2231, %eq3A_2301 : vector<16x256xi1>
    %select_n3A_2303 = arith.select %and3A_2302, %add3A_2239, %select_n3A_2253 : vector<16x256xi1>, vector<16x256xf32>
    %select_n3A_2304 = arith.select %and3A_2302, %add3A_2242, %select_n3A_2254 : vector<16x256xi1>, vector<16x256xf32>
    %eq3A_2305 = arith.constant 2 : i32
    %eq3A_2306 = vector.broadcast %eq3A_2305 : i32 to vector<16x256xi32>
    %eq3A_2307 = arith.cmpi eq, %add3A_2292, %eq3A_2306 : vector<16x256xi32>
    %and3A_2308 = arith.andi %and3A_2231, %eq3A_2307 : vector<16x256xi1>
    %select_n3A_2309 = arith.select %and3A_2308, %add3A_2239, %select_n3A_2259 : vector<16x256xi1>, vector<16x256xf32>
    %select_n3A_2310 = arith.select %and3A_2308, %add3A_2242, %select_n3A_2260 : vector<16x256xi1>, vector<16x256xf32>
    %eq3A_2311 = arith.constant 3 : i32
    %eq3A_2312 = vector.broadcast %eq3A_2311 : i32 to vector<16x256xi32>
    %eq3A_2313 = arith.cmpi eq, %add3A_2292, %eq3A_2312 : vector<16x256xi32>
    %and3A_2314 = arith.andi %and3A_2231, %eq3A_2313 : vector<16x256xi1>
    %select_n3A_2315 = arith.select %and3A_2314, %add3A_2239, %select_n3A_2265 : vector<16x256xi1>, vector<16x256xf32>
    %select_n3A_2316 = arith.select %and3A_2314, %add3A_2242, %select_n3A_2266 : vector<16x256xi1>, vector<16x256xf32>
    %eq3A_2317 = arith.constant 4 : i32
    %eq3A_2318 = vector.broadcast %eq3A_2317 : i32 to vector<16x256xi32>
    %eq3A_2319 = arith.cmpi eq, %add3A_2292, %eq3A_2318 : vector<16x256xi32>
    %and3A_2320 = arith.andi %and3A_2231, %eq3A_2319 : vector<16x256xi1>
    %select_n3A_2321 = arith.select %and3A_2320, %add3A_2239, %select_n3A_2271 : vector<16x256xi1>, vector<16x256xf32>
    %select_n3A_2322 = arith.select %and3A_2320, %add3A_2242, %select_n3A_2272 : vector<16x256xi1>, vector<16x256xf32>
    %eq3A_2323 = arith.constant 5 : i32
    %eq3A_2324 = vector.broadcast %eq3A_2323 : i32 to vector<16x256xi32>
    %eq3A_2325 = arith.cmpi eq, %add3A_2292, %eq3A_2324 : vector<16x256xi32>
    %and3A_2326 = arith.andi %and3A_2231, %eq3A_2325 : vector<16x256xi1>
    %select_n3A_2327 = arith.select %and3A_2326, %add3A_2239, %select_n3A_2277 : vector<16x256xi1>, vector<16x256xf32>
    %select_n3A_2328 = arith.select %and3A_2326, %add3A_2242, %select_n3A_2278 : vector<16x256xi1>, vector<16x256xf32>
    %eq3A_2329 = arith.constant 6 : i32
    %eq3A_2330 = vector.broadcast %eq3A_2329 : i32 to vector<16x256xi32>
    %eq3A_2331 = arith.cmpi eq, %add3A_2292, %eq3A_2330 : vector<16x256xi32>
    %and3A_2332 = arith.andi %and3A_2231, %eq3A_2331 : vector<16x256xi1>
    %select_n3A_2333 = arith.select %and3A_2332, %add3A_2239, %select_n3A_2283 : vector<16x256xi1>, vector<16x256xf32>
    %select_n3A_2334 = arith.select %and3A_2332, %add3A_2242, %select_n3A_2284 : vector<16x256xi1>, vector<16x256xf32>
    %eq3A_2335 = arith.constant 7 : i32
    %eq3A_2336 = vector.broadcast %eq3A_2335 : i32 to vector<16x256xi32>
    %eq3A_2337 = arith.cmpi eq, %add3A_2292, %eq3A_2336 : vector<16x256xi32>
    %and3A_2338 = arith.andi %and3A_2231, %eq3A_2337 : vector<16x256xi1>
    %select_n3A_2339 = arith.select %and3A_2338, %add3A_2239, %select_n3A_2289 : vector<16x256xi1>, vector<16x256xf32>
    %select_n3A_2340 = arith.select %and3A_2338, %add3A_2242, %select_n3A_2290 : vector<16x256xi1>, vector<16x256xf32>
    %convert_element_type3A_2341 = arith.extui %and3A_2231 : vector<16x256xi1> to vector<16x256xi32>
    %add3A_2342 = arith.addi %add3A_2292, %convert_element_type3A_2341 : vector<16x256xi32>
    %broadcast_in_dim3A_2343 = arith.constant 0.000000e+00 : f32
    %broadcast_in_dim3A_2344 = vector.broadcast %broadcast_in_dim3A_2343 : f32 to vector<16x256xf32>
    %gt3A_2345 = arith.constant 0 : i32
    %gt3A_2346 = vector.broadcast %gt3A_2345 : i32 to vector<16x256xi32>
    %gt3A_2347 = arith.cmpi sgt, %add3A_2342, %gt3A_2346 : vector<16x256xi32>
    %eq3A_2348 = arith.constant 1 : i32
    %eq3A_2349 = vector.broadcast %eq3A_2348 : i32 to vector<16x256xi32>
    %eq3A_2350 = arith.cmpi eq, %add3A_2342, %eq3A_2349 : vector<16x256xi32>
    %select_n3A_2351 = arith.select %eq3A_2350, %select_n3A_2297, %select_n3A_2303 : vector<16x256xi1>, vector<16x256xf32>
    %select_n3A_2352 = arith.select %eq3A_2350, %select_n3A_2298, %select_n3A_2304 : vector<16x256xi1>, vector<16x256xf32>
    %mul3A_2353 = arith.mulf %select_n3A_2297, %select_n3A_2352 : vector<16x256xf32>
    %mul3A_2354 = arith.mulf %select_n3A_2351, %select_n3A_2298 : vector<16x256xf32>
    %sub3A_2355 = arith.subf %mul3A_2353, %mul3A_2354 : vector<16x256xf32>
    %jit3A_2356 = arith.constant 0.000000e+00 : f32
    %broadcast_in_dim3A_2357 = vector.broadcast %jit3A_2356 : f32 to vector<16x256xf32>
    %select_n3A_2358 = arith.select %gt3A_2347, %sub3A_2355, %broadcast_in_dim3A_2357 : vector<16x256xi1>, vector<16x256xf32>
    %add3A_2359 = arith.addf %broadcast_in_dim3A_2344, %select_n3A_2358 : vector<16x256xf32>
    %gt3A_2360 = arith.constant 1 : i32
    %gt3A_2361 = vector.broadcast %gt3A_2360 : i32 to vector<16x256xi32>
    %gt3A_2362 = arith.cmpi sgt, %add3A_2342, %gt3A_2361 : vector<16x256xi32>
    %eq3A_2363 = arith.constant 2 : i32
    %eq3A_2364 = vector.broadcast %eq3A_2363 : i32 to vector<16x256xi32>
    %eq3A_2365 = arith.cmpi eq, %add3A_2342, %eq3A_2364 : vector<16x256xi32>
    %select_n3A_2366 = arith.select %eq3A_2365, %select_n3A_2297, %select_n3A_2309 : vector<16x256xi1>, vector<16x256xf32>
    %select_n3A_2367 = arith.select %eq3A_2365, %select_n3A_2298, %select_n3A_2310 : vector<16x256xi1>, vector<16x256xf32>
    %mul3A_2368 = arith.mulf %select_n3A_2303, %select_n3A_2367 : vector<16x256xf32>
    %mul3A_2369 = arith.mulf %select_n3A_2366, %select_n3A_2304 : vector<16x256xf32>
    %sub3A_2370 = arith.subf %mul3A_2368, %mul3A_2369 : vector<16x256xf32>
    %jit3A_2371 = arith.constant 0.000000e+00 : f32
    %broadcast_in_dim3A_2372 = vector.broadcast %jit3A_2371 : f32 to vector<16x256xf32>
    %select_n3A_2373 = arith.select %gt3A_2362, %sub3A_2370, %broadcast_in_dim3A_2372 : vector<16x256xi1>, vector<16x256xf32>
    %add3A_2374 = arith.addf %add3A_2359, %select_n3A_2373 : vector<16x256xf32>
    %gt3A_2375 = arith.constant 2 : i32
    %gt3A_2376 = vector.broadcast %gt3A_2375 : i32 to vector<16x256xi32>
    %gt3A_2377 = arith.cmpi sgt, %add3A_2342, %gt3A_2376 : vector<16x256xi32>
    %eq3A_2378 = arith.constant 3 : i32
    %eq3A_2379 = vector.broadcast %eq3A_2378 : i32 to vector<16x256xi32>
    %eq3A_2380 = arith.cmpi eq, %add3A_2342, %eq3A_2379 : vector<16x256xi32>
    %select_n3A_2381 = arith.select %eq3A_2380, %select_n3A_2297, %select_n3A_2315 : vector<16x256xi1>, vector<16x256xf32>
    %select_n3A_2382 = arith.select %eq3A_2380, %select_n3A_2298, %select_n3A_2316 : vector<16x256xi1>, vector<16x256xf32>
    %mul3A_2383 = arith.mulf %select_n3A_2309, %select_n3A_2382 : vector<16x256xf32>
    %mul3A_2384 = arith.mulf %select_n3A_2381, %select_n3A_2310 : vector<16x256xf32>
    %sub3A_2385 = arith.subf %mul3A_2383, %mul3A_2384 : vector<16x256xf32>
    %jit3A_2386 = arith.constant 0.000000e+00 : f32
    %broadcast_in_dim3A_2387 = vector.broadcast %jit3A_2386 : f32 to vector<16x256xf32>
    %select_n3A_2388 = arith.select %gt3A_2377, %sub3A_2385, %broadcast_in_dim3A_2387 : vector<16x256xi1>, vector<16x256xf32>
    %add3A_2389 = arith.addf %add3A_2374, %select_n3A_2388 : vector<16x256xf32>
    %gt3A_2390 = arith.constant 3 : i32
    %gt3A_2391 = vector.broadcast %gt3A_2390 : i32 to vector<16x256xi32>
    %gt3A_2392 = arith.cmpi sgt, %add3A_2342, %gt3A_2391 : vector<16x256xi32>
    %eq3A_2393 = arith.constant 4 : i32
    %eq3A_2394 = vector.broadcast %eq3A_2393 : i32 to vector<16x256xi32>
    %eq3A_2395 = arith.cmpi eq, %add3A_2342, %eq3A_2394 : vector<16x256xi32>
    %select_n3A_2396 = arith.select %eq3A_2395, %select_n3A_2297, %select_n3A_2321 : vector<16x256xi1>, vector<16x256xf32>
    %select_n3A_2397 = arith.select %eq3A_2395, %select_n3A_2298, %select_n3A_2322 : vector<16x256xi1>, vector<16x256xf32>
    %mul3A_2398 = arith.mulf %select_n3A_2315, %select_n3A_2397 : vector<16x256xf32>
    %mul3A_2399 = arith.mulf %select_n3A_2396, %select_n3A_2316 : vector<16x256xf32>
    %sub3A_2400 = arith.subf %mul3A_2398, %mul3A_2399 : vector<16x256xf32>
    %jit3A_2401 = arith.constant 0.000000e+00 : f32
    %broadcast_in_dim3A_2402 = vector.broadcast %jit3A_2401 : f32 to vector<16x256xf32>
    %select_n3A_2403 = arith.select %gt3A_2392, %sub3A_2400, %broadcast_in_dim3A_2402 : vector<16x256xi1>, vector<16x256xf32>
    %add3A_2404 = arith.addf %add3A_2389, %select_n3A_2403 : vector<16x256xf32>
    %gt3A_2405 = arith.constant 4 : i32
    %gt3A_2406 = vector.broadcast %gt3A_2405 : i32 to vector<16x256xi32>
    %gt3A_2407 = arith.cmpi sgt, %add3A_2342, %gt3A_2406 : vector<16x256xi32>
    %eq3A_2408 = arith.constant 5 : i32
    %eq3A_2409 = vector.broadcast %eq3A_2408 : i32 to vector<16x256xi32>
    %eq3A_2410 = arith.cmpi eq, %add3A_2342, %eq3A_2409 : vector<16x256xi32>
    %select_n3A_2411 = arith.select %eq3A_2410, %select_n3A_2297, %select_n3A_2327 : vector<16x256xi1>, vector<16x256xf32>
    %select_n3A_2412 = arith.select %eq3A_2410, %select_n3A_2298, %select_n3A_2328 : vector<16x256xi1>, vector<16x256xf32>
    %mul3A_2413 = arith.mulf %select_n3A_2321, %select_n3A_2412 : vector<16x256xf32>
    %mul3A_2414 = arith.mulf %select_n3A_2411, %select_n3A_2322 : vector<16x256xf32>
    %sub3A_2415 = arith.subf %mul3A_2413, %mul3A_2414 : vector<16x256xf32>
    %jit3A_2416 = arith.constant 0.000000e+00 : f32
    %broadcast_in_dim3A_2417 = vector.broadcast %jit3A_2416 : f32 to vector<16x256xf32>
    %select_n3A_2418 = arith.select %gt3A_2407, %sub3A_2415, %broadcast_in_dim3A_2417 : vector<16x256xi1>, vector<16x256xf32>
    %add3A_2419 = arith.addf %add3A_2404, %select_n3A_2418 : vector<16x256xf32>
    %gt3A_2420 = arith.constant 5 : i32
    %gt3A_2421 = vector.broadcast %gt3A_2420 : i32 to vector<16x256xi32>
    %gt3A_2422 = arith.cmpi sgt, %add3A_2342, %gt3A_2421 : vector<16x256xi32>
    %eq3A_2423 = arith.constant 6 : i32
    %eq3A_2424 = vector.broadcast %eq3A_2423 : i32 to vector<16x256xi32>
    %eq3A_2425 = arith.cmpi eq, %add3A_2342, %eq3A_2424 : vector<16x256xi32>
    %select_n3A_2426 = arith.select %eq3A_2425, %select_n3A_2297, %select_n3A_2333 : vector<16x256xi1>, vector<16x256xf32>
    %select_n3A_2427 = arith.select %eq3A_2425, %select_n3A_2298, %select_n3A_2334 : vector<16x256xi1>, vector<16x256xf32>
    %mul3A_2428 = arith.mulf %select_n3A_2327, %select_n3A_2427 : vector<16x256xf32>
    %mul3A_2429 = arith.mulf %select_n3A_2426, %select_n3A_2328 : vector<16x256xf32>
    %sub3A_2430 = arith.subf %mul3A_2428, %mul3A_2429 : vector<16x256xf32>
    %jit3A_2431 = arith.constant 0.000000e+00 : f32
    %broadcast_in_dim3A_2432 = vector.broadcast %jit3A_2431 : f32 to vector<16x256xf32>
    %select_n3A_2433 = arith.select %gt3A_2422, %sub3A_2430, %broadcast_in_dim3A_2432 : vector<16x256xi1>, vector<16x256xf32>
    %add3A_2434 = arith.addf %add3A_2419, %select_n3A_2433 : vector<16x256xf32>
    %gt3A_2435 = arith.constant 6 : i32
    %gt3A_2436 = vector.broadcast %gt3A_2435 : i32 to vector<16x256xi32>
    %gt3A_2437 = arith.cmpi sgt, %add3A_2342, %gt3A_2436 : vector<16x256xi32>
    %eq3A_2438 = arith.constant 7 : i32
    %eq3A_2439 = vector.broadcast %eq3A_2438 : i32 to vector<16x256xi32>
    %eq3A_2440 = arith.cmpi eq, %add3A_2342, %eq3A_2439 : vector<16x256xi32>
    %select_n3A_2441 = arith.select %eq3A_2440, %select_n3A_2297, %select_n3A_2339 : vector<16x256xi1>, vector<16x256xf32>
    %select_n3A_2442 = arith.select %eq3A_2440, %select_n3A_2298, %select_n3A_2340 : vector<16x256xi1>, vector<16x256xf32>
    %mul3A_2443 = arith.mulf %select_n3A_2333, %select_n3A_2442 : vector<16x256xf32>
    %mul3A_2444 = arith.mulf %select_n3A_2441, %select_n3A_2334 : vector<16x256xf32>
    %sub3A_2445 = arith.subf %mul3A_2443, %mul3A_2444 : vector<16x256xf32>
    %jit3A_2446 = arith.constant 0.000000e+00 : f32
    %broadcast_in_dim3A_2447 = vector.broadcast %jit3A_2446 : f32 to vector<16x256xf32>
    %select_n3A_2448 = arith.select %gt3A_2437, %sub3A_2445, %broadcast_in_dim3A_2447 : vector<16x256xi1>, vector<16x256xf32>
    %add3A_2449 = arith.addf %add3A_2434, %select_n3A_2448 : vector<16x256xf32>
    %gt3A_2450 = arith.constant 7 : i32
    %gt3A_2451 = vector.broadcast %gt3A_2450 : i32 to vector<16x256xi32>
    %gt3A_2452 = arith.cmpi sgt, %add3A_2342, %gt3A_2451 : vector<16x256xi32>
    %mul3A_2453 = arith.mulf %select_n3A_2339, %select_n3A_2298 : vector<16x256xf32>
    %mul3A_2454 = arith.mulf %select_n3A_2297, %select_n3A_2340 : vector<16x256xf32>
    %sub3A_2455 = arith.subf %mul3A_2453, %mul3A_2454 : vector<16x256xf32>
    %jit3A_2456 = arith.constant 0.000000e+00 : f32
    %broadcast_in_dim3A_2457 = vector.broadcast %jit3A_2456 : f32 to vector<16x256xf32>
    %select_n3A_2458 = arith.select %gt3A_2452, %sub3A_2455, %broadcast_in_dim3A_2457 : vector<16x256xi1>, vector<16x256xf32>
    %add3A_2459 = arith.addf %add3A_2449, %select_n3A_2458 : vector<16x256xf32>
    %abs3A = math.absf %add3A_2459 : vector<16x256xf32>
    %mul3A_2460 = arith.constant 5.000000e-01 : f32
    %mul3A_2461 = vector.broadcast %mul3A_2460 : f32 to vector<16x256xf32>
    %mul3A_2462 = arith.mulf %abs3A, %mul3A_2461 : vector<16x256xf32>
    %add3A_2463 = vector.broadcast %slice3A_31 : vector<16x1xf32> to vector<16x256xf32>
    %add3A_2464 = vector.broadcast %slice3A_40 : vector<1x256xf32> to vector<16x256xf32>
    %add3A_2465 = arith.addf %add3A_2463, %add3A_2464 : vector<16x256xf32>
    %sub3A_2466 = arith.subf %add3A_2465, %mul3A_2462 : vector<16x256xf32>
    %gt3A_2467 = arith.constant 0.000000e+00 : f32
    %gt3A_2468 = vector.broadcast %gt3A_2467 : f32 to vector<16x256xf32>
    %gt3A_2469 = arith.cmpf ogt, %sub3A_2466, %gt3A_2468 : vector<16x256xf32>
    %mul3A_2470 = arith.constant 0.00999999977 : f32
    %mul3A_2471 = vector.broadcast %mul3A_2470 : f32 to vector<16x256xf32>
    %mul3A_2472 = arith.mulf %mul3A_2471, %sub3A_2466 : vector<16x256xf32>
    %gt3A_2473 = arith.cmpf ogt, %mul3A_2462, %mul3A_2472 : vector<16x256xf32>
    %and3A_2474 = arith.andi %gt3A_2469, %gt3A_2473 : vector<16x256xi1>
    %convert_element_type3A_2475 = arith.extui %and3A_2474 : vector<16x256xi1> to vector<16x256xi32>
    %convert_element_type3A_2476 = arith.sitofp %convert_element_type3A_2475 : vector<16x256xi32> to vector<16x256xf32>
    %swap3A = arith.constant 0 : index
    %swap3A_2477 = arith.constant 0 : index
    %swap3A_2478 = arith.constant 0 : index
    %swap3A_2479 = vector.load %arg4[%swap3A, %swap3A_2477, %swap3A_2478] : memref<1x16x256xf32, #tpu.memory_space<vmem>>, vector<1x16x256xf32>
    %swap3A_2480 = vector.shape_cast %swap3A_2479 : vector<1x16x256xf32> to vector<16x256xf32>
    %swap3A_2481 = vector.shape_cast %convert_element_type3A_2476 : vector<16x256xf32> to vector<1x16x256xf32>
    tpu.vector_store %arg4[%swap3A, %swap3A_2477, %swap3A_2478], %swap3A_2481 {strides = array<i32>} : memref<1x16x256xf32, #tpu.memory_space<vmem>>, vector<1x16x256xf32>,
    return
  }
  func.func @transform_0(%arg0: i32, %arg1: i32) -> (i32, i32, i32) {
    %mul3A = arith.constant 8 : i32
    %mul3A_0 = arith.muli %mul3A, %arg1 : i32
    %convert_element_type3A = arith.sitofp %mul3A_0 : i32 to f32
    %div3A = arith.constant 1.600000e+01 : f32
    %div3A_1 = arith.divf %convert_element_type3A, %div3A : f32
    %add3A = arith.constant 1.000000e+00 : f32
    %add3A_2 = arith.addf %add3A, %div3A_1 : f32
    %sqrt3A = math.sqrt %add3A_2 : f32
    %sub3A = arith.constant 1.000000e+00 : f32
    %sub3A_3 = arith.subf %sqrt3A, %sub3A : f32
    %mul3A_4 = arith.constant 5.000000e-01 : f32
    %mul3A_5 = arith.mulf %sub3A_3, %mul3A_4 : f32
    %floor3A = math.floor %mul3A_5 : f32
    %convert_element_type3A_6 = arith.fptosi %floor3A : f32 to i32
    %mul3A_7 = arith.constant 16 : i32
    %mul3A_8 = arith.muli %mul3A_7, %convert_element_type3A_6 : i32
    %add3A_9 = arith.constant 1 : i32
    %add3A_10 = arith.addi %convert_element_type3A_6, %add3A_9 : i32
    %mul3A_11 = arith.muli %mul3A_8, %add3A_10 : i32
    %jit3A = arith.constant 2 : i32
    %div3A_12 = arith.divsi %mul3A_11, %jit3A : i32
    %sign3A = arith.constant 0 : i32
    %sign3A_13 = arith.cmpi sgt, %mul3A_11, %sign3A : i32
    %sign3A_14 = arith.extui %sign3A_13 : i1 to i32
    %sign3A_15 = arith.constant 0 : i32
    %sign3A_16 = arith.cmpi slt, %mul3A_11, %sign3A_15 : i32
    %sign3A_17 = arith.extui %sign3A_16 : i1 to i32
    %sign3A_18 = arith.subi %sign3A_14, %sign3A_17 : i32
    %sign3A_19 = arith.constant 0 : i32
    %sign3A_20 = arith.cmpi sgt, %jit3A, %sign3A_19 : i32
    %sign3A_21 = arith.extui %sign3A_20 : i1 to i32
    %sign3A_22 = arith.constant 0 : i32
    %sign3A_23 = arith.cmpi slt, %jit3A, %sign3A_22 : i32
    %sign3A_24 = arith.extui %sign3A_23 : i1 to i32
    %sign3A_25 = arith.subi %sign3A_21, %sign3A_24 : i32
    %ne3A = arith.cmpi ne, %sign3A_18, %sign3A_25 : i32
    %rem3A = arith.remsi %mul3A_11, %jit3A : i32
    %ne3A_26 = arith.constant 0 : i32
    %ne3A_27 = arith.cmpi ne, %rem3A, %ne3A_26 : i32
    %and3A = arith.andi %ne3A, %ne3A_27 : i1
    %sub3A_28 = arith.constant 1 : i32
    %sub3A_29 = arith.subi %div3A_12, %sub3A_28 : i32
    %select_n3A = arith.select %and3A, %sub3A_29, %div3A_12 : i32
    %sub3A_30 = arith.subi %arg1, %select_n3A : i32
    %c0_i32 = arith.constant 0 : i32
    %c0_i32_31 = arith.constant 0 : i32
    return %arg0, %sub3A_30, %c0_i32 : i32, i32, i32
  }
  func.func @transform_1(%arg0: i32, %arg1: i32) -> (i32, i32, i32) {
    %mul3A = arith.constant 8 : i32
    %mul3A_0 = arith.muli %mul3A, %arg1 : i32
    %convert_element_type3A = arith.sitofp %mul3A_0 : i32 to f32
    %div3A = arith.constant 1.600000e+01 : f32
    %div3A_1 = arith.divf %convert_element_type3A, %div3A : f32
    %add3A = arith.constant 1.000000e+00 : f32
    %add3A_2 = arith.addf %add3A, %div3A_1 : f32
    %sqrt3A = math.sqrt %add3A_2 : f32
    %sub3A = arith.constant 1.000000e+00 : f32
    %sub3A_3 = arith.subf %sqrt3A, %sub3A : f32
    %mul3A_4 = arith.constant 5.000000e-01 : f32
    %mul3A_5 = arith.mulf %sub3A_3, %mul3A_4 : f32
    %floor3A = math.floor %mul3A_5 : f32
    %convert_element_type3A_6 = arith.fptosi %floor3A : f32 to i32
    %mul3A_7 = arith.constant 16 : i32
    %mul3A_8 = arith.muli %mul3A_7, %convert_element_type3A_6 : i32
    %add3A_9 = arith.constant 1 : i32
    %add3A_10 = arith.addi %convert_element_type3A_6, %add3A_9 : i32
    %mul3A_11 = arith.muli %mul3A_8, %add3A_10 : i32
    %jit3A = arith.constant 2 : i32
    %div3A_12 = arith.divsi %mul3A_11, %jit3A : i32
    %sign3A = arith.constant 0 : i32
    %sign3A_13 = arith.cmpi sgt, %mul3A_11, %sign3A : i32
    %sign3A_14 = arith.extui %sign3A_13 : i1 to i32
    %sign3A_15 = arith.constant 0 : i32
    %sign3A_16 = arith.cmpi slt, %mul3A_11, %sign3A_15 : i32
    %sign3A_17 = arith.extui %sign3A_16 : i1 to i32
    %sign3A_18 = arith.subi %sign3A_14, %sign3A_17 : i32
    %sign3A_19 = arith.constant 0 : i32
    %sign3A_20 = arith.cmpi sgt, %jit3A, %sign3A_19 : i32
    %sign3A_21 = arith.extui %sign3A_20 : i1 to i32
    %sign3A_22 = arith.constant 0 : i32
    %sign3A_23 = arith.cmpi slt, %jit3A, %sign3A_22 : i32
    %sign3A_24 = arith.extui %sign3A_23 : i1 to i32
    %sign3A_25 = arith.subi %sign3A_21, %sign3A_24 : i32
    %ne3A = arith.cmpi ne, %sign3A_18, %sign3A_25 : i32
    %rem3A = arith.remsi %mul3A_11, %jit3A : i32
    %ne3A_26 = arith.constant 0 : i32
    %ne3A_27 = arith.cmpi ne, %rem3A, %ne3A_26 : i32
    %and3A = arith.andi %ne3A, %ne3A_27 : i1
    %sub3A_28 = arith.constant 1 : i32
    %sub3A_29 = arith.subi %div3A_12, %sub3A_28 : i32
    %select_n3A = arith.select %and3A, %sub3A_29, %div3A_12 : i32
    %sub3A_30 = arith.subi %arg1, %select_n3A : i32
    %c0_i32 = arith.constant 0 : i32
    %c0_i32_31 = arith.constant 0 : i32
    return %arg0, %c0_i32, %convert_element_type3A_6 : i32, i32, i32
  }
  func.func @transform_2(%arg0: i32, %arg1: i32) -> (i32, i32, i32) {
    %mul3A = arith.constant 8 : i32
    %mul3A_0 = arith.muli %mul3A, %arg1 : i32
    %convert_element_type3A = arith.sitofp %mul3A_0 : i32 to f32
    %div3A = arith.constant 1.600000e+01 : f32
    %div3A_1 = arith.divf %convert_element_type3A, %div3A : f32
    %add3A = arith.constant 1.000000e+00 : f32
    %add3A_2 = arith.addf %add3A, %div3A_1 : f32
    %sqrt3A = math.sqrt %add3A_2 : f32
    %sub3A = arith.constant 1.000000e+00 : f32
    %sub3A_3 = arith.subf %sqrt3A, %sub3A : f32
    %mul3A_4 = arith.constant 5.000000e-01 : f32
    %mul3A_5 = arith.mulf %sub3A_3, %mul3A_4 : f32
    %floor3A = math.floor %mul3A_5 : f32
    %convert_element_type3A_6 = arith.fptosi %floor3A : f32 to i32
    %mul3A_7 = arith.constant 16 : i32
    %mul3A_8 = arith.muli %mul3A_7, %convert_element_type3A_6 : i32
    %add3A_9 = arith.constant 1 : i32
    %add3A_10 = arith.addi %convert_element_type3A_6, %add3A_9 : i32
    %mul3A_11 = arith.muli %mul3A_8, %add3A_10 : i32
    %jit3A = arith.constant 2 : i32
    %div3A_12 = arith.divsi %mul3A_11, %jit3A : i32
    %sign3A = arith.constant 0 : i32
    %sign3A_13 = arith.cmpi sgt, %mul3A_11, %sign3A : i32
    %sign3A_14 = arith.extui %sign3A_13 : i1 to i32
    %sign3A_15 = arith.constant 0 : i32
    %sign3A_16 = arith.cmpi slt, %mul3A_11, %sign3A_15 : i32
    %sign3A_17 = arith.extui %sign3A_16 : i1 to i32
    %sign3A_18 = arith.subi %sign3A_14, %sign3A_17 : i32
    %sign3A_19 = arith.constant 0 : i32
    %sign3A_20 = arith.cmpi sgt, %jit3A, %sign3A_19 : i32
    %sign3A_21 = arith.extui %sign3A_20 : i1 to i32
    %sign3A_22 = arith.constant 0 : i32
    %sign3A_23 = arith.cmpi slt, %jit3A, %sign3A_22 : i32
    %sign3A_24 = arith.extui %sign3A_23 : i1 to i32
    %sign3A_25 = arith.subi %sign3A_21, %sign3A_24 : i32
    %ne3A = arith.cmpi ne, %sign3A_18, %sign3A_25 : i32
    %rem3A = arith.remsi %mul3A_11, %jit3A : i32
    %ne3A_26 = arith.constant 0 : i32
    %ne3A_27 = arith.cmpi ne, %rem3A, %ne3A_26 : i32
    %and3A = arith.andi %ne3A, %ne3A_27 : i1
    %sub3A_28 = arith.constant 1 : i32
    %sub3A_29 = arith.subi %div3A_12, %sub3A_28 : i32
    %select_n3A = arith.select %and3A, %sub3A_29, %div3A_12 : i32
    %sub3A_30 = arith.subi %arg1, %select_n3A : i32
    %c0_i32 = arith.constant 0 : i32
    return %arg0, %sub3A_30, %convert_element_type3A_6 : i32, i32, i32
  }
}

module attributes {stable_mosaic.version = 14 : i64} {
  func.func @_nms_kernel(%arg0: memref<2x1024x1024xf32, #tpu.memory_space<vmem>>, %arg1: memref<2x1024x8xf32, #tpu.memory_space<vmem>>, %arg2: memref<2x1x1024xf32, #tpu.memory_space<vmem>>, %arg3: memref<2x128x8xf32, #tpu.memory_space<vmem>>, %arg4: memref<2x1x1xi32, #tpu.memory_space<vmem>>) attributes {dimension_semantics = [], scalar_prefetch = 0 : i64, scratch_operands = 0 : i64, tpu.core_type = #tpu.core_type<tc>} {
    %get3A = arith.constant 0 : index
    %get3A_0 = arith.constant 0 : index
    %get3A_1 = arith.constant 0 : index
    %get3A_2 = vector.load %arg2[%get3A, %get3A_0, %get3A_1] : memref<2x1x1024xf32, #tpu.memory_space<vmem>>, vector<2x1x1024xf32>
    %iota3A = tpu.iota {dimensions = array<i32: 2>} : vector<2x1x1024xi32>
    %le3A = arith.constant 3.000000e-01 : f32
    %le3A_3 = vector.broadcast %le3A : f32 to vector<2x1x1024xf32>
    %le3A_4 = arith.cmpf ole, %get3A_2, %le3A_3 : vector<2x1x1024xf32>
    %convert_element_type3A = arith.extui %le3A_4 : vector<2x1x1024xi1> to vector<2x1x1024xi32>
    %convert_element_type3A_5 = arith.sitofp %convert_element_type3A : vector<2x1x1024xi32> to vector<2x1x1024xf32>
    %scan3A = arith.constant 0 : i32
    %scan3A_6 = arith.constant 1000 : i32
    %scan3A_7 = arith.addi %scan3A, %scan3A_6 : i32
    %scan3A_8 = arith.constant 1 : i32
    %scan3A_9 = scf.for %scan3A_98 = %scan3A to %scan3A_7 step %scan3A_8 iter_args(%scan3A_99 = %convert_element_type3A_5) -> (vector<2x1x1024xf32>)  : i32 {
      %eq3A_100 = vector.broadcast %scan3A_98 : i32 to vector<2x1x1024xi32>
      %eq3A_101 = arith.cmpi eq, %iota3A, %eq3A_100 : vector<2x1x1024xi32>
      %convert_element_type3A_102 = arith.extui %eq3A_101 : vector<2x1x1024xi1> to vector<2x1x1024xi32>
      %convert_element_type3A_103 = arith.sitofp %convert_element_type3A_102 : vector<2x1x1024xi32> to vector<2x1x1024xf32>
      %mul3A = arith.mulf %scan3A_99, %convert_element_type3A_103 : vector<2x1x1024xf32>
      %reduce_sum3A_104 = arith.constant dense<0.000000e+00> : vector<2xf32>
      %reduce_sum3A_105 = vector.multi_reduction <add>, %mul3A, %reduce_sum3A_104 [1, 2] : vector<2x1x1024xf32> to vector<2xf32>
      %broadcast_in_dim3A_106 = vector.shape_cast %reduce_sum3A_105 : vector<2xf32> to vector<2x1x1xf32>
      %get3A_107 = arith.constant 0 : index
      %get3A_108 = arith.index_cast %scan3A_98 : i32 to index
      %get3A_109 = arith.constant 0 : index
      %get3A_110 = vector.load %arg0[%get3A_107, %get3A_108, %get3A_109] : memref<2x1024x1024xf32, #tpu.memory_space<vmem>>, vector<2x1x1024xf32>
      %gt3A_111 = vector.broadcast %scan3A_98 : i32 to vector<2x1x1024xi32>
      %gt3A_112 = arith.cmpi sgt, %iota3A, %gt3A_111 : vector<2x1x1024xi32>
      %jit3A = arith.constant 0.000000e+00 : f32
      %broadcast_in_dim3A_113 = vector.broadcast %jit3A : f32 to vector<2x1x1024xf32>
      %select_n3A = arith.select %gt3A_112, %get3A_110, %broadcast_in_dim3A_113 : vector<2x1x1024xi1>, vector<2x1x1024xf32>
      %max3A = arith.maximumf %scan3A_99, %select_n3A : vector<2x1x1024xf32>
      %eq3A_114 = arith.constant 0.000000e+00 : f32
      %eq3A_115 = vector.broadcast %eq3A_114 : f32 to vector<2x1x1xf32>
      %eq3A_116 = arith.cmpf oeq, %broadcast_in_dim3A_106, %eq3A_115 : vector<2x1x1xf32>
      %broadcast_in_dim3A_117 = vector.shape_cast %eq3A_116 : vector<2x1x1xi1> to vector<2x1x1xi1>
      %broadcast_in_dim3A_118 = vector.broadcast %broadcast_in_dim3A_117 : vector<2x1x1xi1> to vector<2x1x1024xi1>
      %select_n3A_119 = arith.select %broadcast_in_dim3A_118, %max3A, %scan3A_99 : vector<2x1x1024xi1>, vector<2x1x1024xf32>
      scf.yield %select_n3A_119 : vector<2x1x1024xf32>
    }
    %scan3A_10 = arith.constant 1000 : i32
    %sub3A = arith.constant 1.000000e+00 : f32
    %sub3A_11 = vector.broadcast %sub3A : f32 to vector<2x1x1024xf32>
    %sub3A_12 = arith.subf %sub3A_11, %scan3A_9 : vector<2x1x1024xf32>
    %iota3A_13 = tpu.iota {dimensions = array<i32: 0>} : vector<1024x1024xi32>
    %iota3A_14 = tpu.iota {dimensions = array<i32: 1>} : vector<1024x1024xi32>
    %le3A_15 = arith.cmpi sle, %iota3A_13, %iota3A_14 : vector<1024x1024xi32>
    %convert_element_type3A_16 = arith.extui %le3A_15 : vector<1024x1024xi1> to vector<1024x1024xi32>
    %convert_element_type3A_17 = arith.sitofp %convert_element_type3A_16 : vector<1024x1024xi32> to vector<1024x1024xf32>
    %iota3A_18 = tpu.iota {dimensions = array<i32: 0>} : vector<128x1024xi32>
    %slice3A = vector.extract_strided_slice %sub3A_12 {offsets = [0, 0, 0], sizes = [1, 1, 1024], strides = [1, 1, 1]} : vector<2x1x1024xf32> to vector<1x1x1024xf32>
    %squeeze3A = vector.shape_cast %slice3A : vector<1x1x1024xf32> to vector<1x1024xf32>
    %dot_general3A = arith.constant dense<0.000000e+00> : vector<1x1024xf32>
    %dot_general3A_19 = tpu.matmul %squeeze3A, %convert_element_type3A_17, %dot_general3A {dimension_numbers = #tpu.dot_dimension_numbers<[1], [0], [0], [1], [0, 0, 1, 1], [], []>, transpose_lhs_hint = false} : vector<1x1024xf32>, vector<1024x1024xf32>, vector<1x1024xf32> -> vector<1x1024xf32>
    %sub3A_20 = arith.subf %dot_general3A_19, %squeeze3A : vector<1x1024xf32>
    %convert_element_type3A_21 = arith.fptosi %sub3A_20 : vector<1x1024xf32> to vector<1x1024xi32>
    %broadcast_in_dim3A = vector.shape_cast %convert_element_type3A_21 : vector<1x1024xi32> to vector<1x1024xi32>
    %broadcast_in_dim3A_22 = vector.broadcast %broadcast_in_dim3A : vector<1x1024xi32> to vector<128x1024xi32>
    %eq3A = arith.cmpi eq, %iota3A_18, %broadcast_in_dim3A_22 : vector<128x1024xi32>
    %broadcast_in_dim3A_23 = vector.shape_cast %squeeze3A : vector<1x1024xf32> to vector<1x1024xf32>
    %broadcast_in_dim3A_24 = vector.broadcast %broadcast_in_dim3A_23 : vector<1x1024xf32> to vector<128x1024xf32>
    %gt3A = arith.constant 0.000000e+00 : f32
    %gt3A_25 = vector.broadcast %gt3A : f32 to vector<128x1024xf32>
    %gt3A_26 = arith.cmpf ogt, %broadcast_in_dim3A_24, %gt3A_25 : vector<128x1024xf32>
    %and3A = arith.andi %eq3A, %gt3A_26 : vector<128x1024xi1>
    %convert_element_type3A_27 = arith.extui %and3A : vector<128x1024xi1> to vector<128x1024xi32>
    %convert_element_type3A_28 = arith.sitofp %convert_element_type3A_27 : vector<128x1024xi32> to vector<128x1024xf32>
    %get3A_29 = arith.constant 0 : index
    %get3A_30 = arith.constant 0 : index
    %get3A_31 = arith.constant 0 : index
    %get3A_32 = vector.load %arg1[%get3A_29, %get3A_30, %get3A_31] : memref<2x1024x8xf32, #tpu.memory_space<vmem>>, vector<1x1024x8xf32>
    %get3A_33 = vector.shape_cast %get3A_32 : vector<1x1024x8xf32> to vector<1024x8xf32>
    %dot_general3A_34 = arith.constant dense<0.000000e+00> : vector<128x8xf32>
    %dot_general3A_35 = tpu.matmul %convert_element_type3A_28, %get3A_33, %dot_general3A_34 {dimension_numbers = #tpu.dot_dimension_numbers<[1], [0], [0], [1], [0, 0, 1, 1], [], []>, transpose_lhs_hint = false} : vector<128x1024xf32>, vector<1024x8xf32>, vector<128x8xf32> -> vector<128x8xf32>
    %swap3A = arith.constant 0 : index
    %swap3A_36 = arith.constant 0 : index
    %swap3A_37 = arith.constant 0 : index
    %swap3A_38 = vector.load %arg3[%swap3A, %swap3A_36, %swap3A_37] : memref<2x128x8xf32, #tpu.memory_space<vmem>>, vector<1x128x8xf32>
    %swap3A_39 = vector.shape_cast %swap3A_38 : vector<1x128x8xf32> to vector<128x8xf32>
    %swap3A_40 = vector.shape_cast %dot_general3A_35 : vector<128x8xf32> to vector<1x128x8xf32>
    tpu.vector_store %arg3[%swap3A, %swap3A_36, %swap3A_37], %swap3A_40 {strides = array<i32>} : memref<2x128x8xf32, #tpu.memory_space<vmem>>, vector<1x128x8xf32>,
    %reduce_sum3A = vector.shape_cast %squeeze3A : vector<1x1024xf32> to vector<1x1x1024xf32>
    %reduce_sum3A_41 = arith.constant dense<0.000000e+00> : vector<1xf32>
    %reduce_sum3A_42 = vector.multi_reduction <add>, %reduce_sum3A, %reduce_sum3A_41 [1, 2] : vector<1x1x1024xf32> to vector<1xf32>
    %reduce_sum3A_43 = vector.shape_cast %reduce_sum3A_42 : vector<1xf32> to vector<1x1x1xf32>
    %reduce_sum3A_44 = vector.extract %reduce_sum3A_43[0, 0, 0] : f32 from vector<1x1x1xf32>
    %min3A = arith.constant 1.000000e+02 : f32
    %min3A_45 = arith.minimumf %reduce_sum3A_44, %min3A : f32
    %convert_element_type3A_46 = arith.fptosi %min3A_45 : f32 to i32
    %reshape3A = vector.broadcast %convert_element_type3A_46 : i32 to vector<1x1xi32>
    %swap3A_47 = arith.constant 0 : index
    %swap3A_48 = arith.constant 0 : index
    %swap3A_49 = arith.constant 0 : index
    %swap3A_50 = vector.load %arg4[%swap3A_47, %swap3A_48, %swap3A_49] : memref<2x1x1xi32, #tpu.memory_space<vmem>>, vector<1x1x1xi32>
    %swap3A_51 = vector.shape_cast %swap3A_50 : vector<1x1x1xi32> to vector<1x1xi32>
    %swap3A_52 = vector.shape_cast %reshape3A : vector<1x1xi32> to vector<1x1x1xi32>
    tpu.vector_store %arg4[%swap3A_47, %swap3A_48, %swap3A_49], %swap3A_52 {strides = array<i32>} : memref<2x1x1xi32, #tpu.memory_space<vmem>>, vector<1x1x1xi32>,
    %slice3A_53 = vector.extract_strided_slice %sub3A_12 {offsets = [1, 0, 0], sizes = [1, 1, 1024], strides = [1, 1, 1]} : vector<2x1x1024xf32> to vector<1x1x1024xf32>
    %squeeze3A_54 = vector.shape_cast %slice3A_53 : vector<1x1x1024xf32> to vector<1x1024xf32>
    %dot_general3A_55 = arith.constant dense<0.000000e+00> : vector<1x1024xf32>
    %dot_general3A_56 = tpu.matmul %squeeze3A_54, %convert_element_type3A_17, %dot_general3A_55 {dimension_numbers = #tpu.dot_dimension_numbers<[1], [0], [0], [1], [0, 0, 1, 1], [], []>, transpose_lhs_hint = false} : vector<1x1024xf32>, vector<1024x1024xf32>, vector<1x1024xf32> -> vector<1x1024xf32>
    %sub3A_57 = arith.subf %dot_general3A_56, %squeeze3A_54 : vector<1x1024xf32>
    %convert_element_type3A_58 = arith.fptosi %sub3A_57 : vector<1x1024xf32> to vector<1x1024xi32>
    %broadcast_in_dim3A_59 = vector.shape_cast %convert_element_type3A_58 : vector<1x1024xi32> to vector<1x1024xi32>
    %broadcast_in_dim3A_60 = vector.broadcast %broadcast_in_dim3A_59 : vector<1x1024xi32> to vector<128x1024xi32>
    %eq3A_61 = arith.cmpi eq, %iota3A_18, %broadcast_in_dim3A_60 : vector<128x1024xi32>
    %broadcast_in_dim3A_62 = vector.shape_cast %squeeze3A_54 : vector<1x1024xf32> to vector<1x1024xf32>
    %broadcast_in_dim3A_63 = vector.broadcast %broadcast_in_dim3A_62 : vector<1x1024xf32> to vector<128x1024xf32>
    %gt3A_64 = arith.constant 0.000000e+00 : f32
    %gt3A_65 = vector.broadcast %gt3A_64 : f32 to vector<128x1024xf32>
    %gt3A_66 = arith.cmpf ogt, %broadcast_in_dim3A_63, %gt3A_65 : vector<128x1024xf32>
    %and3A_67 = arith.andi %eq3A_61, %gt3A_66 : vector<128x1024xi1>
    %convert_element_type3A_68 = arith.extui %and3A_67 : vector<128x1024xi1> to vector<128x1024xi32>
    %convert_element_type3A_69 = arith.sitofp %convert_element_type3A_68 : vector<128x1024xi32> to vector<128x1024xf32>
    %get3A_70 = arith.constant 1 : index
    %get3A_71 = arith.constant 0 : index
    %get3A_72 = arith.constant 0 : index
    %get3A_73 = vector.load %arg1[%get3A_70, %get3A_71, %get3A_72] : memref<2x1024x8xf32, #tpu.memory_space<vmem>>, vector<1x1024x8xf32>
    %get3A_74 = vector.shape_cast %get3A_73 : vector<1x1024x8xf32> to vector<1024x8xf32>
    %dot_general3A_75 = arith.constant dense<0.000000e+00> : vector<128x8xf32>
    %dot_general3A_76 = tpu.matmul %convert_element_type3A_69, %get3A_74, %dot_general3A_75 {dimension_numbers = #tpu.dot_dimension_numbers<[1], [0], [0], [1], [0, 0, 1, 1], [], []>, transpose_lhs_hint = false} : vector<128x1024xf32>, vector<1024x8xf32>, vector<128x8xf32> -> vector<128x8xf32>
    %swap3A_77 = arith.constant 1 : index
    %swap3A_78 = arith.constant 0 : index
    %swap3A_79 = arith.constant 0 : index
    %swap3A_80 = vector.load %arg3[%swap3A_77, %swap3A_78, %swap3A_79] : memref<2x128x8xf32, #tpu.memory_space<vmem>>, vector<1x128x8xf32>
    %swap3A_81 = vector.shape_cast %swap3A_80 : vector<1x128x8xf32> to vector<128x8xf32>
    %swap3A_82 = vector.shape_cast %dot_general3A_76 : vector<128x8xf32> to vector<1x128x8xf32>
    tpu.vector_store %arg3[%swap3A_77, %swap3A_78, %swap3A_79], %swap3A_82 {strides = array<i32>} : memref<2x128x8xf32, #tpu.memory_space<vmem>>, vector<1x128x8xf32>,
    %reduce_sum3A_83 = vector.shape_cast %squeeze3A_54 : vector<1x1024xf32> to vector<1x1x1024xf32>
    %reduce_sum3A_84 = arith.constant dense<0.000000e+00> : vector<1xf32>
    %reduce_sum3A_85 = vector.multi_reduction <add>, %reduce_sum3A_83, %reduce_sum3A_84 [1, 2] : vector<1x1x1024xf32> to vector<1xf32>
    %reduce_sum3A_86 = vector.shape_cast %reduce_sum3A_85 : vector<1xf32> to vector<1x1x1xf32>
    %reduce_sum3A_87 = vector.extract %reduce_sum3A_86[0, 0, 0] : f32 from vector<1x1x1xf32>
    %min3A_88 = arith.constant 1.000000e+02 : f32
    %min3A_89 = arith.minimumf %reduce_sum3A_87, %min3A_88 : f32
    %convert_element_type3A_90 = arith.fptosi %min3A_89 : f32 to i32
    %reshape3A_91 = vector.broadcast %convert_element_type3A_90 : i32 to vector<1x1xi32>
    %swap3A_92 = arith.constant 1 : index
    %swap3A_93 = arith.constant 0 : index
    %swap3A_94 = arith.constant 0 : index
    %swap3A_95 = vector.load %arg4[%swap3A_92, %swap3A_93, %swap3A_94] : memref<2x1x1xi32, #tpu.memory_space<vmem>>, vector<1x1x1xi32>
    %swap3A_96 = vector.shape_cast %swap3A_95 : vector<1x1x1xi32> to vector<1x1xi32>
    %swap3A_97 = vector.shape_cast %reshape3A_91 : vector<1x1xi32> to vector<1x1x1xi32>
    tpu.vector_store %arg4[%swap3A_92, %swap3A_93, %swap3A_94], %swap3A_97 {strides = array<i32>} : memref<2x1x1xi32, #tpu.memory_space<vmem>>, vector<1x1x1xi32>,
    return
  }
}

</mosaic_0001>

<sc_bundles>
// kernel: gather_offload_async_start
scs
__scs_entry_jumppad:
0x0: {  	(pc) =	sbr.rel $0x88, $3  }
0x1: {  	(tag) =	ssettag $0x0;
	lr =	simm.s32 $0x1  }
0x2: {  	[smem:$0x3F9D] =	sst lr;
	_ =	strace $0xD0000000  }
0x3: {  	_ = 	snop  }
0x4: {  	_ = 	snop  }
0x5: {  	_ = 	snop  }
0x6: {  	_ = 	snop  }
0x7: {  	_ = 	snop  }
__scs_overlays_trampoline_lowered:
0x8: {  	[smem:$0x3FAC] =	sst s0  }
0x9: {  	[smem:$0x3FAD] =	sst s1  }
0xa: {  	[smem:$0x3FAE] =	sst s2  }
0xb: {  	[smem:$0x3FAF] =	sst s3  }
0xc: {  	[smem:$0x3FB0] =	sst s4  }
0xd: {  	[smem:$0x3FB1] =	sst s5  }
0xe: {  	[smem:$0x3FB2] =	sst s6  }
0xf: {  	[smem:$0x3FB3] =	sst s7  }
0x10: {  	[smem:$0x3FB4] =	sst s8  }
0x11: {  	[smem:$0x3FB5] =	sst s9;
	s0 =	simm.s32 @!p0 $0x0  }
0x12: {  	s1 =	sld [smem:$0x3F9B];
	s0 =	simm.s32 @p0 $0x1  }
0x13: {  	[smem:$0x3FB6] =	sst s0;
	s0 =	simm.s32 @!p1 $0x0  }
0x14: {  	s2 =	sld [smem:$0x3F9A];
	s0 =	simm.s32 @p1 $0x1  }
0x15: {  	[smem:$0x3FB7] =	sst s0;
	s0 =	simm.s32 @!p2 $0x0  }
0x16: {  	s3 =	sld [smem:$0x3FDB];
	s0 =	simm.s32 @p2 $0x1  }
0x17: {  	s4 =	simm.s32 $0x1BF5;
	[smem:$0x3FB9] =	sst s0  }
0x18: {  	s0 =	sld [smem:$0x3F9C];
	_ =	swait.ge [sflag:s4], $0x0  }
0x19: {  	s7 =	sld [smem:$0x3F9D]  }
0x1a: {  	s8 =	sadd.s32 $0xFFFFE003, lr  }
0x1b: {  	s9 =	sadd.s32 $0xFFFFFEF7, lr;
	s5 =	simm.s32 $0xFFFFFFFF;
	p2 =	slt.u32 s8, $0xFFFFF086  }
0x1c: {  	p1 =	slt.u32 s9, $0xF7A;
	s5 =	simm.s32 @!p2 $0x0  }
0x1d: {  	s5 =	simm.s32 @p1 $0x1;
	p0 =	seq.s32 s7, s2  }
0x1e: {  	s7 =	smul.u32 @!p0 $0xF7A, s2;
	p2 =	seq.s32 @!p0 s5, $0x0  }
0x1f: {  	s9 =	smul.u32 $0xF7A, s1;
	s8 =	simm.s32 @!p0 $0x1BF5;
	p2 =	por !p2, p0  }
0x20: {  	[sflag:s8] =	ssyncset.s32 @!p0 $0xFFFFF086;
	s6 =	sadd.s32 @!p0 s3, s7;
	s7 =	simm.s32 @!p0 $0x108  }
0x21: {  	s3 =	sadd.s32 s3, s9;
	s6 =	sadd.s32 @!p0 $0x88, s6;
	s7 =	simm.s32 @p2 $0x1082  }
0x22: {  	[simem:s7], [sflag:s8] =	dma.local @!p0 [hbm:s6], $0xF7A  }
0x23: {  	s9 =	sor.u32 $0xD0000000, s2;
	s6 =	simm.s32 $0x108;
	_ =	swait.ge @!p0 [sflag:s8], $0x0  }
0x24: {  	s3 =	sadd.s32 $0x88, s3;
	s6 =	simm.s32 @!p1 $0x1082;
	[sflag:s4] =	ssyncset.s32 $0xFFFFF086  }
0x25: {  	[simem:s6], [sflag:s4] =	dma.local [hbm:s3], $0xF7A  }
0x26: {  	[smem:$0x3F9D] =	sst s1;
	(tag) =	ssettag s2;
	_ =	strace s9  }
0x27: {  	s1 =	sld [smem:$0x3FAD]  }
0x28: {  	s2 =	sld [smem:$0x3FAE]  }
0x29: {  	s4 =	sld [smem:$0x3FB0]  }
0x2a: {  	p0 =	seq.s32 s5, $0x0;
	s5 =	sld [smem:$0x3FB1]  }
0x2b: {  	s6 =	sld [smem:$0x3FB2]  }
0x2c: {  	s7 =	sld [smem:$0x3FB3]  }
0x2d: {  	s3 =	simm.s32 $0x108;
	s8 =	sld [smem:$0x3FB4]  }
0x2e: {  	s3 =	simm.s32 @!p0 $0x1082;
	s9 =	sld [smem:$0x3FB5]  }
0x2f: {  	lr =	sadd.s32 s0, s3;
	s0 =	sld [smem:$0x3FAC]  }
0x30: {  	s3 =	sld [smem:$0x3FAF]  }
0x31: {  	[smem:$0x3FB8] =	sst s10  }
0x32: {  	s10 =	sld [smem:$0x3FB6];
	_ =	sdelay $0x3  }
0x33: {  	p0 =	seq.s32 s10, $0x1;
	s10 =	sld [smem:$0x3FB8];
	_ =	sdelay $0x3  }
0x34: {  	[smem:$0x3FB8] =	sst s10  }
0x35: {  	s10 =	sld [smem:$0x3FB7];
	_ =	sdelay $0x3  }
0x36: {  	p1 =	seq.s32 s10, $0x1;
	s10 =	sld [smem:$0x3FB8];
	_ =	sdelay $0x3  }
0x37: {  	[smem:$0x3FB8] =	sst s10  }
0x38: {  	s10 =	sld [smem:$0x3FB9]  }
0x39: {  	_ = 	snop;
	(pc) =	sbr.ind lr, $3  }
0x3a: {  	_ = 	snop  }
0x3b: {  	_ = 	snop  }
0x3c: {  	p2 =	seq.s32 s10, $0x1;
	s10 =	sld [smem:$0x3FB8]  }
0x3d: {  	_ =	shalt  }
0x3e: {  	_ =	shalt  }
0x3f: {  	_ =	shalt  }
0x40: {  	_ =	shalt  }
0x41: {  	_ =	shalt  }
0x42: {  	_ =	shalt  }
0x43: {  	_ =	shalt  }
0x44: {  	_ =	shalt  }
0x45: {  	_ =	shalt  }
0x46: {  	_ =	shalt  }
0x47: {  	_ =	shalt  }
0x48: {  	_ =	shalt  }
0x49: {  	_ =	shalt  }
0x4a: {  	_ =	shalt  }
0x4b: {  	_ =	shalt  }
0x4c: {  	_ =	shalt  }
0x4d: {  	_ =	shalt  }
0x4e: {  	_ =	shalt  }
0x4f: {  	_ =	shalt  }
0x50: {  	_ =	shalt  }
0x51: {  	_ =	shalt  }
0x52: {  	_ =	shalt  }
0x53: {  	_ =	shalt  }
0x54: {  	_ =	shalt  }
0x55: {  	_ =	shalt  }
0x56: {  	_ =	shalt  }
0x57: {  	_ =	shalt  }
0x58: {  	_ =	shalt  }
0x59: {  	_ =	shalt  }
0x5a: {  	_ =	shalt  }
0x5b: {  	_ =	shalt  }
0x5c: {  	_ =	shalt  }
0x5d: {  	_ =	shalt  }
0x5e: {  	_ =	shalt  }
0x5f: {  	_ =	shalt  }
0x60: {  	_ =	shalt  }
0x61: {  	_ =	shalt  }
0x62: {  	_ =	shalt  }
0x63: {  	_ =	shalt  }
0x64: {  	_ =	shalt  }
0x65: {  	_ =	shalt  }
0x66: {  	_ =	shalt  }
0x67: {  	_ =	shalt  }
0x68: {  	_ =	shalt  }
0x69: {  	_ =	shalt  }
0x6a: {  	_ =	shalt  }
0x6b: {  	_ =	shalt  }
0x6c: {  	_ =	shalt  }
0x6d: {  	_ =	shalt  }
0x6e: {  	_ =	shalt  }
0x6f: {  	_ =	shalt  }
0x70: {  	_ =	shalt  }
0x71: {  	_ =	shalt  }
0x72: {  	_ =	shalt  }
0x73: {  	_ =	shalt  }
0x74: {  	_ =	shalt  }
0x75: {  	_ =	shalt  }
0x76: {  	_ =	shalt  }
0x77: {  	_ =	shalt  }
0x78: {  	_ =	shalt  }
0x79: {  	_ =	shalt  }
0x7a: {  	_ =	shalt  }
0x7b: {  	_ =	shalt  }
0x7c: {  	_ =	shalt  }
0x7d: {  	_ =	shalt  }
0x7e: {  	_ =	shalt  }
0x7f: {  	_ =	shalt  }
0x80: {  	_ =	shalt  }
0x81: {  	_ =	shalt  }
0x82: {  	_ =	shalt  }
0x83: {  	_ =	shalt  }
0x84: {  	_ =	shalt  }
0x85: {  	_ =	shalt  }
0x86: {  	_ =	shalt  }
0x87: {  	_ =	shalt  }
.Lfunc_end0:
.L_simem_size_0:
called_computation_lowered:
.L_overlay_start_0:
0x88: {  	s0 =	sld [smem:$0x3FD9]  }
0x89: {  	s1 =	sld [smem:$0x3FFE];
	_ =	sdelay $0x3  }
0x8a: {  	s0 =	sadd.s32 s1, s0  }
0x8b: {  	[smem:$0x3FC4] =	sst s0  }
0x8c: {  	_ = 	snop  }
0x8d: {  	(tm) =	ssettm $0x1  }
0x8e: {  	s15 =	sld [smem:$0x3FFB];
	_ =	sdelay $0x3  }
0x8f: {  	_ =	strace s15  }
0x90: {  	s0 =	sld [smem:$0x3FFC];
	_ =	sdelay $0x3  }
0x91: {  	_ =	strace s0  }
0x92: {  	s0 =	sld [smem:$0x3FFD];
	_ =	sdelay $0x3  }
0x93: {  	_ =	strace s0  }
0x94: {  	_ =	strace $0x8FFFFFFF  }
0x95: {  	s16 =	sld [smem:$0x3FDB];
	_ =	sdelay $0x1  }
0x96: {  	s17 =	simm.s32 $_scs_section_size  }
0x97: {  	s2 =	simm.s32 $_size__tile_overlayer_lowered;
	s3 =	simm.s32 $_tile_overlayer_lowered  }
0x98: {  	s20 =	simm.s32 $0x1BFF;
	s19 =	sshll.u32 s3, $0x1;
	s0 =	sadd.s32 s17, s16  }
0x99: {  	s4 =	simm.s32 $0x0;
	s18 =	sshll.u32 s2, $0x1;
	s2 =	sadd.s32 s19, s0  }
0x9a: {  	[timem:s4], [sflag:s20] =	dma.local [hbm:s2], s18  }
0x9b: {  	_ =	swait.ge [sflag:s20], s18  }
0x9c: {  	s1 =	ssub.s32 $0x0, s18;
	[sflag:s20] =	ssyncset.done $0x0  }
0x9d: {  	[sflag:s20] =	ssyncadd.s32 s1;
	_ =	sdelay $0x1  }
0x9e: {  	s21 =	simm.s32 $0x1B8B  }
0x9f: {  	_ =	swait.ge [sflag:s21], $0x1  }
0xa0: {  	[sflag:s21] =	ssyncset.done $0x0  }
0xa1: {  	s23 =	simm.s32 $0x1B8E;
	s22 =	sld [smem:$0x3FFE];
	[sflag:s21] =	ssyncadd.s32 $0xFFFFFFFF  }
0xa2: {  	s24 =	simm.s32 $execute0_lowered;
	[smem:$0x3FD2] =	sst s23  }
0xa3: {  	s2 =	sshll.u32 s24, $0x1;
	_ =	strace $0x80000046;
	[dreg:$0x1] =	wrdreg $0xFFFFFFFF  }
0xa4: {  	s25 =	simm.s32 $_size_execute0_lowered;
	s0 =	sadd.s32 s0, s2;
	[dreg:$0x0] =	wrdreg $0x0  }
0xa5: {  	s2 =	sshll.u32 s25, $0x1;
	[dreg:$0x2] =	wrdreg s0  }
0xa6: {  	[dreg:$0x3] =	wrdreg s2  }
0xa7: {  	[dreg:$0x4] =	wrdreg $0xC0  }
0xa8: {  	_ =	task [dreg:s4], $0x5FFFF  }
0xa9: {  	[dreg:$0x1] =	wrdreg $0xFFFFFFFF  }
0xaa: {  	[dreg:$0x0] =	wrdreg $0x60  }
0xab: {  	[dreg:$0x2] =	wrdreg s22  }
0xac: {  	[dreg:$0x3] =	wrdreg $0x9  }
0xad: {  	_ =	task.clear_ibuf [dreg:s4], $0x4FFFF;
	_ =	strace $0x90000046  }
0xae: {  	s26 =	simm.s32 $0x9;
	_ =	strace $0x80000048  }
0xaf: {  	_ =	swait.ge [sflag:s26], $0x1  }
0xb0: {  	[sflag:s26] =	ssyncadd.s32 $0xFFFFFFFF  }
0xb1: {  	_ =	strace $0x90000048  }
0xb2: {  	_ =	sfence  }
0xb3: {  	s28 =	sld [smem:$0x0];
	_ =	sdelay $0x1  }
0xb4: {  	s29 =	srdreg.scid  }
0xb5: {  	s30 =	sshll.u32 s29, $0xD;
	s31 =	sshrl.u32 s29, $0x2  }
0xb6: {  	s1 =	sand.u32 $0x1, s29;
	s2 =	sand.u32 $0x4000, s30;
	s0 =	sadd.s32 s31, s28  }
0xb7: {  	s1 =	sor.u32 s2, s1;
	s0 =	sshll.u32 s0, $0x11  }
0xb8: {  	s0 =	sor.u32 s0, s1  }
0xb9: {  	s0 =	sadd.s32 $0x8F2B, s0  }
0xba: {  	[sflag:s0] =	ssyncadd.remote.s32 $0x1  }
0xbb: {  	_ =	sfence.sel $0xFFFF  }
0xbc: {  	[dreg:$0x0] =	wrdreg $0xFFFFFFFF;
	(pc) =	sbr.abs _section_cstart, $3  }
0xbd: {  	[dreg:$0x1] =	wrdreg $0xFFFFFFFF  }
0xbe: {  	_ =	task.clear_ibuf [dreg:s4], $0x2FFFF;
	_ =	strace $0x9FFFFFFF  }
0xbf: {  	(tm) =	ssettm $0x7FFFFFFF  }
tec
execute0_lowered:
.L_overlay_start_1:
0x0: {  	(tag) =	ssettag $0x1  }
0x1: {  	s0 =	stileid.u32  }
0x2: {  	s1 =	smin.u32 s0, $0x9  }
0x3: {  	s1 =	sadd.s32 s0, s1  }
0x4: {  	p0 =	slt.u32 s0, $0x9;
	s2 =	smul.u32 $0x50, s1;
	s1 =	simm.s32 $0xA0  }
0x5: {  	s1 =	simm.s32 @!p0 $0x50  }
0x6: {  	s1 =	sadd.s32 s1, s2  }
0x7: {  	s3 =	smin.u32 s1, $0x7D0  }
0x8: {  	s7 =	ssub.s32 s3, s2  }
0x9: {  	p0 =	sgt.s32 s7, $0x0  }
0xa: {  	s7 =	simm.s32 @!p0 $0x0  }
0xb: {  	s31 =	smul.u32 $0xCCCD, s7  }
0xc: {  	s4 =	rddreg [dreg:$0x0];
	s6 =	simm.s32 $0x1  }
0xd: {  	s10 =	simm.s32 $0x3;
	s13 =	simm.s32 $0x0;
	s8 =	sshrl.u32 s31, $0x16  }
0xe: {  	s12 =	simm.s32 $0x0;
	s5 =	sadd.s32 $0x138A00, s4;
	s9 =	smul.u32 $0x50, s8  }
.Ltmp0:
0xf: {  	s11 =	smov.u32 s2;
	s1 =	rddreg [dreg:$0x1];
	(pc) =	sbr.rel .LBB2_1-.Ltmp0, $4  }
0x10: {  	_ =	strace $0x80000047;
	p0 =	sne.s32 s7, s9;
	s9 =	simm.s32 $0x1  }
0x11: {  	[sflag:s6] =	ssyncpa.u1 $0x0;
	s7 =	simm.s32 $0x2;
	s9 =	simm.s32 @!p0 $0x0  }
0x12: {  	[sflag:s7] =	ssyncpa.u1 $0x0;
	p0 =	por $0x0, $0x0;
	s8 =	sadd.s32 s8, s9  }
0x13: {  	v0 =	vimm.s32 $0x0;
	vm0 =	vmmov $0xff;
	vm1 =	vcmask $0x3F20;
	s9 =	sadd.s32 $0x138800, s4;
	[sflag:s10] =	ssyncpa.u1 $0x0;
	s10 =	sadd.s32 $0x1, s8  }
.LBB2_6:
0x14: {  	[hbm:s17] =	stream.linear.scatter [tilespmem:s14], [sflag:$0x3], $0x400, $0x38;
	[tilespmem:$0x50A0] =	vst v63  }
.LBB2_7:
0x15: {  	s13 =	sadd.s32 $0x50, s11  }
0x16: {  	s15 =	smov.u32 s2;
	p2 =	slt.s32 s13, s3  }
0x17: {  	s15 =	smov.u32 @p2 s13;
	p2 =	sne.s32 s12, s10  }
.Ltmp1:
0x18: {  	p1 =	slt.u32 s12, $0x2;
	(pc) =	sbr.rel @!p2 .LBB2_8-.Ltmp1, $4  }
0x19: {  	s14 =	simm.s32 @!p1 $0x3  }
0x1a: {  	s16 =	sadd.s32 $0x1, s12;
	_ =	swait.ge @!p1 [sflag:s14], $0x2800  }
0x1b: {  	p0 =	por !p0, !p0;
	s13 =	smov.u32 s11;
	[sflag:s14] =	ssyncset.done @!p1 $0x0  }
0x1c: {  	s12 =	smov.u32 s16;
	s11 =	smov.u32 s15;
	[sflag:s14] =	ssyncadd.s32 @!p1 $0xFFFFD800  }
.LBB2_1:
0x1d: {  	p1 =	sge.u32 s12, s8  }
0x1e: {  	s14 =	sxor.u32 @!p1 $0xFFFFFFFF, s12  }
0x1f: {  	s14 =	sand.u32 @!p1 $0x1, s14  }
0x20: {  	s14 =	smul.u32 @!p1 $0x140, s14  }
0x21: {  	s31 =	sadd.s32 $0xFFFFFFFF, s12;
	s15 =	sshrl.u32 @!p1 s11, $0x3  }
0x22: {  	s16 =	sand.u32 @!p1 $0x7, s11;
	s15 =	sadd.s32 @!p1 s9, s15;
	s14 =	sshrl.u32 @!p1 s14, $0x2  }
0x23: {  	[tilespmem:s14], [sflag:$0x2] =	stream.linear.gather @!p1 [hbm4b:s15+s16], $0x50, $0x38;
	[tilespmem:$0x50A0] =	vst v63  }
0x24: {  	p1 =	sge.u32 s31, s8  }
.Ltmp2:
0x25: {  	_ = 	snop;
	(pc) =	sbr.rel @p1 .LBB2_7-.Ltmp2, $1  }
0x26: {  	_ =	sdelay $0x3  }
0x27: {  	s14 =	simm.s32 $0x1  }
0x28: {  	s14 =	simm.s32 @!p0 $0x0  }
0x29: {  	s15 =	smul.u32 $0x140, s14  }
0x2a: {  	_ =	swait.ge [sflag:s7], $0x50  }
0x2b: {  	[sflag:s7] =	ssyncset.done $0x0;
	s16 =	sshrl.u32 s15, $0x2  }
0x2c: {  	[sflag:s7] =	ssyncadd.s32 $0xFFFFFFB0;
	s15 =	sadd.s32 $0x0, s16  }
0x2d: {  	v1 =	vld.msk [tilespmem:s15+$0x0 ss:$0x1], $0xffff;
	_ =	sdelay $0x4  }
0x2e: {  	v2 =	vand.u32 $0x1, v1;
	v3 =	vshll.u32 v1, $0x6  }
0x2f: {  	vm2 =	veq.s32 v1, $0x80000000;
	vm3 =	veq.s32 v2, $0x1;
	v1 =	vand.u32 $0x3FFF80, v3  }
0x30: {  	v2 =	vsel vm3, $0x271000, v0;
	v1 =	vsel vm2, $0xFFFFFF80, v1  }
0x31: {  	v2 =	vsel vm2, $0xFFD8F000, v2;
	v3 =	vand.u32 $0xFFFFFC00, v1  }
0x32: {  	v1 =	vand.u32 $0x380, v1;
	v2 =	vadd.s32 v2, v3  }
0x33: {  	v1 =	vor.u32 v1, v2  }
0x34: {  	v1 =	vshrl.u32 v1, $0x3  }
0x35: {  	s14 =	smul.u32 $0xA000, s14;
	_ =	sdelay $0x1  }
0x36: {  	s14 =	sshrl.u32 s14, $0x2  }
0x37: {  	s14 =	sor.u32 $0xA0, s14  }
0x38: {  	[tilespmem:s14], [sflag:$0x1] =	stream.indirect_vreg.gather [hbm:s5], $0x80, v1, vm0, $0x38;
	[tilespmem:$0x50A0] =	vst v63  }
0x39: {  	s17 =	sadd.s32 $0x10, s16;
	s15 =	sadd.s32 $0x400, s14  }
0x3a: {  	[tilespmem:s15], [sflag:$0x1] =	stream.indirect_vreg.gather [hbm:s5], $0x80, v1, vm1, $0x38;
	[tilespmem:$0x50A0] =	vst v63  }
0x3b: {  	s18 =	simm.s32 $0x80;
	v1 =	vld.msk [tilespmem:s17+$0x0 ss:$0x1], $0xffff;
	s17 =	smov.u32 s14  }
.LBB2_3:
0x3c: {  	p1 =	sne.s32 s18, $0x100;
	_ =	sdelay $0x4  }
0x3d: {  	v2 =	vand.u32 $0x1, v1;
	v3 =	vshll.u32 v1, $0x6  }
0x3e: {  	vm2 =	veq.s32 v1, $0x80000000;
	vm3 =	veq.s32 v2, $0x1;
	v1 =	vand.u32 $0x3FFF80, v3  }
0x3f: {  	v2 =	vsel vm3, $0x271000, v0;
	v1 =	vsel vm2, $0xFFFFFF80, v1  }
0x40: {  	v2 =	vsel vm2, $0xFFD8F000, v2;
	v3 =	vand.u32 $0xFFFFFC00, v1  }
0x41: {  	v1 =	vand.u32 $0x380, v1;
	v2 =	vadd.s32 v2, v3  }
0x42: {  	v1 =	vor.u32 v1, v2  }
0x43: {  	v1 =	vshrl.u32 v1, $0x3;
	_ =	sdelay $0x3  }
.Ltmp3:
0x44: {  	s19 =	sshra.s32 s18, $0x2;
	s17 =	sadd.s32 $0x800, s17;
	(pc) =	sbr.rel @p1 .LBB2_3-.Ltmp3, $4  }
0x45: {  	[tilespmem:s17], [sflag:$0x1] =	stream.indirect_vreg.gather [hbm:s5], $0x80, v1, vm0, $0x38;
	[tilespmem:$0x50A0] =	vst v63  }
0x46: {  	s19 =	sadd.s32 s19, s16;
	s20 =	sadd.s32 $0x400, s17  }
0x47: {  	[tilespmem:s20], [sflag:$0x1] =	stream.indirect_vreg.gather [hbm:s5], $0x80, v1, vm1, $0x38;
	[tilespmem:$0x50A0] =	vst v63  }
0x48: {  	s18 =	sadd.s32 $0x40, s18;
	v1 =	vld.msk [tilespmem:s19+$0x0 ss:$0x1], $0xffff  }
0x49: {  	_ =	sdelay $0x3  }
0x4a: {  	v2 =	vand.u32 $0x1, v1;
	v3 =	vshll.u32 v1, $0x6  }
0x4b: {  	vm2 =	veq.s32 v1, $0x80000000;
	vm3 =	veq.s32 v2, $0x1;
	v1 =	vand.u32 $0x3FFF80, v3  }
0x4c: {  	v2 =	vsel vm3, $0x271000, v0;
	v1 =	vsel vm2, $0xFFFFFF80, v1  }
0x4d: {  	v2 =	vsel vm2, $0xFFD8F000, v2;
	v3 =	vand.u32 $0xFFFFFC00, v1  }
0x4e: {  	v1 =	vand.u32 $0x380, v1;
	v2 =	vadd.s32 v2, v3  }
0x4f: {  	v1 =	vor.u32 v1, v2  }
0x50: {  	v1 =	vshrl.u32 v1, $0x3;
	_ =	sdelay $0x3  }
0x51: {  	s16 =	sadd.s32 $0x800, s17  }
0x52: {  	[tilespmem:s16], [sflag:$0x1] =	stream.indirect_vreg.gather [hbm:s5], $0x80, v1, vm0, $0x38;
	[tilespmem:$0x50A0] =	vst v63  }
0x53: {  	s16 =	sadd.s32 $0x400, s16  }
0x54: {  	[tilespmem:s16], [sflag:$0x1] =	stream.indirect_vreg.gather [hbm:s5], $0x80, v1, vm1, $0x38;
	[tilespmem:$0x50A0] =	vst v63  }
0x55: {  	s13 =	sshll.u32 s13, $0x4;
	_ =	swait.ge [sflag:s6], $0x2800  }
0x56: {  	s13 =	sadd.s32 s13, s4;
	[sflag:s6] =	ssyncset.done $0x0  }
0x57: {  	s17 =	sadd.s32 $0x0, s13;
	s16 =	simm.s32 $0x80;
	[sflag:s6] =	ssyncadd.s32 $0xFFFFD800  }
.LBB2_5:
0x58: {  	[hbm:s17] =	stream.linear.scatter [tilespmem:s14], [sflag:$0x3], $0x400, $0x38;
	[tilespmem:$0x50A0] =	vst v63  }
0x59: {  	s17 =	smov.u32 s16;
	s14 =	smov.u32 s15;
	p1 =	sne.s32 s16, $0x480  }
.Ltmp4:
0x5a: {  	s16 =	sadd.s32 $0x80, s16;
	(pc) =	sbr.rel @p1 .LBB2_5-.Ltmp4, $2  }
0x5b: {  	_ =	sdelay $0x2  }
0x5c: {  	s15 =	sadd.s32 $0x400, s15;
	s17 =	sadd.s32 s17, s13  }
.Ltmp5:
0x5d: {  	_ = 	snop;
	(pc) =	sbr.rel .LBB2_6-.Ltmp5, $1  }
0x5e: {  	_ =	sdelay $0x3  }
.LBB2_8:
0x5f: {  	_ =	sfence.sel $0x180000  }
0x60: {  	s2 =	simm.s32 $0x2;
	[bflag:$0x0] =	sbarrier.arrive $0xFFFF  }
0x61: {  	s30 =	simm.s32 $0x3;
	[sflag:s2] =	ssyncpa.u1 $0x1  }
0x62: {  	s31 =	simm.s32 $0x1;
	[sflag:s30] =	ssyncpa.u1 $0x1  }
0x63: {  	[sflag:s31] =	ssyncpa.u1 $0x1  }
0x64: {  	p0 =	sne.s32 s0, $0x0;
	_ =	strace $0x90000047  }
0x65: {  	s0 =	sadd.s32 @!p0 $0x100000, s1;
	[bflag:$0x2] =	sbarrier.arrive $0xFFFF  }
0x66: {  	[sflag:s0] =	ssyncadd.tile.s32 @!p0 $0x1;
	_ =	shalt  }
.Lfunc_end2:
_tile_overlayer_lowered:
.L_overlay_start_2:
0x67: {  	(tag) =	ssettag $0x2  }
0x68: {  	s0 =	rddreg [dreg:$0x0];
	s2 =	stileid.u32  }
0x69: {  	s1 =	rddreg [dreg:$0x1];
	p0 =	sne.s32 s2, $0x0  }
0x6a: {  	s3 =	rddreg [dreg:$0x2];
	[bflag:$0x3] =	sbarrier.arrive $0xFFFF;
	s2 =	simm.s32 @!p0 $0x1C01  }
0x6b: {  	[timem:s3], [sflag:s2] =	dma.local @!p0 [hbm:s0], s1  }
0x6c: {  	s0 =	simm.s32 @!p0 $0x1  }
0x6d: {  	_ =	swait.ge @!p0 [sflag:s0], s1  }
0x6e: {  	s1 =	ssub.s32 @!p0 $0x0, s1;
	[sflag:s0] =	ssyncset.done @!p0 $0x0  }
0x6f: {  	[sflag:s0] =	ssyncadd.s32 @!p0 s1  }
0x70: {  	[bflag:$0x3] =	sbarrier.arrive $0xFFFF  }
0x71: {  	_ =	shalt  }

</sc_bundles>
